<compile_context>
chip_gen: v7x
topology: tpu7x:2x2x1
jax: 0.10.2.dev20260603
libtpu: 0.0.44.dev20260713+nightly
codegen_flags: <defaults>
</compile_context>

<pallas_src>
import functools

import jax
import jax.numpy as jnp
from jax import lax
from jax.experimental import pallas as pl
from jax.experimental.pallas import tpu as pltpu
from jax.experimental.pallas import tpu_sc as plsc

N, DEG, D = 10000, 16, 256
L = 16
CHUNKS = D // L
NB = 8
NUM_BATCHES = N // NB
NW = 32


def _tree_reduce_chunk(xslot, ovslot, it):
    n = it // CHUNKS
    col = (it % CHUNKS) * L
    vs = [xslot[n, i, pl.ds(col, L)] for i in range(DEG)]
    ms = vs
    while len(vs) > 1:
        vs = [vs[k] + vs[k + 1] for k in range(0, len(vs), 2)]
        ms = [jnp.maximum(ms[k], ms[k + 1]) for k in range(0, len(ms), 2)]
    ovslot[n, pl.ds(col, L)] = vs[0] * (1.0 / DEG)
    ovslot[n, pl.ds(D + col, L)] = ms[0]


def _kernel_body(x_hbm, out_hbm, xv0, xv1, xv2, ov0, ov1, ov2,
                 is0, is1, is2, os0, os1, os2):
    wid = lax.axis_index("s") * 2 + lax.axis_index("c")
    nbat = (NUM_BATCHES - wid + NW - 1) // NW
    ntrip = nbat // 3
    rem = nbat - 3 * ntrip

    slots = ((xv0, ov0, is0, os0), (xv1, ov1, is1, os1), (xv2, ov2, is2, os2))

    def base(t):
        return (wid + t * NW) * NB

    def start_in(t, xslot, sem):
        pltpu.async_copy(x_hbm.at[pl.ds(base(t), NB)], xslot, sem)

    def wait_in(xslot, sem):
        pltpu.make_async_copy(x_hbm.at[pl.ds(0, NB)], xslot, sem).wait()

    def start_out(t, ovslot, sem):
        pltpu.async_copy(ovslot, out_hbm.at[pl.ds(base(t), NB)], sem)

    def wait_out(ovslot, sem):
        pltpu.make_async_copy(ovslot, out_hbm.at[pl.ds(0, NB)], sem).wait()

    def process(t, p, xs, ovs, isem, osem):
        wait_in(xs, isem)

        @pl.when(p > 0)
        def _():
            wait_out(ovs, osem)

        @plsc.parallel_loop(0, NB * CHUNKS, 1, unroll=2)
        def _(it):
            _tree_reduce_chunk(xs, ovs, it)

        @pl.when(t + 3 < nbat)
        def _():
            start_in(t + 3, xs, isem)

        start_out(t, ovs, osem)

    start_in(0, xv0, is0)
    start_in(1, xv1, is1)
    start_in(2, xv2, is2)

    def trip_body(p, _):
        for k, (xs, ovs, isem, osem) in enumerate(slots):
            process(3 * p + k, p, xs, ovs, isem, osem)
        return 0

    lax.fori_loop(0, ntrip, trip_body, 0)

    @pl.when(rem >= 1)
    def _():
        process(3 * ntrip, ntrip, xv0, ov0, is0, os0)

    @pl.when(rem >= 2)
    def _():
        process(3 * ntrip + 1, ntrip, xv1, ov1, is1, os1)

    wait_out(ov0, os0)
    wait_out(ov1, os1)
    wait_out(ov2, os2)


@functools.cache
def _build():
    mesh = plsc.VectorSubcoreMesh(core_axis_name="c", subcore_axis_name="s")
    return pl.kernel(
        _kernel_body,
        out_type=jax.ShapeDtypeStruct((N, 2 * D), jnp.float32),
        mesh=mesh,
        scratch_types=[
            pltpu.VMEM((NB, DEG, D), jnp.float32),
            pltpu.VMEM((NB, DEG, D), jnp.float32),
            pltpu.VMEM((NB, DEG, D), jnp.float32),
            pltpu.VMEM((NB, 2 * D), jnp.float32),
            pltpu.VMEM((NB, 2 * D), jnp.float32),
            pltpu.VMEM((NB, 2 * D), jnp.float32),
            pltpu.SemaphoreType.DMA,
            pltpu.SemaphoreType.DMA,
            pltpu.SemaphoreType.DMA,
            pltpu.SemaphoreType.DMA,
            pltpu.SemaphoreType.DMA,
            pltpu.SemaphoreType.DMA,
        ],
    )


def kernel(feat_dist):
    return _build()(feat_dist)

# --- scband reference (transcript-rebuilt; emitter-appended) ---
"""Pipeline reference for scband-mean-max-aggregation-31044023615650 (READ-ONLY COPY).

The authoritative reference and input builder live on the scoring server;
editing this copy changes nothing except your own understanding.
"""

import jax, jax.numpy as jnp
import numpy as np


def setup_inputs(seed: int = 0) -> dict:
    key = jax.random.key(seed)
    feat_dist = jax.random.normal(key, (10000, 16, 256), dtype=jnp.float32)
    return {"feat_dist": feat_dist}


def reference(feat_dist):
    # DGL reduce function: nodes.mailbox['feat_dist'] has shape [N, deg, d].
    # mean over the neighbor (mailbox) dimension and max over it, concatenated.
    mean_agg = jnp.mean(feat_dist, axis=1)
    max_agg = jnp.max(feat_dist, axis=1)
    out = jnp.concatenate([mean_agg, max_agg], axis=-1)
    return out

if __name__ == "__main__":
    import jax
    _d = setup_inputs()
    print(jax.jit(kernel)(*tuple(_d.values())))

</pallas_src>

<mosaic_0001>
#map = affine_map<(d0, d1) -> (0, 0, 0)>
#map1 = affine_map<(d0, d1) -> (0, 0)>
module attributes {stable_mosaic.version = 14 : i64} {
  func.func @_kernel_body(%arg0: i32, %arg1: i32, %arg2: memref<10000x16x256xf32, #tpu.memory_space<hbm>>, %arg3: memref<10000x512xf32, #tpu.memory_space<hbm>>, %arg4: memref<8x16x256xf32, #tpu.memory_space<vmem>>, %arg5: memref<8x16x256xf32, #tpu.memory_space<vmem>>, %arg6: memref<8x16x256xf32, #tpu.memory_space<vmem>>, %arg7: memref<8x512xf32, #tpu.memory_space<vmem>>, %arg8: memref<8x512xf32, #tpu.memory_space<vmem>>, %arg9: memref<8x512xf32, #tpu.memory_space<vmem>>, %arg10: memref<!tpu.dma_semaphore, #tpu.memory_space<semaphore_mem>>, %arg11: memref<!tpu.dma_semaphore, #tpu.memory_space<semaphore_mem>>, %arg12: memref<!tpu.dma_semaphore, #tpu.memory_space<semaphore_mem>>, %arg13: memref<!tpu.dma_semaphore, #tpu.memory_space<semaphore_mem>>, %arg14: memref<!tpu.dma_semaphore, #tpu.memory_space<semaphore_mem>>, %arg15: memref<!tpu.dma_semaphore, #tpu.memory_space<semaphore_mem>>) attributes {dimension_semantics = [#tpu.dimension_semantics<core_parallel>, #tpu.dimension_semantics<subcore_parallel>], iteration_bounds = array<i64: 2, 16>, scalar_prefetch = 0 : i64, scratch_operands = 12 : i64, tpu.core_type = #tpu.core_type<sc_vector_subcore>, window_params = [{transform_indices = #map}, {transform_indices = #map1}]} {
    %mul3A = arith.constant 2 : i32
    %mul3A_0 = arith.muli %arg1, %mul3A : i32
    %add3A = arith.addi %mul3A_0, %arg0 : i32
    %sub3A = arith.constant 1250 : i32
    %sub3A_1 = arith.subi %sub3A, %add3A : i32
    %add3A_2 = arith.constant 32 : i32
    %add3A_3 = arith.addi %sub3A_1, %add3A_2 : i32
    %sub3A_4 = arith.constant 1 : i32
    %sub3A_5 = arith.subi %add3A_3, %sub3A_4 : i32
    %jit3A = arith.constant 32 : i32
    %div3A = arith.divsi %sub3A_5, %jit3A : i32
    %sign3A = arith.constant 0 : i32
    %sign3A_6 = arith.cmpi sgt, %sub3A_5, %sign3A : i32
    %sign3A_7 = arith.extui %sign3A_6 : i1 to i32
    %sign3A_8 = arith.constant 0 : i32
    %sign3A_9 = arith.cmpi slt, %sub3A_5, %sign3A_8 : i32
    %sign3A_10 = arith.extui %sign3A_9 : i1 to i32
    %sign3A_11 = arith.subi %sign3A_7, %sign3A_10 : i32
    %sign3A_12 = arith.constant 0 : i32
    %sign3A_13 = arith.cmpi sgt, %jit3A, %sign3A_12 : i32
    %sign3A_14 = arith.extui %sign3A_13 : i1 to i32
    %sign3A_15 = arith.constant 0 : i32
    %sign3A_16 = arith.cmpi slt, %jit3A, %sign3A_15 : i32
    %sign3A_17 = arith.extui %sign3A_16 : i1 to i32
    %sign3A_18 = arith.subi %sign3A_14, %sign3A_17 : i32
    %ne3A = arith.cmpi ne, %sign3A_11, %sign3A_18 : i32
    %rem3A = arith.remsi %sub3A_5, %jit3A : i32
    %ne3A_19 = arith.constant 0 : i32
    %ne3A_20 = arith.cmpi ne, %rem3A, %ne3A_19 : i32
    %and3A = arith.andi %ne3A, %ne3A_20 : i1
    %sub3A_21 = arith.constant 1 : i32
    %sub3A_22 = arith.subi %div3A, %sub3A_21 : i32
    %select_n3A = arith.select %and3A, %sub3A_22, %div3A : i32
    %jit3A_23 = arith.constant 3 : i32
    %div3A_24 = arith.divsi %select_n3A, %jit3A_23 : i32
    %sign3A_25 = arith.constant 0 : i32
    %sign3A_26 = arith.cmpi sgt, %select_n3A, %sign3A_25 : i32
    %sign3A_27 = arith.extui %sign3A_26 : i1 to i32
    %sign3A_28 = arith.constant 0 : i32
    %sign3A_29 = arith.cmpi slt, %select_n3A, %sign3A_28 : i32
    %sign3A_30 = arith.extui %sign3A_29 : i1 to i32
    %sign3A_31 = arith.subi %sign3A_27, %sign3A_30 : i32
    %sign3A_32 = arith.constant 0 : i32
    %sign3A_33 = arith.cmpi sgt, %jit3A_23, %sign3A_32 : i32
    %sign3A_34 = arith.extui %sign3A_33 : i1 to i32
    %sign3A_35 = arith.constant 0 : i32
    %sign3A_36 = arith.cmpi slt, %jit3A_23, %sign3A_35 : i32
    %sign3A_37 = arith.extui %sign3A_36 : i1 to i32
    %sign3A_38 = arith.subi %sign3A_34, %sign3A_37 : i32
    %ne3A_39 = arith.cmpi ne, %sign3A_31, %sign3A_38 : i32
    %rem3A_40 = arith.remsi %select_n3A, %jit3A_23 : i32
    %ne3A_41 = arith.constant 0 : i32
    %ne3A_42 = arith.cmpi ne, %rem3A_40, %ne3A_41 : i32
    %and3A_43 = arith.andi %ne3A_39, %ne3A_42 : i1
    %sub3A_44 = arith.constant 1 : i32
    %sub3A_45 = arith.subi %div3A_24, %sub3A_44 : i32
    %select_n3A_46 = arith.select %and3A_43, %sub3A_45, %div3A_24 : i32
    %mul3A_47 = arith.constant 3 : i32
    %mul3A_48 = arith.muli %mul3A_47, %select_n3A_46 : i32
    %sub3A_49 = arith.subi %select_n3A, %mul3A_48 : i32
    %add3A_50 = arith.constant 0 : i32
    %add3A_51 = arith.addi %add3A, %add3A_50 : i32
    %mul3A_52 = arith.constant 8 : i32
    %mul3A_53 = arith.muli %add3A_51, %mul3A_52 : i32
    %dma_start3A = arith.constant 0 : i32
    %dma_start3A_54 = arith.constant 0 : i32
    %dma_start3A_55 = tpu.memref_slice %arg2[%mul3A_53, %dma_start3A, %dma_start3A_54] : memref<10000x16x256xf32, #tpu.memory_space<hbm>> -> memref<8x16x256xf32, #tpu.memory_space<hbm>>
    %dma_start3A_56 = arith.constant 0 : i32
    %dma_start3A_57 = arith.constant 0 : i32
    %dma_start3A_58 = tpu.memref_slice %arg2[%mul3A_53, %dma_start3A_56, %dma_start3A_57] : memref<10000x16x256xf32, #tpu.memory_space<hbm>> -> memref<8x16x256xf32, #tpu.memory_space<hbm>>
    tpu.enqueue_dma source(%dma_start3A_58 : memref<8x16x256xf32, #tpu.memory_space<hbm>>) target(%arg4 : memref<8x16x256xf32, #tpu.memory_space<vmem>>) target_semaphore(%arg10 : memref<!tpu.dma_semaphore, #tpu.memory_space<semaphore_mem>>)
    %add3A_59 = arith.constant 32 : i32
    %add3A_60 = arith.addi %add3A, %add3A_59 : i32
    %mul3A_61 = arith.constant 8 : i32
    %mul3A_62 = arith.muli %add3A_60, %mul3A_61 : i32
    %dma_start3A_63 = arith.constant 0 : i32
    %dma_start3A_64 = arith.constant 0 : i32
    %dma_start3A_65 = tpu.memref_slice %arg2[%mul3A_62, %dma_start3A_63, %dma_start3A_64] : memref<10000x16x256xf32, #tpu.memory_space<hbm>> -> memref<8x16x256xf32, #tpu.memory_space<hbm>>
    %dma_start3A_66 = arith.constant 0 : i32
    %dma_start3A_67 = arith.constant 0 : i32
    %dma_start3A_68 = tpu.memref_slice %arg2[%mul3A_62, %dma_start3A_66, %dma_start3A_67] : memref<10000x16x256xf32, #tpu.memory_space<hbm>> -> memref<8x16x256xf32, #tpu.memory_space<hbm>>
    tpu.enqueue_dma source(%dma_start3A_68 : memref<8x16x256xf32, #tpu.memory_space<hbm>>) target(%arg5 : memref<8x16x256xf32, #tpu.memory_space<vmem>>) target_semaphore(%arg11 : memref<!tpu.dma_semaphore, #tpu.memory_space<semaphore_mem>>)
    %add3A_69 = arith.constant 64 : i32
    %add3A_70 = arith.addi %add3A, %add3A_69 : i32
    %mul3A_71 = arith.constant 8 : i32
    %mul3A_72 = arith.muli %add3A_70, %mul3A_71 : i32
    %dma_start3A_73 = arith.constant 0 : i32
    %dma_start3A_74 = arith.constant 0 : i32
    %dma_start3A_75 = tpu.memref_slice %arg2[%mul3A_72, %dma_start3A_73, %dma_start3A_74] : memref<10000x16x256xf32, #tpu.memory_space<hbm>> -> memref<8x16x256xf32, #tpu.memory_space<hbm>>
    %dma_start3A_76 = arith.constant 0 : i32
    %dma_start3A_77 = arith.constant 0 : i32
    %dma_start3A_78 = tpu.memref_slice %arg2[%mul3A_72, %dma_start3A_76, %dma_start3A_77] : memref<10000x16x256xf32, #tpu.memory_space<hbm>> -> memref<8x16x256xf32, #tpu.memory_space<hbm>>
    tpu.enqueue_dma source(%dma_start3A_78 : memref<8x16x256xf32, #tpu.memory_space<hbm>>) target(%arg6 : memref<8x16x256xf32, #tpu.memory_space<vmem>>) target_semaphore(%arg12 : memref<!tpu.dma_semaphore, #tpu.memory_space<semaphore_mem>>)
    %while3A = arith.constant 0 : i32
    %while3A_79 = arith.constant 0 : i32
    %while3A_80 = arith.subi %select_n3A_46, %while3A : i32
    %while3A_81 = arith.addi %while3A, %while3A_80 : i32
    %while3A_82 = arith.constant 1 : i32
    %while3A_83 = arith.divsi %while3A_80, %while3A_82 : i32
    %while3A_84 = arith.muli %while3A_83, %while3A_82 : i32
    %while3A_85 = arith.addi %while3A, %while3A_84 : i32
    %while3A_86 = arith.constant 1 : i32
    %while3A_87 = scf.for %while3A_114 = %while3A to %while3A_85 step %while3A_86 iter_args(%while3A_115 = %while3A_79) -> (i32)  : i32 {
      %mul3A_116 = arith.constant 3 : i32
      %mul3A_117 = arith.muli %mul3A_116, %while3A_114 : i32
      %add3A_118 = arith.constant 0 : i32
      %add3A_119 = arith.addi %mul3A_117, %add3A_118 : i32
      %dma_wait3A_120 = arith.constant 0 : i32
      %dma_wait3A_121 = arith.constant 0 : i32
      %dma_wait3A_122 = arith.constant 0 : i32
      %dma_wait3A_123 = tpu.memref_slice %arg2[%dma_wait3A_120, %dma_wait3A_121, %dma_wait3A_122] : memref<10000x16x256xf32, #tpu.memory_space<hbm>> -> memref<8x16x256xf32, #tpu.memory_space<hbm>>
      %dma_wait3A_124 = arith.constant 0 : i32
      %dma_wait3A_125 = arith.constant 0 : i32
      %dma_wait3A_126 = arith.constant 0 : i32
      %dma_wait3A_127 = tpu.memref_slice %arg2[%dma_wait3A_124, %dma_wait3A_125, %dma_wait3A_126] : memref<10000x16x256xf32, #tpu.memory_space<hbm>> -> memref<8x16x256xf32, #tpu.memory_space<hbm>>
      tpu.wait_dma2 semaphore(%arg10 : memref<!tpu.dma_semaphore, #tpu.memory_space<semaphore_mem>>) src(%dma_wait3A_127 : memref<8x16x256xf32, #tpu.memory_space<hbm>>) dst(%arg4 : memref<8x16x256xf32, #tpu.memory_space<vmem>>)
      %gt3A = arith.constant 0 : i32
      %gt3A_128 = arith.cmpi sgt, %while3A_114, %gt3A : i32
      %convert_element_type3A_129 = arith.extui %gt3A_128 : i1 to i32
      %cond3A_130 = arith.constant 0 : i32
      %cond3A_131 = arith.cmpi ne, %convert_element_type3A_129, %cond3A_130 : i32
      scf.if %cond3A_131 {
        %dma_wait3A_219 = arith.constant 0 : i32
        %dma_wait3A_220 = arith.constant 0 : i32
        %dma_wait3A_221 = tpu.memref_slice %arg3[%dma_wait3A_219, %dma_wait3A_220] : memref<10000x512xf32, #tpu.memory_space<hbm>> -> memref<8x512xf32, #tpu.memory_space<hbm>>
        %dma_wait3A_222 = arith.constant 0 : i32
        %dma_wait3A_223 = arith.constant 0 : i32
        %dma_wait3A_224 = tpu.memref_slice %arg3[%dma_wait3A_222, %dma_wait3A_223] : memref<10000x512xf32, #tpu.memory_space<hbm>> -> memref<8x512xf32, #tpu.memory_space<hbm>>
        tpu.wait_dma2 semaphore(%arg13 : memref<!tpu.dma_semaphore, #tpu.memory_space<semaphore_mem>>) src(%arg7 : memref<8x512xf32, #tpu.memory_space<vmem>>) dst(%dma_wait3A_224 : memref<8x512xf32, #tpu.memory_space<hbm>>)
      } else {
      }
      %parallel_loop3A = arith.constant 0 : i32
      %parallel_loop3A_132 = arith.constant 128 : i32
      %parallel_loop3A_133 = arith.constant 1 : i32
      scf.for %parallel_loop3A_219 = %parallel_loop3A to %parallel_loop3A_132 step %parallel_loop3A_133  : i32 {
        %parallel_loop3A_220 = arith.constant 16 : i32
        %parallel_loop3A_221 = arith.divsi %parallel_loop3A_219, %parallel_loop3A_220 : i32
        %parallel_loop3A_222 = arith.constant 0 : i32
        %parallel_loop3A_223 = arith.cmpi sgt, %parallel_loop3A_219, %parallel_loop3A_222 : i32
        %parallel_loop3A_224 = arith.extui %parallel_loop3A_223 : i1 to i32
        %parallel_loop3A_225 = arith.constant 0 : i32
        %parallel_loop3A_226 = arith.cmpi slt, %parallel_loop3A_219, %parallel_loop3A_225 : i32
        %parallel_loop3A_227 = arith.extui %parallel_loop3A_226 : i1 to i32
        %parallel_loop3A_228 = arith.subi %parallel_loop3A_224, %parallel_loop3A_227 : i32
        %parallel_loop3A_229 = arith.constant 0 : i32
        %parallel_loop3A_230 = arith.cmpi sgt, %parallel_loop3A_220, %parallel_loop3A_229 : i32
        %parallel_loop3A_231 = arith.extui %parallel_loop3A_230 : i1 to i32
        %parallel_loop3A_232 = arith.constant 0 : i32
        %parallel_loop3A_233 = arith.cmpi slt, %parallel_loop3A_220, %parallel_loop3A_232 : i32
        %parallel_loop3A_234 = arith.extui %parallel_loop3A_233 : i1 to i32
        %parallel_loop3A_235 = arith.subi %parallel_loop3A_231, %parallel_loop3A_234 : i32
        %parallel_loop3A_236 = arith.cmpi ne, %parallel_loop3A_228, %parallel_loop3A_235 : i32
        %parallel_loop3A_237 = arith.remsi %parallel_loop3A_219, %parallel_loop3A_220 : i32
        %parallel_loop3A_238 = arith.constant 0 : i32
        %parallel_loop3A_239 = arith.cmpi ne, %parallel_loop3A_237, %parallel_loop3A_238 : i32
        %parallel_loop3A_240 = arith.andi %parallel_loop3A_236, %parallel_loop3A_239 : i1
        %parallel_loop3A_241 = arith.constant 1 : i32
        %parallel_loop3A_242 = arith.subi %parallel_loop3A_221, %parallel_loop3A_241 : i32
        %parallel_loop3A_243 = arith.select %parallel_loop3A_240, %parallel_loop3A_242, %parallel_loop3A_221 : i32
        %parallel_loop3A_244 = arith.constant 16 : i32
        %parallel_loop3A_245 = arith.constant 0 : i32
        %parallel_loop3A_246 = arith.cmpi eq, %parallel_loop3A_244, %parallel_loop3A_245 : i32
        %parallel_loop3A_247 = arith.constant 1 : i32
        %parallel_loop3A_248 = arith.select %parallel_loop3A_246, %parallel_loop3A_247, %parallel_loop3A_244 : i32
        %parallel_loop3A_249 = arith.remsi %parallel_loop3A_219, %parallel_loop3A_248 : i32
        %parallel_loop3A_250 = arith.constant 0 : i32
        %parallel_loop3A_251 = arith.cmpi ne, %parallel_loop3A_249, %parallel_loop3A_250 : i32
        %parallel_loop3A_252 = arith.constant 0 : i32
        %parallel_loop3A_253 = arith.cmpi slt, %parallel_loop3A_249, %parallel_loop3A_252 : i32
        %parallel_loop3A_254 = arith.constant 0 : i32
        %parallel_loop3A_255 = arith.cmpi slt, %parallel_loop3A_248, %parallel_loop3A_254 : i32
        %parallel_loop3A_256 = arith.xori %parallel_loop3A_253, %parallel_loop3A_255 : i1
        %parallel_loop3A_257 = arith.andi %parallel_loop3A_256, %parallel_loop3A_251 : i1
        %parallel_loop3A_258 = arith.addi %parallel_loop3A_249, %parallel_loop3A_248 : i32
        %parallel_loop3A_259 = arith.select %parallel_loop3A_257, %parallel_loop3A_258, %parallel_loop3A_249 : i32
        %parallel_loop3A_260 = arith.constant 16 : i32
        %parallel_loop3A_261 = arith.muli %parallel_loop3A_259, %parallel_loop3A_260 : i32
        %parallel_loop3A_262 = arith.constant 0 : i32
        %parallel_loop3A_263 = arith.index_cast %parallel_loop3A_243 : i32 to index
        %parallel_loop3A_264 = arith.index_cast %parallel_loop3A_262 : i32 to index
        %parallel_loop3A_265 = arith.index_cast %parallel_loop3A_261 : i32 to index
        %parallel_loop3A_266 = tpu.vector_load %arg4[%parallel_loop3A_263, %parallel_loop3A_264, %parallel_loop3A_265] {strides = array<i32>} : memref<8x16x256xf32, #tpu.memory_space<vmem>>, vector<1x1x16xf32>,
        %parallel_loop3A_267 = vector.shape_cast %parallel_loop3A_266 : vector<1x1x16xf32> to vector<16xf32>
        %parallel_loop3A_268 = arith.constant 1 : i32
        %parallel_loop3A_269 = arith.index_cast %parallel_loop3A_243 : i32 to index
        %parallel_loop3A_270 = arith.index_cast %parallel_loop3A_268 : i32 to index
        %parallel_loop3A_271 = arith.index_cast %parallel_loop3A_261 : i32 to index
        %parallel_loop3A_272 = tpu.vector_load %arg4[%parallel_loop3A_269, %parallel_loop3A_270, %parallel_loop3A_271] {strides = array<i32>} : memref<8x16x256xf32, #tpu.memory_space<vmem>>, vector<1x1x16xf32>,
        %parallel_loop3A_273 = vector.shape_cast %parallel_loop3A_272 : vector<1x1x16xf32> to vector<16xf32>
        %parallel_loop3A_274 = arith.constant 2 : i32
        %parallel_loop3A_275 = arith.index_cast %parallel_loop3A_243 : i32 to index
        %parallel_loop3A_276 = arith.index_cast %parallel_loop3A_274 : i32 to index
        %parallel_loop3A_277 = arith.index_cast %parallel_loop3A_261 : i32 to index
        %parallel_loop3A_278 = tpu.vector_load %arg4[%parallel_loop3A_275, %parallel_loop3A_276, %parallel_loop3A_277] {strides = array<i32>} : memref<8x16x256xf32, #tpu.memory_space<vmem>>, vector<1x1x16xf32>,
        %parallel_loop3A_279 = vector.shape_cast %parallel_loop3A_278 : vector<1x1x16xf32> to vector<16xf32>
        %parallel_loop3A_280 = arith.constant 3 : i32
        %parallel_loop3A_281 = arith.index_cast %parallel_loop3A_243 : i32 to index
        %parallel_loop3A_282 = arith.index_cast %parallel_loop3A_280 : i32 to index
        %parallel_loop3A_283 = arith.index_cast %parallel_loop3A_261 : i32 to index
        %parallel_loop3A_284 = tpu.vector_load %arg4[%parallel_loop3A_281, %parallel_loop3A_282, %parallel_loop3A_283] {strides = array<i32>} : memref<8x16x256xf32, #tpu.memory_space<vmem>>, vector<1x1x16xf32>,
        %parallel_loop3A_285 = vector.shape_cast %parallel_loop3A_284 : vector<1x1x16xf32> to vector<16xf32>
        %parallel_loop3A_286 = arith.constant 4 : i32
        %parallel_loop3A_287 = arith.index_cast %parallel_loop3A_243 : i32 to index
        %parallel_loop3A_288 = arith.index_cast %parallel_loop3A_286 : i32 to index
        %parallel_loop3A_289 = arith.index_cast %parallel_loop3A_261 : i32 to index
        %parallel_loop3A_290 = tpu.vector_load %arg4[%parallel_loop3A_287, %parallel_loop3A_288, %parallel_loop3A_289] {strides = array<i32>} : memref<8x16x256xf32, #tpu.memory_space<vmem>>, vector<1x1x16xf32>,
        %parallel_loop3A_291 = vector.shape_cast %parallel_loop3A_290 : vector<1x1x16xf32> to vector<16xf32>
        %parallel_loop3A_292 = arith.constant 5 : i32
        %parallel_loop3A_293 = arith.index_cast %parallel_loop3A_243 : i32 to index
        %parallel_loop3A_294 = arith.index_cast %parallel_loop3A_292 : i32 to index
        %parallel_loop3A_295 = arith.index_cast %parallel_loop3A_261 : i32 to index
        %parallel_loop3A_296 = tpu.vector_load %arg4[%parallel_loop3A_293, %parallel_loop3A_294, %parallel_loop3A_295] {strides = array<i32>} : memref<8x16x256xf32, #tpu.memory_space<vmem>>, vector<1x1x16xf32>,
        %parallel_loop3A_297 = vector.shape_cast %parallel_loop3A_296 : vector<1x1x16xf32> to vector<16xf32>
        %parallel_loop3A_298 = arith.constant 6 : i32
        %parallel_loop3A_299 = arith.index_cast %parallel_loop3A_243 : i32 to index
        %parallel_loop3A_300 = arith.index_cast %parallel_loop3A_298 : i32 to index
        %parallel_loop3A_301 = arith.index_cast %parallel_loop3A_261 : i32 to index
        %parallel_loop3A_302 = tpu.vector_load %arg4[%parallel_loop3A_299, %parallel_loop3A_300, %parallel_loop3A_301] {strides = array<i32>} : memref<8x16x256xf32, #tpu.memory_space<vmem>>, vector<1x1x16xf32>,
        %parallel_loop3A_303 = vector.shape_cast %parallel_loop3A_302 : vector<1x1x16xf32> to vector<16xf32>
        %parallel_loop3A_304 = arith.constant 7 : i32
        %parallel_loop3A_305 = arith.index_cast %parallel_loop3A_243 : i32 to index
        %parallel_loop3A_306 = arith.index_cast %parallel_loop3A_304 : i32 to index
        %parallel_loop3A_307 = arith.index_cast %parallel_loop3A_261 : i32 to index
        %parallel_loop3A_308 = tpu.vector_load %arg4[%parallel_loop3A_305, %parallel_loop3A_306, %parallel_loop3A_307] {strides = array<i32>} : memref<8x16x256xf32, #tpu.memory_space<vmem>>, vector<1x1x16xf32>,
        %parallel_loop3A_309 = vector.shape_cast %parallel_loop3A_308 : vector<1x1x16xf32> to vector<16xf32>
        %parallel_loop3A_310 = arith.constant 8 : i32
        %parallel_loop3A_311 = arith.index_cast %parallel_loop3A_243 : i32 to index
        %parallel_loop3A_312 = arith.index_cast %parallel_loop3A_310 : i32 to index
        %parallel_loop3A_313 = arith.index_cast %parallel_loop3A_261 : i32 to index
        %parallel_loop3A_314 = tpu.vector_load %arg4[%parallel_loop3A_311, %parallel_loop3A_312, %parallel_loop3A_313] {strides = array<i32>} : memref<8x16x256xf32, #tpu.memory_space<vmem>>, vector<1x1x16xf32>,
        %parallel_loop3A_315 = vector.shape_cast %parallel_loop3A_314 : vector<1x1x16xf32> to vector<16xf32>
        %parallel_loop3A_316 = arith.constant 9 : i32
        %parallel_loop3A_317 = arith.index_cast %parallel_loop3A_243 : i32 to index
        %parallel_loop3A_318 = arith.index_cast %parallel_loop3A_316 : i32 to index
        %parallel_loop3A_319 = arith.index_cast %parallel_loop3A_261 : i32 to index
        %parallel_loop3A_320 = tpu.vector_load %arg4[%parallel_loop3A_317, %parallel_loop3A_318, %parallel_loop3A_319] {strides = array<i32>} : memref<8x16x256xf32, #tpu.memory_space<vmem>>, vector<1x1x16xf32>,
        %parallel_loop3A_321 = vector.shape_cast %parallel_loop3A_320 : vector<1x1x16xf32> to vector<16xf32>
        %parallel_loop3A_322 = arith.constant 10 : i32
        %parallel_loop3A_323 = arith.index_cast %parallel_loop3A_243 : i32 to index
        %parallel_loop3A_324 = arith.index_cast %parallel_loop3A_322 : i32 to index
        %parallel_loop3A_325 = arith.index_cast %parallel_loop3A_261 : i32 to index
        %parallel_loop3A_326 = tpu.vector_load %arg4[%parallel_loop3A_323, %parallel_loop3A_324, %parallel_loop3A_325] {strides = array<i32>} : memref<8x16x256xf32, #tpu.memory_space<vmem>>, vector<1x1x16xf32>,
        %parallel_loop3A_327 = vector.shape_cast %parallel_loop3A_326 : vector<1x1x16xf32> to vector<16xf32>
        %parallel_loop3A_328 = arith.constant 11 : i32
        %parallel_loop3A_329 = arith.index_cast %parallel_loop3A_243 : i32 to index
        %parallel_loop3A_330 = arith.index_cast %parallel_loop3A_328 : i32 to index
        %parallel_loop3A_331 = arith.index_cast %parallel_loop3A_261 : i32 to index
        %parallel_loop3A_332 = tpu.vector_load %arg4[%parallel_loop3A_329, %parallel_loop3A_330, %parallel_loop3A_331] {strides = array<i32>} : memref<8x16x256xf32, #tpu.memory_space<vmem>>, vector<1x1x16xf32>,
        %parallel_loop3A_333 = vector.shape_cast %parallel_loop3A_332 : vector<1x1x16xf32> to vector<16xf32>
        %parallel_loop3A_334 = arith.constant 12 : i32
        %parallel_loop3A_335 = arith.index_cast %parallel_loop3A_243 : i32 to index
        %parallel_loop3A_336 = arith.index_cast %parallel_loop3A_334 : i32 to index
        %parallel_loop3A_337 = arith.index_cast %parallel_loop3A_261 : i32 to index
        %parallel_loop3A_338 = tpu.vector_load %arg4[%parallel_loop3A_335, %parallel_loop3A_336, %parallel_loop3A_337] {strides = array<i32>} : memref<8x16x256xf32, #tpu.memory_space<vmem>>, vector<1x1x16xf32>,
        %parallel_loop3A_339 = vector.shape_cast %parallel_loop3A_338 : vector<1x1x16xf32> to vector<16xf32>
        %parallel_loop3A_340 = arith.constant 13 : i32
        %parallel_loop3A_341 = arith.index_cast %parallel_loop3A_243 : i32 to index
        %parallel_loop3A_342 = arith.index_cast %parallel_loop3A_340 : i32 to index
        %parallel_loop3A_343 = arith.index_cast %parallel_loop3A_261 : i32 to index
        %parallel_loop3A_344 = tpu.vector_load %arg4[%parallel_loop3A_341, %parallel_loop3A_342, %parallel_loop3A_343] {strides = array<i32>} : memref<8x16x256xf32, #tpu.memory_space<vmem>>, vector<1x1x16xf32>,
        %parallel_loop3A_345 = vector.shape_cast %parallel_loop3A_344 : vector<1x1x16xf32> to vector<16xf32>
        %parallel_loop3A_346 = arith.constant 14 : i32
        %parallel_loop3A_347 = arith.index_cast %parallel_loop3A_243 : i32 to index
        %parallel_loop3A_348 = arith.index_cast %parallel_loop3A_346 : i32 to index
        %parallel_loop3A_349 = arith.index_cast %parallel_loop3A_261 : i32 to index
        %parallel_loop3A_350 = tpu.vector_load %arg4[%parallel_loop3A_347, %parallel_loop3A_348, %parallel_loop3A_349] {strides = array<i32>} : memref<8x16x256xf32, #tpu.memory_space<vmem>>, vector<1x1x16xf32>,
        %parallel_loop3A_351 = vector.shape_cast %parallel_loop3A_350 : vector<1x1x16xf32> to vector<16xf32>
        %parallel_loop3A_352 = arith.constant 15 : i32
        %parallel_loop3A_353 = arith.index_cast %parallel_loop3A_243 : i32 to index
        %parallel_loop3A_354 = arith.index_cast %parallel_loop3A_352 : i32 to index
        %parallel_loop3A_355 = arith.index_cast %parallel_loop3A_261 : i32 to index
        %parallel_loop3A_356 = tpu.vector_load %arg4[%parallel_loop3A_353, %parallel_loop3A_354, %parallel_loop3A_355] {strides = array<i32>} : memref<8x16x256xf32, #tpu.memory_space<vmem>>, vector<1x1x16xf32>,
        %parallel_loop3A_357 = vector.shape_cast %parallel_loop3A_356 : vector<1x1x16xf32> to vector<16xf32>
        %parallel_loop3A_358 = arith.addf %parallel_loop3A_267, %parallel_loop3A_273 : vector<16xf32>
        %parallel_loop3A_359 = arith.addf %parallel_loop3A_279, %parallel_loop3A_285 : vector<16xf32>
        %parallel_loop3A_360 = arith.addf %parallel_loop3A_291, %parallel_loop3A_297 : vector<16xf32>
        %parallel_loop3A_361 = arith.addf %parallel_loop3A_303, %parallel_loop3A_309 : vector<16xf32>
        %parallel_loop3A_362 = arith.addf %parallel_loop3A_315, %parallel_loop3A_321 : vector<16xf32>
        %parallel_loop3A_363 = arith.addf %parallel_loop3A_327, %parallel_loop3A_333 : vector<16xf32>
        %parallel_loop3A_364 = arith.addf %parallel_loop3A_339, %parallel_loop3A_345 : vector<16xf32>
        %parallel_loop3A_365 = arith.addf %parallel_loop3A_351, %parallel_loop3A_357 : vector<16xf32>
        %parallel_loop3A_366 = arith.maximumf %parallel_loop3A_267, %parallel_loop3A_273 : vector<16xf32>
        %parallel_loop3A_367 = arith.maximumf %parallel_loop3A_279, %parallel_loop3A_285 : vector<16xf32>
        %parallel_loop3A_368 = arith.maximumf %parallel_loop3A_291, %parallel_loop3A_297 : vector<16xf32>
        %parallel_loop3A_369 = arith.maximumf %parallel_loop3A_303, %parallel_loop3A_309 : vector<16xf32>
        %parallel_loop3A_370 = arith.maximumf %parallel_loop3A_315, %parallel_loop3A_321 : vector<16xf32>
        %parallel_loop3A_371 = arith.maximumf %parallel_loop3A_327, %parallel_loop3A_333 : vector<16xf32>
        %parallel_loop3A_372 = arith.maximumf %parallel_loop3A_339, %parallel_loop3A_345 : vector<16xf32>
        %parallel_loop3A_373 = arith.maximumf %parallel_loop3A_351, %parallel_loop3A_357 : vector<16xf32>
        %parallel_loop3A_374 = arith.addf %parallel_loop3A_358, %parallel_loop3A_359 : vector<16xf32>
        %parallel_loop3A_375 = arith.addf %parallel_loop3A_360, %parallel_loop3A_361 : vector<16xf32>
        %parallel_loop3A_376 = arith.addf %parallel_loop3A_362, %parallel_loop3A_363 : vector<16xf32>
        %parallel_loop3A_377 = arith.addf %parallel_loop3A_364, %parallel_loop3A_365 : vector<16xf32>
        %parallel_loop3A_378 = arith.maximumf %parallel_loop3A_366, %parallel_loop3A_367 : vector<16xf32>
        %parallel_loop3A_379 = arith.maximumf %parallel_loop3A_368, %parallel_loop3A_369 : vector<16xf32>
        %parallel_loop3A_380 = arith.maximumf %parallel_loop3A_370, %parallel_loop3A_371 : vector<16xf32>
        %parallel_loop3A_381 = arith.maximumf %parallel_loop3A_372, %parallel_loop3A_373 : vector<16xf32>
        %parallel_loop3A_382 = arith.addf %parallel_loop3A_374, %parallel_loop3A_375 : vector<16xf32>
        %parallel_loop3A_383 = arith.addf %parallel_loop3A_376, %parallel_loop3A_377 : vector<16xf32>
        %parallel_loop3A_384 = arith.maximumf %parallel_loop3A_378, %parallel_loop3A_379 : vector<16xf32>
        %parallel_loop3A_385 = arith.maximumf %parallel_loop3A_380, %parallel_loop3A_381 : vector<16xf32>
        %parallel_loop3A_386 = arith.addf %parallel_loop3A_382, %parallel_loop3A_383 : vector<16xf32>
        %parallel_loop3A_387 = arith.maximumf %parallel_loop3A_384, %parallel_loop3A_385 : vector<16xf32>
        %parallel_loop3A_388 = arith.constant 6.250000e-02 : f32
        %parallel_loop3A_389 = vector.broadcast %parallel_loop3A_388 : f32 to vector<16xf32>
        %parallel_loop3A_390 = arith.mulf %parallel_loop3A_386, %parallel_loop3A_389 : vector<16xf32>
        %parallel_loop3A_391 = arith.index_cast %parallel_loop3A_243 : i32 to index
        %parallel_loop3A_392 = arith.index_cast %parallel_loop3A_261 : i32 to index
        %parallel_loop3A_393 = tpu.vector_load %arg7[%parallel_loop3A_391, %parallel_loop3A_392] {strides = array<i32>} : memref<8x512xf32, #tpu.memory_space<vmem>>, vector<1x16xf32>,
        %parallel_loop3A_394 = vector.shape_cast %parallel_loop3A_393 : vector<1x16xf32> to vector<16xf32>
        %parallel_loop3A_395 = vector.shape_cast %parallel_loop3A_390 : vector<16xf32> to vector<1x16xf32>
        tpu.vector_store %arg7[%parallel_loop3A_391, %parallel_loop3A_392], %parallel_loop3A_395 {strides = array<i32>} : memref<8x512xf32, #tpu.memory_space<vmem>>, vector<1x16xf32>,
        %parallel_loop3A_396 = arith.constant 256 : i32
        %parallel_loop3A_397 = arith.addi %parallel_loop3A_396, %parallel_loop3A_261 : i32
        %parallel_loop3A_398 = arith.index_cast %parallel_loop3A_243 : i32 to index
        %parallel_loop3A_399 = arith.index_cast %parallel_loop3A_397 : i32 to index
        %parallel_loop3A_400 = tpu.vector_load %arg7[%parallel_loop3A_398, %parallel_loop3A_399] {strides = array<i32>} : memref<8x512xf32, #tpu.memory_space<vmem>>, vector<1x16xf32>,
        %parallel_loop3A_401 = vector.shape_cast %parallel_loop3A_400 : vector<1x16xf32> to vector<16xf32>
        %parallel_loop3A_402 = vector.shape_cast %parallel_loop3A_387 : vector<16xf32> to vector<1x16xf32>
        tpu.vector_store %arg7[%parallel_loop3A_398, %parallel_loop3A_399], %parallel_loop3A_402 {strides = array<i32>} : memref<8x512xf32, #tpu.memory_space<vmem>>, vector<1x16xf32>,
      } {sc.loop_unroll_factor = 2 : i64, sc.parallel_access}
      %add3A_134 = arith.constant 3 : i32
      %add3A_135 = arith.addi %add3A_119, %add3A_134 : i32
      %lt3A = arith.cmpi slt, %add3A_135, %select_n3A : i32
      %convert_element_type3A_136 = arith.extui %lt3A : i1 to i32
      %cond3A_137 = arith.constant 0 : i32
      %cond3A_138 = arith.cmpi ne, %convert_element_type3A_136, %cond3A_137 : i32
      scf.if %cond3A_138 {
        %add3A_219 = arith.constant 3 : i32
        %add3A_220 = arith.addi %add3A_119, %add3A_219 : i32
        %mul3A_221 = arith.constant 32 : i32
        %mul3A_222 = arith.muli %add3A_220, %mul3A_221 : i32
        %add3A_223 = arith.addi %add3A, %mul3A_222 : i32
        %mul3A_224 = arith.constant 8 : i32
        %mul3A_225 = arith.muli %add3A_223, %mul3A_224 : i32
        %dma_start3A_226 = arith.constant 0 : i32
        %dma_start3A_227 = arith.constant 0 : i32
        %dma_start3A_228 = tpu.memref_slice %arg2[%mul3A_225, %dma_start3A_226, %dma_start3A_227] : memref<10000x16x256xf32, #tpu.memory_space<hbm>> -> memref<8x16x256xf32, #tpu.memory_space<hbm>>
        %dma_start3A_229 = arith.constant 0 : i32
        %dma_start3A_230 = arith.constant 0 : i32
        %dma_start3A_231 = tpu.memref_slice %arg2[%mul3A_225, %dma_start3A_229, %dma_start3A_230] : memref<10000x16x256xf32, #tpu.memory_space<hbm>> -> memref<8x16x256xf32, #tpu.memory_space<hbm>>
        tpu.enqueue_dma source(%dma_start3A_231 : memref<8x16x256xf32, #tpu.memory_space<hbm>>) target(%arg4 : memref<8x16x256xf32, #tpu.memory_space<vmem>>) target_semaphore(%arg10 : memref<!tpu.dma_semaphore, #tpu.memory_space<semaphore_mem>>)
      } else {
      }
      %mul3A_139 = arith.constant 32 : i32
      %mul3A_140 = arith.muli %add3A_119, %mul3A_139 : i32
      %add3A_141 = arith.addi %add3A, %mul3A_140 : i32
      %mul3A_142 = arith.constant 8 : i32
      %mul3A_143 = arith.muli %add3A_141, %mul3A_142 : i32
      %dma_start3A_144 = arith.constant 0 : i32
      %dma_start3A_145 = tpu.memref_slice %arg3[%mul3A_143, %dma_start3A_144] : memref<10000x512xf32, #tpu.memory_space<hbm>> -> memref<8x512xf32, #tpu.memory_space<hbm>>
      %dma_start3A_146 = arith.constant 0 : i32
      %dma_start3A_147 = tpu.memref_slice %arg3[%mul3A_143, %dma_start3A_146] : memref<10000x512xf32, #tpu.memory_space<hbm>> -> memref<8x512xf32, #tpu.memory_space<hbm>>
      tpu.enqueue_dma source(%arg7 : memref<8x512xf32, #tpu.memory_space<vmem>>) target(%dma_start3A_147 : memref<8x512xf32, #tpu.memory_space<hbm>>) target_semaphore(%arg13 : memref<!tpu.dma_semaphore, #tpu.memory_space<semaphore_mem>>)
      %mul3A_148 = arith.constant 3 : i32
      %mul3A_149 = arith.muli %mul3A_148, %while3A_114 : i32
      %add3A_150 = arith.constant 1 : i32
      %add3A_151 = arith.addi %mul3A_149, %add3A_150 : i32
      %dma_wait3A_152 = arith.constant 0 : i32
      %dma_wait3A_153 = arith.constant 0 : i32
      %dma_wait3A_154 = arith.constant 0 : i32
      %dma_wait3A_155 = tpu.memref_slice %arg2[%dma_wait3A_152, %dma_wait3A_153, %dma_wait3A_154] : memref<10000x16x256xf32, #tpu.memory_space<hbm>> -> memref<8x16x256xf32, #tpu.memory_space<hbm>>
      %dma_wait3A_156 = arith.constant 0 : i32
      %dma_wait3A_157 = arith.constant 0 : i32
      %dma_wait3A_158 = arith.constant 0 : i32
      %dma_wait3A_159 = tpu.memref_slice %arg2[%dma_wait3A_156, %dma_wait3A_157, %dma_wait3A_158] : memref<10000x16x256xf32, #tpu.memory_space<hbm>> -> memref<8x16x256xf32, #tpu.memory_space<hbm>>
      tpu.wait_dma2 semaphore(%arg11 : memref<!tpu.dma_semaphore, #tpu.memory_space<semaphore_mem>>) src(%dma_wait3A_159 : memref<8x16x256xf32, #tpu.memory_space<hbm>>) dst(%arg5 : memref<8x16x256xf32, #tpu.memory_space<vmem>>)
      %gt3A_160 = arith.constant 0 : i32
      %gt3A_161 = arith.cmpi sgt, %while3A_114, %gt3A_160 : i32
      %convert_element_type3A_162 = arith.extui %gt3A_161 : i1 to i32
      %cond3A_163 = arith.constant 0 : i32
      %cond3A_164 = arith.cmpi ne, %convert_element_type3A_162, %cond3A_163 : i32
      scf.if %cond3A_164 {
        %dma_wait3A_219 = arith.constant 0 : i32
        %dma_wait3A_220 = arith.constant 0 : i32
        %dma_wait3A_221 = tpu.memref_slice %arg3[%dma_wait3A_219, %dma_wait3A_220] : memref<10000x512xf32, #tpu.memory_space<hbm>> -> memref<8x512xf32, #tpu.memory_space<hbm>>
        %dma_wait3A_222 = arith.constant 0 : i32
        %dma_wait3A_223 = arith.constant 0 : i32
        %dma_wait3A_224 = tpu.memref_slice %arg3[%dma_wait3A_222, %dma_wait3A_223] : memref<10000x512xf32, #tpu.memory_space<hbm>> -> memref<8x512xf32, #tpu.memory_space<hbm>>
        tpu.wait_dma2 semaphore(%arg14 : memref<!tpu.dma_semaphore, #tpu.memory_space<semaphore_mem>>) src(%arg8 : memref<8x512xf32, #tpu.memory_space<vmem>>) dst(%dma_wait3A_224 : memref<8x512xf32, #tpu.memory_space<hbm>>)
      } else {
      }
      %parallel_loop3A_165 = arith.constant 0 : i32
      %parallel_loop3A_166 = arith.constant 128 : i32
      %parallel_loop3A_167 = arith.constant 1 : i32
      scf.for %parallel_loop3A_219 = %parallel_loop3A_165 to %parallel_loop3A_166 step %parallel_loop3A_167  : i32 {
        %parallel_loop3A_220 = arith.constant 16 : i32
        %parallel_loop3A_221 = arith.divsi %parallel_loop3A_219, %parallel_loop3A_220 : i32
        %parallel_loop3A_222 = arith.constant 0 : i32
        %parallel_loop3A_223 = arith.cmpi sgt, %parallel_loop3A_219, %parallel_loop3A_222 : i32
        %parallel_loop3A_224 = arith.extui %parallel_loop3A_223 : i1 to i32
        %parallel_loop3A_225 = arith.constant 0 : i32
        %parallel_loop3A_226 = arith.cmpi slt, %parallel_loop3A_219, %parallel_loop3A_225 : i32
        %parallel_loop3A_227 = arith.extui %parallel_loop3A_226 : i1 to i32
        %parallel_loop3A_228 = arith.subi %parallel_loop3A_224, %parallel_loop3A_227 : i32
        %parallel_loop3A_229 = arith.constant 0 : i32
        %parallel_loop3A_230 = arith.cmpi sgt, %parallel_loop3A_220, %parallel_loop3A_229 : i32
        %parallel_loop3A_231 = arith.extui %parallel_loop3A_230 : i1 to i32
        %parallel_loop3A_232 = arith.constant 0 : i32
        %parallel_loop3A_233 = arith.cmpi slt, %parallel_loop3A_220, %parallel_loop3A_232 : i32
        %parallel_loop3A_234 = arith.extui %parallel_loop3A_233 : i1 to i32
        %parallel_loop3A_235 = arith.subi %parallel_loop3A_231, %parallel_loop3A_234 : i32
        %parallel_loop3A_236 = arith.cmpi ne, %parallel_loop3A_228, %parallel_loop3A_235 : i32
        %parallel_loop3A_237 = arith.remsi %parallel_loop3A_219, %parallel_loop3A_220 : i32
        %parallel_loop3A_238 = arith.constant 0 : i32
        %parallel_loop3A_239 = arith.cmpi ne, %parallel_loop3A_237, %parallel_loop3A_238 : i32
        %parallel_loop3A_240 = arith.andi %parallel_loop3A_236, %parallel_loop3A_239 : i1
        %parallel_loop3A_241 = arith.constant 1 : i32
        %parallel_loop3A_242 = arith.subi %parallel_loop3A_221, %parallel_loop3A_241 : i32
        %parallel_loop3A_243 = arith.select %parallel_loop3A_240, %parallel_loop3A_242, %parallel_loop3A_221 : i32
        %parallel_loop3A_244 = arith.constant 16 : i32
        %parallel_loop3A_245 = arith.constant 0 : i32
        %parallel_loop3A_246 = arith.cmpi eq, %parallel_loop3A_244, %parallel_loop3A_245 : i32
        %parallel_loop3A_247 = arith.constant 1 : i32
        %parallel_loop3A_248 = arith.select %parallel_loop3A_246, %parallel_loop3A_247, %parallel_loop3A_244 : i32
        %parallel_loop3A_249 = arith.remsi %parallel_loop3A_219, %parallel_loop3A_248 : i32
        %parallel_loop3A_250 = arith.constant 0 : i32
        %parallel_loop3A_251 = arith.cmpi ne, %parallel_loop3A_249, %parallel_loop3A_250 : i32
        %parallel_loop3A_252 = arith.constant 0 : i32
        %parallel_loop3A_253 = arith.cmpi slt, %parallel_loop3A_249, %parallel_loop3A_252 : i32
        %parallel_loop3A_254 = arith.constant 0 : i32
        %parallel_loop3A_255 = arith.cmpi slt, %parallel_loop3A_248, %parallel_loop3A_254 : i32
        %parallel_loop3A_256 = arith.xori %parallel_loop3A_253, %parallel_loop3A_255 : i1
        %parallel_loop3A_257 = arith.andi %parallel_loop3A_256, %parallel_loop3A_251 : i1
        %parallel_loop3A_258 = arith.addi %parallel_loop3A_249, %parallel_loop3A_248 : i32
        %parallel_loop3A_259 = arith.select %parallel_loop3A_257, %parallel_loop3A_258, %parallel_loop3A_249 : i32
        %parallel_loop3A_260 = arith.constant 16 : i32
        %parallel_loop3A_261 = arith.muli %parallel_loop3A_259, %parallel_loop3A_260 : i32
        %parallel_loop3A_262 = arith.constant 0 : i32
        %parallel_loop3A_263 = arith.index_cast %parallel_loop3A_243 : i32 to index
        %parallel_loop3A_264 = arith.index_cast %parallel_loop3A_262 : i32 to index
        %parallel_loop3A_265 = arith.index_cast %parallel_loop3A_261 : i32 to index
        %parallel_loop3A_266 = tpu.vector_load %arg5[%parallel_loop3A_263, %parallel_loop3A_264, %parallel_loop3A_265] {strides = array<i32>} : memref<8x16x256xf32, #tpu.memory_space<vmem>>, vector<1x1x16xf32>,
        %parallel_loop3A_267 = vector.shape_cast %parallel_loop3A_266 : vector<1x1x16xf32> to vector<16xf32>
        %parallel_loop3A_268 = arith.constant 1 : i32
        %parallel_loop3A_269 = arith.index_cast %parallel_loop3A_243 : i32 to index
        %parallel_loop3A_270 = arith.index_cast %parallel_loop3A_268 : i32 to index
        %parallel_loop3A_271 = arith.index_cast %parallel_loop3A_261 : i32 to index
        %parallel_loop3A_272 = tpu.vector_load %arg5[%parallel_loop3A_269, %parallel_loop3A_270, %parallel_loop3A_271] {strides = array<i32>} : memref<8x16x256xf32, #tpu.memory_space<vmem>>, vector<1x1x16xf32>,
        %parallel_loop3A_273 = vector.shape_cast %parallel_loop3A_272 : vector<1x1x16xf32> to vector<16xf32>
        %parallel_loop3A_274 = arith.constant 2 : i32
        %parallel_loop3A_275 = arith.index_cast %parallel_loop3A_243 : i32 to index
        %parallel_loop3A_276 = arith.index_cast %parallel_loop3A_274 : i32 to index
        %parallel_loop3A_277 = arith.index_cast %parallel_loop3A_261 : i32 to index
        %parallel_loop3A_278 = tpu.vector_load %arg5[%parallel_loop3A_275, %parallel_loop3A_276, %parallel_loop3A_277] {strides = array<i32>} : memref<8x16x256xf32, #tpu.memory_space<vmem>>, vector<1x1x16xf32>,
        %parallel_loop3A_279 = vector.shape_cast %parallel_loop3A_278 : vector<1x1x16xf32> to vector<16xf32>
        %parallel_loop3A_280 = arith.constant 3 : i32
        %parallel_loop3A_281 = arith.index_cast %parallel_loop3A_243 : i32 to index
        %parallel_loop3A_282 = arith.index_cast %parallel_loop3A_280 : i32 to index
        %parallel_loop3A_283 = arith.index_cast %parallel_loop3A_261 : i32 to index
        %parallel_loop3A_284 = tpu.vector_load %arg5[%parallel_loop3A_281, %parallel_loop3A_282, %parallel_loop3A_283] {strides = array<i32>} : memref<8x16x256xf32, #tpu.memory_space<vmem>>, vector<1x1x16xf32>,
        %parallel_loop3A_285 = vector.shape_cast %parallel_loop3A_284 : vector<1x1x16xf32> to vector<16xf32>
        %parallel_loop3A_286 = arith.constant 4 : i32
        %parallel_loop3A_287 = arith.index_cast %parallel_loop3A_243 : i32 to index
        %parallel_loop3A_288 = arith.index_cast %parallel_loop3A_286 : i32 to index
        %parallel_loop3A_289 = arith.index_cast %parallel_loop3A_261 : i32 to index
        %parallel_loop3A_290 = tpu.vector_load %arg5[%parallel_loop3A_287, %parallel_loop3A_288, %parallel_loop3A_289] {strides = array<i32>} : memref<8x16x256xf32, #tpu.memory_space<vmem>>, vector<1x1x16xf32>,
        %parallel_loop3A_291 = vector.shape_cast %parallel_loop3A_290 : vector<1x1x16xf32> to vector<16xf32>
        %parallel_loop3A_292 = arith.constant 5 : i32
        %parallel_loop3A_293 = arith.index_cast %parallel_loop3A_243 : i32 to index
        %parallel_loop3A_294 = arith.index_cast %parallel_loop3A_292 : i32 to index
        %parallel_loop3A_295 = arith.index_cast %parallel_loop3A_261 : i32 to index
        %parallel_loop3A_296 = tpu.vector_load %arg5[%parallel_loop3A_293, %parallel_loop3A_294, %parallel_loop3A_295] {strides = array<i32>} : memref<8x16x256xf32, #tpu.memory_space<vmem>>, vector<1x1x16xf32>,
        %parallel_loop3A_297 = vector.shape_cast %parallel_loop3A_296 : vector<1x1x16xf32> to vector<16xf32>
        %parallel_loop3A_298 = arith.constant 6 : i32
        %parallel_loop3A_299 = arith.index_cast %parallel_loop3A_243 : i32 to index
        %parallel_loop3A_300 = arith.index_cast %parallel_loop3A_298 : i32 to index
        %parallel_loop3A_301 = arith.index_cast %parallel_loop3A_261 : i32 to index
        %parallel_loop3A_302 = tpu.vector_load %arg5[%parallel_loop3A_299, %parallel_loop3A_300, %parallel_loop3A_301] {strides = array<i32>} : memref<8x16x256xf32, #tpu.memory_space<vmem>>, vector<1x1x16xf32>,
        %parallel_loop3A_303 = vector.shape_cast %parallel_loop3A_302 : vector<1x1x16xf32> to vector<16xf32>
        %parallel_loop3A_304 = arith.constant 7 : i32
        %parallel_loop3A_305 = arith.index_cast %parallel_loop3A_243 : i32 to index
        %parallel_loop3A_306 = arith.index_cast %parallel_loop3A_304 : i32 to index
        %parallel_loop3A_307 = arith.index_cast %parallel_loop3A_261 : i32 to index
        %parallel_loop3A_308 = tpu.vector_load %arg5[%parallel_loop3A_305, %parallel_loop3A_306, %parallel_loop3A_307] {strides = array<i32>} : memref<8x16x256xf32, #tpu.memory_space<vmem>>, vector<1x1x16xf32>,
        %parallel_loop3A_309 = vector.shape_cast %parallel_loop3A_308 : vector<1x1x16xf32> to vector<16xf32>
        %parallel_loop3A_310 = arith.constant 8 : i32
        %parallel_loop3A_311 = arith.index_cast %parallel_loop3A_243 : i32 to index
        %parallel_loop3A_312 = arith.index_cast %parallel_loop3A_310 : i32 to index
        %parallel_loop3A_313 = arith.index_cast %parallel_loop3A_261 : i32 to index
        %parallel_loop3A_314 = tpu.vector_load %arg5[%parallel_loop3A_311, %parallel_loop3A_312, %parallel_loop3A_313] {strides = array<i32>} : memref<8x16x256xf32, #tpu.memory_space<vmem>>, vector<1x1x16xf32>,
        %parallel_loop3A_315 = vector.shape_cast %parallel_loop3A_314 : vector<1x1x16xf32> to vector<16xf32>
        %parallel_loop3A_316 = arith.constant 9 : i32
        %parallel_loop3A_317 = arith.index_cast %parallel_loop3A_243 : i32 to index
        %parallel_loop3A_318 = arith.index_cast %parallel_loop3A_316 : i32 to index
        %parallel_loop3A_319 = arith.index_cast %parallel_loop3A_261 : i32 to index
        %parallel_loop3A_320 = tpu.vector_load %arg5[%parallel_loop3A_317, %parallel_loop3A_318, %parallel_loop3A_319] {strides = array<i32>} : memref<8x16x256xf32, #tpu.memory_space<vmem>>, vector<1x1x16xf32>,
        %parallel_loop3A_321 = vector.shape_cast %parallel_loop3A_320 : vector<1x1x16xf32> to vector<16xf32>
        %parallel_loop3A_322 = arith.constant 10 : i32
        %parallel_loop3A_323 = arith.index_cast %parallel_loop3A_243 : i32 to index
        %parallel_loop3A_324 = arith.index_cast %parallel_loop3A_322 : i32 to index
        %parallel_loop3A_325 = arith.index_cast %parallel_loop3A_261 : i32 to index
        %parallel_loop3A_326 = tpu.vector_load %arg5[%parallel_loop3A_323, %parallel_loop3A_324, %parallel_loop3A_325] {strides = array<i32>} : memref<8x16x256xf32, #tpu.memory_space<vmem>>, vector<1x1x16xf32>,
        %parallel_loop3A_327 = vector.shape_cast %parallel_loop3A_326 : vector<1x1x16xf32> to vector<16xf32>
        %parallel_loop3A_328 = arith.constant 11 : i32
        %parallel_loop3A_329 = arith.index_cast %parallel_loop3A_243 : i32 to index
        %parallel_loop3A_330 = arith.index_cast %parallel_loop3A_328 : i32 to index
        %parallel_loop3A_331 = arith.index_cast %parallel_loop3A_261 : i32 to index
        %parallel_loop3A_332 = tpu.vector_load %arg5[%parallel_loop3A_329, %parallel_loop3A_330, %parallel_loop3A_331] {strides = array<i32>} : memref<8x16x256xf32, #tpu.memory_space<vmem>>, vector<1x1x16xf32>,
        %parallel_loop3A_333 = vector.shape_cast %parallel_loop3A_332 : vector<1x1x16xf32> to vector<16xf32>
        %parallel_loop3A_334 = arith.constant 12 : i32
        %parallel_loop3A_335 = arith.index_cast %parallel_loop3A_243 : i32 to index
        %parallel_loop3A_336 = arith.index_cast %parallel_loop3A_334 : i32 to index
        %parallel_loop3A_337 = arith.index_cast %parallel_loop3A_261 : i32 to index
        %parallel_loop3A_338 = tpu.vector_load %arg5[%parallel_loop3A_335, %parallel_loop3A_336, %parallel_loop3A_337] {strides = array<i32>} : memref<8x16x256xf32, #tpu.memory_space<vmem>>, vector<1x1x16xf32>,
        %parallel_loop3A_339 = vector.shape_cast %parallel_loop3A_338 : vector<1x1x16xf32> to vector<16xf32>
        %parallel_loop3A_340 = arith.constant 13 : i32
        %parallel_loop3A_341 = arith.index_cast %parallel_loop3A_243 : i32 to index
        %parallel_loop3A_342 = arith.index_cast %parallel_loop3A_340 : i32 to index
        %parallel_loop3A_343 = arith.index_cast %parallel_loop3A_261 : i32 to index
        %parallel_loop3A_344 = tpu.vector_load %arg5[%parallel_loop3A_341, %parallel_loop3A_342, %parallel_loop3A_343] {strides = array<i32>} : memref<8x16x256xf32, #tpu.memory_space<vmem>>, vector<1x1x16xf32>,
        %parallel_loop3A_345 = vector.shape_cast %parallel_loop3A_344 : vector<1x1x16xf32> to vector<16xf32>
        %parallel_loop3A_346 = arith.constant 14 : i32
        %parallel_loop3A_347 = arith.index_cast %parallel_loop3A_243 : i32 to index
        %parallel_loop3A_348 = arith.index_cast %parallel_loop3A_346 : i32 to index
        %parallel_loop3A_349 = arith.index_cast %parallel_loop3A_261 : i32 to index
        %parallel_loop3A_350 = tpu.vector_load %arg5[%parallel_loop3A_347, %parallel_loop3A_348, %parallel_loop3A_349] {strides = array<i32>} : memref<8x16x256xf32, #tpu.memory_space<vmem>>, vector<1x1x16xf32>,
        %parallel_loop3A_351 = vector.shape_cast %parallel_loop3A_350 : vector<1x1x16xf32> to vector<16xf32>
        %parallel_loop3A_352 = arith.constant 15 : i32
        %parallel_loop3A_353 = arith.index_cast %parallel_loop3A_243 : i32 to index
        %parallel_loop3A_354 = arith.index_cast %parallel_loop3A_352 : i32 to index
        %parallel_loop3A_355 = arith.index_cast %parallel_loop3A_261 : i32 to index
        %parallel_loop3A_356 = tpu.vector_load %arg5[%parallel_loop3A_353, %parallel_loop3A_354, %parallel_loop3A_355] {strides = array<i32>} : memref<8x16x256xf32, #tpu.memory_space<vmem>>, vector<1x1x16xf32>,
        %parallel_loop3A_357 = vector.shape_cast %parallel_loop3A_356 : vector<1x1x16xf32> to vector<16xf32>
        %parallel_loop3A_358 = arith.addf %parallel_loop3A_267, %parallel_loop3A_273 : vector<16xf32>
        %parallel_loop3A_359 = arith.addf %parallel_loop3A_279, %parallel_loop3A_285 : vector<16xf32>
        %parallel_loop3A_360 = arith.addf %parallel_loop3A_291, %parallel_loop3A_297 : vector<16xf32>
        %parallel_loop3A_361 = arith.addf %parallel_loop3A_303, %parallel_loop3A_309 : vector<16xf32>
        %parallel_loop3A_362 = arith.addf %parallel_loop3A_315, %parallel_loop3A_321 : vector<16xf32>
        %parallel_loop3A_363 = arith.addf %parallel_loop3A_327, %parallel_loop3A_333 : vector<16xf32>
        %parallel_loop3A_364 = arith.addf %parallel_loop3A_339, %parallel_loop3A_345 : vector<16xf32>
        %parallel_loop3A_365 = arith.addf %parallel_loop3A_351, %parallel_loop3A_357 : vector<16xf32>
        %parallel_loop3A_366 = arith.maximumf %parallel_loop3A_267, %parallel_loop3A_273 : vector<16xf32>
        %parallel_loop3A_367 = arith.maximumf %parallel_loop3A_279, %parallel_loop3A_285 : vector<16xf32>
        %parallel_loop3A_368 = arith.maximumf %parallel_loop3A_291, %parallel_loop3A_297 : vector<16xf32>
        %parallel_loop3A_369 = arith.maximumf %parallel_loop3A_303, %parallel_loop3A_309 : vector<16xf32>
        %parallel_loop3A_370 = arith.maximumf %parallel_loop3A_315, %parallel_loop3A_321 : vector<16xf32>
        %parallel_loop3A_371 = arith.maximumf %parallel_loop3A_327, %parallel_loop3A_333 : vector<16xf32>
        %parallel_loop3A_372 = arith.maximumf %parallel_loop3A_339, %parallel_loop3A_345 : vector<16xf32>
        %parallel_loop3A_373 = arith.maximumf %parallel_loop3A_351, %parallel_loop3A_357 : vector<16xf32>
        %parallel_loop3A_374 = arith.addf %parallel_loop3A_358, %parallel_loop3A_359 : vector<16xf32>
        %parallel_loop3A_375 = arith.addf %parallel_loop3A_360, %parallel_loop3A_361 : vector<16xf32>
        %parallel_loop3A_376 = arith.addf %parallel_loop3A_362, %parallel_loop3A_363 : vector<16xf32>
        %parallel_loop3A_377 = arith.addf %parallel_loop3A_364, %parallel_loop3A_365 : vector<16xf32>
        %parallel_loop3A_378 = arith.maximumf %parallel_loop3A_366, %parallel_loop3A_367 : vector<16xf32>
        %parallel_loop3A_379 = arith.maximumf %parallel_loop3A_368, %parallel_loop3A_369 : vector<16xf32>
        %parallel_loop3A_380 = arith.maximumf %parallel_loop3A_370, %parallel_loop3A_371 : vector<16xf32>
        %parallel_loop3A_381 = arith.maximumf %parallel_loop3A_372, %parallel_loop3A_373 : vector<16xf32>
        %parallel_loop3A_382 = arith.addf %parallel_loop3A_374, %parallel_loop3A_375 : vector<16xf32>
        %parallel_loop3A_383 = arith.addf %parallel_loop3A_376, %parallel_loop3A_377 : vector<16xf32>
        %parallel_loop3A_384 = arith.maximumf %parallel_loop3A_378, %parallel_loop3A_379 : vector<16xf32>
        %parallel_loop3A_385 = arith.maximumf %parallel_loop3A_380, %parallel_loop3A_381 : vector<16xf32>
        %parallel_loop3A_386 = arith.addf %parallel_loop3A_382, %parallel_loop3A_383 : vector<16xf32>
        %parallel_loop3A_387 = arith.maximumf %parallel_loop3A_384, %parallel_loop3A_385 : vector<16xf32>
        %parallel_loop3A_388 = arith.constant 6.250000e-02 : f32
        %parallel_loop3A_389 = vector.broadcast %parallel_loop3A_388 : f32 to vector<16xf32>
        %parallel_loop3A_390 = arith.mulf %parallel_loop3A_386, %parallel_loop3A_389 : vector<16xf32>
        %parallel_loop3A_391 = arith.index_cast %parallel_loop3A_243 : i32 to index
        %parallel_loop3A_392 = arith.index_cast %parallel_loop3A_261 : i32 to index
        %parallel_loop3A_393 = tpu.vector_load %arg8[%parallel_loop3A_391, %parallel_loop3A_392] {strides = array<i32>} : memref<8x512xf32, #tpu.memory_space<vmem>>, vector<1x16xf32>,
        %parallel_loop3A_394 = vector.shape_cast %parallel_loop3A_393 : vector<1x16xf32> to vector<16xf32>
        %parallel_loop3A_395 = vector.shape_cast %parallel_loop3A_390 : vector<16xf32> to vector<1x16xf32>
        tpu.vector_store %arg8[%parallel_loop3A_391, %parallel_loop3A_392], %parallel_loop3A_395 {strides = array<i32>} : memref<8x512xf32, #tpu.memory_space<vmem>>, vector<1x16xf32>,
        %parallel_loop3A_396 = arith.constant 256 : i32
        %parallel_loop3A_397 = arith.addi %parallel_loop3A_396, %parallel_loop3A_261 : i32
        %parallel_loop3A_398 = arith.index_cast %parallel_loop3A_243 : i32 to index
        %parallel_loop3A_399 = arith.index_cast %parallel_loop3A_397 : i32 to index
        %parallel_loop3A_400 = tpu.vector_load %arg8[%parallel_loop3A_398, %parallel_loop3A_399] {strides = array<i32>} : memref<8x512xf32, #tpu.memory_space<vmem>>, vector<1x16xf32>,
        %parallel_loop3A_401 = vector.shape_cast %parallel_loop3A_400 : vector<1x16xf32> to vector<16xf32>
        %parallel_loop3A_402 = vector.shape_cast %parallel_loop3A_387 : vector<16xf32> to vector<1x16xf32>
        tpu.vector_store %arg8[%parallel_loop3A_398, %parallel_loop3A_399], %parallel_loop3A_402 {strides = array<i32>} : memref<8x512xf32, #tpu.memory_space<vmem>>, vector<1x16xf32>,
      } {sc.loop_unroll_factor = 2 : i64, sc.parallel_access}
      %add3A_168 = arith.constant 3 : i32
      %add3A_169 = arith.addi %add3A_151, %add3A_168 : i32
      %lt3A_170 = arith.cmpi slt, %add3A_169, %select_n3A : i32
      %convert_element_type3A_171 = arith.extui %lt3A_170 : i1 to i32
      %cond3A_172 = arith.constant 0 : i32
      %cond3A_173 = arith.cmpi ne, %convert_element_type3A_171, %cond3A_172 : i32
      scf.if %cond3A_173 {
        %add3A_219 = arith.constant 3 : i32
        %add3A_220 = arith.addi %add3A_151, %add3A_219 : i32
        %mul3A_221 = arith.constant 32 : i32
        %mul3A_222 = arith.muli %add3A_220, %mul3A_221 : i32
        %add3A_223 = arith.addi %add3A, %mul3A_222 : i32
        %mul3A_224 = arith.constant 8 : i32
        %mul3A_225 = arith.muli %add3A_223, %mul3A_224 : i32
        %dma_start3A_226 = arith.constant 0 : i32
        %dma_start3A_227 = arith.constant 0 : i32
        %dma_start3A_228 = tpu.memref_slice %arg2[%mul3A_225, %dma_start3A_226, %dma_start3A_227] : memref<10000x16x256xf32, #tpu.memory_space<hbm>> -> memref<8x16x256xf32, #tpu.memory_space<hbm>>
        %dma_start3A_229 = arith.constant 0 : i32
        %dma_start3A_230 = arith.constant 0 : i32
        %dma_start3A_231 = tpu.memref_slice %arg2[%mul3A_225, %dma_start3A_229, %dma_start3A_230] : memref<10000x16x256xf32, #tpu.memory_space<hbm>> -> memref<8x16x256xf32, #tpu.memory_space<hbm>>
        tpu.enqueue_dma source(%dma_start3A_231 : memref<8x16x256xf32, #tpu.memory_space<hbm>>) target(%arg5 : memref<8x16x256xf32, #tpu.memory_space<vmem>>) target_semaphore(%arg11 : memref<!tpu.dma_semaphore, #tpu.memory_space<semaphore_mem>>)
      } else {
      }
      %mul3A_174 = arith.constant 32 : i32
      %mul3A_175 = arith.muli %add3A_151, %mul3A_174 : i32
      %add3A_176 = arith.addi %add3A, %mul3A_175 : i32
      %mul3A_177 = arith.constant 8 : i32
      %mul3A_178 = arith.muli %add3A_176, %mul3A_177 : i32
      %dma_start3A_179 = arith.constant 0 : i32
      %dma_start3A_180 = tpu.memref_slice %arg3[%mul3A_178, %dma_start3A_179] : memref<10000x512xf32, #tpu.memory_space<hbm>> -> memref<8x512xf32, #tpu.memory_space<hbm>>
      %dma_start3A_181 = arith.constant 0 : i32
      %dma_start3A_182 = tpu.memref_slice %arg3[%mul3A_178, %dma_start3A_181] : memref<10000x512xf32, #tpu.memory_space<hbm>> -> memref<8x512xf32, #tpu.memory_space<hbm>>
      tpu.enqueue_dma source(%arg8 : memref<8x512xf32, #tpu.memory_space<vmem>>) target(%dma_start3A_182 : memref<8x512xf32, #tpu.memory_space<hbm>>) target_semaphore(%arg14 : memref<!tpu.dma_semaphore, #tpu.memory_space<semaphore_mem>>)
      %mul3A_183 = arith.constant 3 : i32
      %mul3A_184 = arith.muli %mul3A_183, %while3A_114 : i32
      %add3A_185 = arith.constant 2 : i32
      %add3A_186 = arith.addi %mul3A_184, %add3A_185 : i32
      %dma_wait3A_187 = arith.constant 0 : i32
      %dma_wait3A_188 = arith.constant 0 : i32
      %dma_wait3A_189 = arith.constant 0 : i32
      %dma_wait3A_190 = tpu.memref_slice %arg2[%dma_wait3A_187, %dma_wait3A_188, %dma_wait3A_189] : memref<10000x16x256xf32, #tpu.memory_space<hbm>> -> memref<8x16x256xf32, #tpu.memory_space<hbm>>
      %dma_wait3A_191 = arith.constant 0 : i32
      %dma_wait3A_192 = arith.constant 0 : i32
      %dma_wait3A_193 = arith.constant 0 : i32
      %dma_wait3A_194 = tpu.memref_slice %arg2[%dma_wait3A_191, %dma_wait3A_192, %dma_wait3A_193] : memref<10000x16x256xf32, #tpu.memory_space<hbm>> -> memref<8x16x256xf32, #tpu.memory_space<hbm>>
      tpu.wait_dma2 semaphore(%arg12 : memref<!tpu.dma_semaphore, #tpu.memory_space<semaphore_mem>>) src(%dma_wait3A_194 : memref<8x16x256xf32, #tpu.memory_space<hbm>>) dst(%arg6 : memref<8x16x256xf32, #tpu.memory_space<vmem>>)
      %gt3A_195 = arith.constant 0 : i32
      %gt3A_196 = arith.cmpi sgt, %while3A_114, %gt3A_195 : i32
      %convert_element_type3A_197 = arith.extui %gt3A_196 : i1 to i32
      %cond3A_198 = arith.constant 0 : i32
      %cond3A_199 = arith.cmpi ne, %convert_element_type3A_197, %cond3A_198 : i32
      scf.if %cond3A_199 {
        %dma_wait3A_219 = arith.constant 0 : i32
        %dma_wait3A_220 = arith.constant 0 : i32
        %dma_wait3A_221 = tpu.memref_slice %arg3[%dma_wait3A_219, %dma_wait3A_220] : memref<10000x512xf32, #tpu.memory_space<hbm>> -> memref<8x512xf32, #tpu.memory_space<hbm>>
        %dma_wait3A_222 = arith.constant 0 : i32
        %dma_wait3A_223 = arith.constant 0 : i32
        %dma_wait3A_224 = tpu.memref_slice %arg3[%dma_wait3A_222, %dma_wait3A_223] : memref<10000x512xf32, #tpu.memory_space<hbm>> -> memref<8x512xf32, #tpu.memory_space<hbm>>
        tpu.wait_dma2 semaphore(%arg15 : memref<!tpu.dma_semaphore, #tpu.memory_space<semaphore_mem>>) src(%arg9 : memref<8x512xf32, #tpu.memory_space<vmem>>) dst(%dma_wait3A_224 : memref<8x512xf32, #tpu.memory_space<hbm>>)
      } else {
      }
      %parallel_loop3A_200 = arith.constant 0 : i32
      %parallel_loop3A_201 = arith.constant 128 : i32
      %parallel_loop3A_202 = arith.constant 1 : i32
      scf.for %parallel_loop3A_219 = %parallel_loop3A_200 to %parallel_loop3A_201 step %parallel_loop3A_202  : i32 {
        %parallel_loop3A_220 = arith.constant 16 : i32
        %parallel_loop3A_221 = arith.divsi %parallel_loop3A_219, %parallel_loop3A_220 : i32
        %parallel_loop3A_222 = arith.constant 0 : i32
        %parallel_loop3A_223 = arith.cmpi sgt, %parallel_loop3A_219, %parallel_loop3A_222 : i32
        %parallel_loop3A_224 = arith.extui %parallel_loop3A_223 : i1 to i32
        %parallel_loop3A_225 = arith.constant 0 : i32
        %parallel_loop3A_226 = arith.cmpi slt, %parallel_loop3A_219, %parallel_loop3A_225 : i32
        %parallel_loop3A_227 = arith.extui %parallel_loop3A_226 : i1 to i32
        %parallel_loop3A_228 = arith.subi %parallel_loop3A_224, %parallel_loop3A_227 : i32
        %parallel_loop3A_229 = arith.constant 0 : i32
        %parallel_loop3A_230 = arith.cmpi sgt, %parallel_loop3A_220, %parallel_loop3A_229 : i32
        %parallel_loop3A_231 = arith.extui %parallel_loop3A_230 : i1 to i32
        %parallel_loop3A_232 = arith.constant 0 : i32
        %parallel_loop3A_233 = arith.cmpi slt, %parallel_loop3A_220, %parallel_loop3A_232 : i32
        %parallel_loop3A_234 = arith.extui %parallel_loop3A_233 : i1 to i32
        %parallel_loop3A_235 = arith.subi %parallel_loop3A_231, %parallel_loop3A_234 : i32
        %parallel_loop3A_236 = arith.cmpi ne, %parallel_loop3A_228, %parallel_loop3A_235 : i32
        %parallel_loop3A_237 = arith.remsi %parallel_loop3A_219, %parallel_loop3A_220 : i32
        %parallel_loop3A_238 = arith.constant 0 : i32
        %parallel_loop3A_239 = arith.cmpi ne, %parallel_loop3A_237, %parallel_loop3A_238 : i32
        %parallel_loop3A_240 = arith.andi %parallel_loop3A_236, %parallel_loop3A_239 : i1
        %parallel_loop3A_241 = arith.constant 1 : i32
        %parallel_loop3A_242 = arith.subi %parallel_loop3A_221, %parallel_loop3A_241 : i32
        %parallel_loop3A_243 = arith.select %parallel_loop3A_240, %parallel_loop3A_242, %parallel_loop3A_221 : i32
        %parallel_loop3A_244 = arith.constant 16 : i32
        %parallel_loop3A_245 = arith.constant 0 : i32
        %parallel_loop3A_246 = arith.cmpi eq, %parallel_loop3A_244, %parallel_loop3A_245 : i32
        %parallel_loop3A_247 = arith.constant 1 : i32
        %parallel_loop3A_248 = arith.select %parallel_loop3A_246, %parallel_loop3A_247, %parallel_loop3A_244 : i32
        %parallel_loop3A_249 = arith.remsi %parallel_loop3A_219, %parallel_loop3A_248 : i32
        %parallel_loop3A_250 = arith.constant 0 : i32
        %parallel_loop3A_251 = arith.cmpi ne, %parallel_loop3A_249, %parallel_loop3A_250 : i32
        %parallel_loop3A_252 = arith.constant 0 : i32
        %parallel_loop3A_253 = arith.cmpi slt, %parallel_loop3A_249, %parallel_loop3A_252 : i32
        %parallel_loop3A_254 = arith.constant 0 : i32
        %parallel_loop3A_255 = arith.cmpi slt, %parallel_loop3A_248, %parallel_loop3A_254 : i32
        %parallel_loop3A_256 = arith.xori %parallel_loop3A_253, %parallel_loop3A_255 : i1
        %parallel_loop3A_257 = arith.andi %parallel_loop3A_256, %parallel_loop3A_251 : i1
        %parallel_loop3A_258 = arith.addi %parallel_loop3A_249, %parallel_loop3A_248 : i32
        %parallel_loop3A_259 = arith.select %parallel_loop3A_257, %parallel_loop3A_258, %parallel_loop3A_249 : i32
        %parallel_loop3A_260 = arith.constant 16 : i32
        %parallel_loop3A_261 = arith.muli %parallel_loop3A_259, %parallel_loop3A_260 : i32
        %parallel_loop3A_262 = arith.constant 0 : i32
        %parallel_loop3A_263 = arith.index_cast %parallel_loop3A_243 : i32 to index
        %parallel_loop3A_264 = arith.index_cast %parallel_loop3A_262 : i32 to index
        %parallel_loop3A_265 = arith.index_cast %parallel_loop3A_261 : i32 to index
        %parallel_loop3A_266 = tpu.vector_load %arg6[%parallel_loop3A_263, %parallel_loop3A_264, %parallel_loop3A_265] {strides = array<i32>} : memref<8x16x256xf32, #tpu.memory_space<vmem>>, vector<1x1x16xf32>,
        %parallel_loop3A_267 = vector.shape_cast %parallel_loop3A_266 : vector<1x1x16xf32> to vector<16xf32>
        %parallel_loop3A_268 = arith.constant 1 : i32
        %parallel_loop3A_269 = arith.index_cast %parallel_loop3A_243 : i32 to index
        %parallel_loop3A_270 = arith.index_cast %parallel_loop3A_268 : i32 to index
        %parallel_loop3A_271 = arith.index_cast %parallel_loop3A_261 : i32 to index
        %parallel_loop3A_272 = tpu.vector_load %arg6[%parallel_loop3A_269, %parallel_loop3A_270, %parallel_loop3A_271] {strides = array<i32>} : memref<8x16x256xf32, #tpu.memory_space<vmem>>, vector<1x1x16xf32>,
        %parallel_loop3A_273 = vector.shape_cast %parallel_loop3A_272 : vector<1x1x16xf32> to vector<16xf32>
        %parallel_loop3A_274 = arith.constant 2 : i32
        %parallel_loop3A_275 = arith.index_cast %parallel_loop3A_243 : i32 to index
        %parallel_loop3A_276 = arith.index_cast %parallel_loop3A_274 : i32 to index
        %parallel_loop3A_277 = arith.index_cast %parallel_loop3A_261 : i32 to index
        %parallel_loop3A_278 = tpu.vector_load %arg6[%parallel_loop3A_275, %parallel_loop3A_276, %parallel_loop3A_277] {strides = array<i32>} : memref<8x16x256xf32, #tpu.memory_space<vmem>>, vector<1x1x16xf32>,
        %parallel_loop3A_279 = vector.shape_cast %parallel_loop3A_278 : vector<1x1x16xf32> to vector<16xf32>
        %parallel_loop3A_280 = arith.constant 3 : i32
        %parallel_loop3A_281 = arith.index_cast %parallel_loop3A_243 : i32 to index
        %parallel_loop3A_282 = arith.index_cast %parallel_loop3A_280 : i32 to index
        %parallel_loop3A_283 = arith.index_cast %parallel_loop3A_261 : i32 to index
        %parallel_loop3A_284 = tpu.vector_load %arg6[%parallel_loop3A_281, %parallel_loop3A_282, %parallel_loop3A_283] {strides = array<i32>} : memref<8x16x256xf32, #tpu.memory_space<vmem>>, vector<1x1x16xf32>,
        %parallel_loop3A_285 = vector.shape_cast %parallel_loop3A_284 : vector<1x1x16xf32> to vector<16xf32>
        %parallel_loop3A_286 = arith.constant 4 : i32
        %parallel_loop3A_287 = arith.index_cast %parallel_loop3A_243 : i32 to index
        %parallel_loop3A_288 = arith.index_cast %parallel_loop3A_286 : i32 to index
        %parallel_loop3A_289 = arith.index_cast %parallel_loop3A_261 : i32 to index
        %parallel_loop3A_290 = tpu.vector_load %arg6[%parallel_loop3A_287, %parallel_loop3A_288, %parallel_loop3A_289] {strides = array<i32>} : memref<8x16x256xf32, #tpu.memory_space<vmem>>, vector<1x1x16xf32>,
        %parallel_loop3A_291 = vector.shape_cast %parallel_loop3A_290 : vector<1x1x16xf32> to vector<16xf32>
        %parallel_loop3A_292 = arith.constant 5 : i32
        %parallel_loop3A_293 = arith.index_cast %parallel_loop3A_243 : i32 to index
        %parallel_loop3A_294 = arith.index_cast %parallel_loop3A_292 : i32 to index
        %parallel_loop3A_295 = arith.index_cast %parallel_loop3A_261 : i32 to index
        %parallel_loop3A_296 = tpu.vector_load %arg6[%parallel_loop3A_293, %parallel_loop3A_294, %parallel_loop3A_295] {strides = array<i32>} : memref<8x16x256xf32, #tpu.memory_space<vmem>>, vector<1x1x16xf32>,
        %parallel_loop3A_297 = vector.shape_cast %parallel_loop3A_296 : vector<1x1x16xf32> to vector<16xf32>
        %parallel_loop3A_298 = arith.constant 6 : i32
        %parallel_loop3A_299 = arith.index_cast %parallel_loop3A_243 : i32 to index
        %parallel_loop3A_300 = arith.index_cast %parallel_loop3A_298 : i32 to index
        %parallel_loop3A_301 = arith.index_cast %parallel_loop3A_261 : i32 to index
        %parallel_loop3A_302 = tpu.vector_load %arg6[%parallel_loop3A_299, %parallel_loop3A_300, %parallel_loop3A_301] {strides = array<i32>} : memref<8x16x256xf32, #tpu.memory_space<vmem>>, vector<1x1x16xf32>,
        %parallel_loop3A_303 = vector.shape_cast %parallel_loop3A_302 : vector<1x1x16xf32> to vector<16xf32>
        %parallel_loop3A_304 = arith.constant 7 : i32
        %parallel_loop3A_305 = arith.index_cast %parallel_loop3A_243 : i32 to index
        %parallel_loop3A_306 = arith.index_cast %parallel_loop3A_304 : i32 to index
        %parallel_loop3A_307 = arith.index_cast %parallel_loop3A_261 : i32 to index
        %parallel_loop3A_308 = tpu.vector_load %arg6[%parallel_loop3A_305, %parallel_loop3A_306, %parallel_loop3A_307] {strides = array<i32>} : memref<8x16x256xf32, #tpu.memory_space<vmem>>, vector<1x1x16xf32>,
        %parallel_loop3A_309 = vector.shape_cast %parallel_loop3A_308 : vector<1x1x16xf32> to vector<16xf32>
        %parallel_loop3A_310 = arith.constant 8 : i32
        %parallel_loop3A_311 = arith.index_cast %parallel_loop3A_243 : i32 to index
        %parallel_loop3A_312 = arith.index_cast %parallel_loop3A_310 : i32 to index
        %parallel_loop3A_313 = arith.index_cast %parallel_loop3A_261 : i32 to index
        %parallel_loop3A_314 = tpu.vector_load %arg6[%parallel_loop3A_311, %parallel_loop3A_312, %parallel_loop3A_313] {strides = array<i32>} : memref<8x16x256xf32, #tpu.memory_space<vmem>>, vector<1x1x16xf32>,
        %parallel_loop3A_315 = vector.shape_cast %parallel_loop3A_314 : vector<1x1x16xf32> to vector<16xf32>
        %parallel_loop3A_316 = arith.constant 9 : i32
        %parallel_loop3A_317 = arith.index_cast %parallel_loop3A_243 : i32 to index
        %parallel_loop3A_318 = arith.index_cast %parallel_loop3A_316 : i32 to index
        %parallel_loop3A_319 = arith.index_cast %parallel_loop3A_261 : i32 to index
        %parallel_loop3A_320 = tpu.vector_load %arg6[%parallel_loop3A_317, %parallel_loop3A_318, %parallel_loop3A_319] {strides = array<i32>} : memref<8x16x256xf32, #tpu.memory_space<vmem>>, vector<1x1x16xf32>,
        %parallel_loop3A_321 = vector.shape_cast %parallel_loop3A_320 : vector<1x1x16xf32> to vector<16xf32>
        %parallel_loop3A_322 = arith.constant 10 : i32
        %parallel_loop3A_323 = arith.index_cast %parallel_loop3A_243 : i32 to index
        %parallel_loop3A_324 = arith.index_cast %parallel_loop3A_322 : i32 to index
        %parallel_loop3A_325 = arith.index_cast %parallel_loop3A_261 : i32 to index
        %parallel_loop3A_326 = tpu.vector_load %arg6[%parallel_loop3A_323, %parallel_loop3A_324, %parallel_loop3A_325] {strides = array<i32>} : memref<8x16x256xf32, #tpu.memory_space<vmem>>, vector<1x1x16xf32>,
        %parallel_loop3A_327 = vector.shape_cast %parallel_loop3A_326 : vector<1x1x16xf32> to vector<16xf32>
        %parallel_loop3A_328 = arith.constant 11 : i32
        %parallel_loop3A_329 = arith.index_cast %parallel_loop3A_243 : i32 to index
        %parallel_loop3A_330 = arith.index_cast %parallel_loop3A_328 : i32 to index
        %parallel_loop3A_331 = arith.index_cast %parallel_loop3A_261 : i32 to index
        %parallel_loop3A_332 = tpu.vector_load %arg6[%parallel_loop3A_329, %parallel_loop3A_330, %parallel_loop3A_331] {strides = array<i32>} : memref<8x16x256xf32, #tpu.memory_space<vmem>>, vector<1x1x16xf32>,
        %parallel_loop3A_333 = vector.shape_cast %parallel_loop3A_332 : vector<1x1x16xf32> to vector<16xf32>
        %parallel_loop3A_334 = arith.constant 12 : i32
        %parallel_loop3A_335 = arith.index_cast %parallel_loop3A_243 : i32 to index
        %parallel_loop3A_336 = arith.index_cast %parallel_loop3A_334 : i32 to index
        %parallel_loop3A_337 = arith.index_cast %parallel_loop3A_261 : i32 to index
        %parallel_loop3A_338 = tpu.vector_load %arg6[%parallel_loop3A_335, %parallel_loop3A_336, %parallel_loop3A_337] {strides = array<i32>} : memref<8x16x256xf32, #tpu.memory_space<vmem>>, vector<1x1x16xf32>,
        %parallel_loop3A_339 = vector.shape_cast %parallel_loop3A_338 : vector<1x1x16xf32> to vector<16xf32>
        %parallel_loop3A_340 = arith.constant 13 : i32
        %parallel_loop3A_341 = arith.index_cast %parallel_loop3A_243 : i32 to index
        %parallel_loop3A_342 = arith.index_cast %parallel_loop3A_340 : i32 to index
        %parallel_loop3A_343 = arith.index_cast %parallel_loop3A_261 : i32 to index
        %parallel_loop3A_344 = tpu.vector_load %arg6[%parallel_loop3A_341, %parallel_loop3A_342, %parallel_loop3A_343] {strides = array<i32>} : memref<8x16x256xf32, #tpu.memory_space<vmem>>, vector<1x1x16xf32>,
        %parallel_loop3A_345 = vector.shape_cast %parallel_loop3A_344 : vector<1x1x16xf32> to vector<16xf32>
        %parallel_loop3A_346 = arith.constant 14 : i32
        %parallel_loop3A_347 = arith.index_cast %parallel_loop3A_243 : i32 to index
        %parallel_loop3A_348 = arith.index_cast %parallel_loop3A_346 : i32 to index
        %parallel_loop3A_349 = arith.index_cast %parallel_loop3A_261 : i32 to index
        %parallel_loop3A_350 = tpu.vector_load %arg6[%parallel_loop3A_347, %parallel_loop3A_348, %parallel_loop3A_349] {strides = array<i32>} : memref<8x16x256xf32, #tpu.memory_space<vmem>>, vector<1x1x16xf32>,
        %parallel_loop3A_351 = vector.shape_cast %parallel_loop3A_350 : vector<1x1x16xf32> to vector<16xf32>
        %parallel_loop3A_352 = arith.constant 15 : i32
        %parallel_loop3A_353 = arith.index_cast %parallel_loop3A_243 : i32 to index
        %parallel_loop3A_354 = arith.index_cast %parallel_loop3A_352 : i32 to index
        %parallel_loop3A_355 = arith.index_cast %parallel_loop3A_261 : i32 to index
        %parallel_loop3A_356 = tpu.vector_load %arg6[%parallel_loop3A_353, %parallel_loop3A_354, %parallel_loop3A_355] {strides = array<i32>} : memref<8x16x256xf32, #tpu.memory_space<vmem>>, vector<1x1x16xf32>,
        %parallel_loop3A_357 = vector.shape_cast %parallel_loop3A_356 : vector<1x1x16xf32> to vector<16xf32>
        %parallel_loop3A_358 = arith.addf %parallel_loop3A_267, %parallel_loop3A_273 : vector<16xf32>
        %parallel_loop3A_359 = arith.addf %parallel_loop3A_279, %parallel_loop3A_285 : vector<16xf32>
        %parallel_loop3A_360 = arith.addf %parallel_loop3A_291, %parallel_loop3A_297 : vector<16xf32>
        %parallel_loop3A_361 = arith.addf %parallel_loop3A_303, %parallel_loop3A_309 : vector<16xf32>
        %parallel_loop3A_362 = arith.addf %parallel_loop3A_315, %parallel_loop3A_321 : vector<16xf32>
        %parallel_loop3A_363 = arith.addf %parallel_loop3A_327, %parallel_loop3A_333 : vector<16xf32>
        %parallel_loop3A_364 = arith.addf %parallel_loop3A_339, %parallel_loop3A_345 : vector<16xf32>
        %parallel_loop3A_365 = arith.addf %parallel_loop3A_351, %parallel_loop3A_357 : vector<16xf32>
        %parallel_loop3A_366 = arith.maximumf %parallel_loop3A_267, %parallel_loop3A_273 : vector<16xf32>
        %parallel_loop3A_367 = arith.maximumf %parallel_loop3A_279, %parallel_loop3A_285 : vector<16xf32>
        %parallel_loop3A_368 = arith.maximumf %parallel_loop3A_291, %parallel_loop3A_297 : vector<16xf32>
        %parallel_loop3A_369 = arith.maximumf %parallel_loop3A_303, %parallel_loop3A_309 : vector<16xf32>
        %parallel_loop3A_370 = arith.maximumf %parallel_loop3A_315, %parallel_loop3A_321 : vector<16xf32>
        %parallel_loop3A_371 = arith.maximumf %parallel_loop3A_327, %parallel_loop3A_333 : vector<16xf32>
        %parallel_loop3A_372 = arith.maximumf %parallel_loop3A_339, %parallel_loop3A_345 : vector<16xf32>
        %parallel_loop3A_373 = arith.maximumf %parallel_loop3A_351, %parallel_loop3A_357 : vector<16xf32>
        %parallel_loop3A_374 = arith.addf %parallel_loop3A_358, %parallel_loop3A_359 : vector<16xf32>
        %parallel_loop3A_375 = arith.addf %parallel_loop3A_360, %parallel_loop3A_361 : vector<16xf32>
        %parallel_loop3A_376 = arith.addf %parallel_loop3A_362, %parallel_loop3A_363 : vector<16xf32>
        %parallel_loop3A_377 = arith.addf %parallel_loop3A_364, %parallel_loop3A_365 : vector<16xf32>
        %parallel_loop3A_378 = arith.maximumf %parallel_loop3A_366, %parallel_loop3A_367 : vector<16xf32>
        %parallel_loop3A_379 = arith.maximumf %parallel_loop3A_368, %parallel_loop3A_369 : vector<16xf32>
        %parallel_loop3A_380 = arith.maximumf %parallel_loop3A_370, %parallel_loop3A_371 : vector<16xf32>
        %parallel_loop3A_381 = arith.maximumf %parallel_loop3A_372, %parallel_loop3A_373 : vector<16xf32>
        %parallel_loop3A_382 = arith.addf %parallel_loop3A_374, %parallel_loop3A_375 : vector<16xf32>
        %parallel_loop3A_383 = arith.addf %parallel_loop3A_376, %parallel_loop3A_377 : vector<16xf32>
        %parallel_loop3A_384 = arith.maximumf %parallel_loop3A_378, %parallel_loop3A_379 : vector<16xf32>
        %parallel_loop3A_385 = arith.maximumf %parallel_loop3A_380, %parallel_loop3A_381 : vector<16xf32>
        %parallel_loop3A_386 = arith.addf %parallel_loop3A_382, %parallel_loop3A_383 : vector<16xf32>
        %parallel_loop3A_387 = arith.maximumf %parallel_loop3A_384, %parallel_loop3A_385 : vector<16xf32>
        %parallel_loop3A_388 = arith.constant 6.250000e-02 : f32
        %parallel_loop3A_389 = vector.broadcast %parallel_loop3A_388 : f32 to vector<16xf32>
        %parallel_loop3A_390 = arith.mulf %parallel_loop3A_386, %parallel_loop3A_389 : vector<16xf32>
        %parallel_loop3A_391 = arith.index_cast %parallel_loop3A_243 : i32 to index
        %parallel_loop3A_392 = arith.index_cast %parallel_loop3A_261 : i32 to index
        %parallel_loop3A_393 = tpu.vector_load %arg9[%parallel_loop3A_391, %parallel_loop3A_392] {strides = array<i32>} : memref<8x512xf32, #tpu.memory_space<vmem>>, vector<1x16xf32>,
        %parallel_loop3A_394 = vector.shape_cast %parallel_loop3A_393 : vector<1x16xf32> to vector<16xf32>
        %parallel_loop3A_395 = vector.shape_cast %parallel_loop3A_390 : vector<16xf32> to vector<1x16xf32>
        tpu.vector_store %arg9[%parallel_loop3A_391, %parallel_loop3A_392], %parallel_loop3A_395 {strides = array<i32>} : memref<8x512xf32, #tpu.memory_space<vmem>>, vector<1x16xf32>,
        %parallel_loop3A_396 = arith.constant 256 : i32
        %parallel_loop3A_397 = arith.addi %parallel_loop3A_396, %parallel_loop3A_261 : i32
        %parallel_loop3A_398 = arith.index_cast %parallel_loop3A_243 : i32 to index
        %parallel_loop3A_399 = arith.index_cast %parallel_loop3A_397 : i32 to index
        %parallel_loop3A_400 = tpu.vector_load %arg9[%parallel_loop3A_398, %parallel_loop3A_399] {strides = array<i32>} : memref<8x512xf32, #tpu.memory_space<vmem>>, vector<1x16xf32>,
        %parallel_loop3A_401 = vector.shape_cast %parallel_loop3A_400 : vector<1x16xf32> to vector<16xf32>
        %parallel_loop3A_402 = vector.shape_cast %parallel_loop3A_387 : vector<16xf32> to vector<1x16xf32>
        tpu.vector_store %arg9[%parallel_loop3A_398, %parallel_loop3A_399], %parallel_loop3A_402 {strides = array<i32>} : memref<8x512xf32, #tpu.memory_space<vmem>>, vector<1x16xf32>,
      } {sc.loop_unroll_factor = 2 : i64, sc.parallel_access}
      %add3A_203 = arith.constant 3 : i32
      %add3A_204 = arith.addi %add3A_186, %add3A_203 : i32
      %lt3A_205 = arith.cmpi slt, %add3A_204, %select_n3A : i32
      %convert_element_type3A_206 = arith.extui %lt3A_205 : i1 to i32
      %cond3A_207 = arith.constant 0 : i32
      %cond3A_208 = arith.cmpi ne, %convert_element_type3A_206, %cond3A_207 : i32
      scf.if %cond3A_208 {
        %add3A_219 = arith.constant 3 : i32
        %add3A_220 = arith.addi %add3A_186, %add3A_219 : i32
        %mul3A_221 = arith.constant 32 : i32
        %mul3A_222 = arith.muli %add3A_220, %mul3A_221 : i32
        %add3A_223 = arith.addi %add3A, %mul3A_222 : i32
        %mul3A_224 = arith.constant 8 : i32
        %mul3A_225 = arith.muli %add3A_223, %mul3A_224 : i32
        %dma_start3A_226 = arith.constant 0 : i32
        %dma_start3A_227 = arith.constant 0 : i32
        %dma_start3A_228 = tpu.memref_slice %arg2[%mul3A_225, %dma_start3A_226, %dma_start3A_227] : memref<10000x16x256xf32, #tpu.memory_space<hbm>> -> memref<8x16x256xf32, #tpu.memory_space<hbm>>
        %dma_start3A_229 = arith.constant 0 : i32
        %dma_start3A_230 = arith.constant 0 : i32
        %dma_start3A_231 = tpu.memref_slice %arg2[%mul3A_225, %dma_start3A_229, %dma_start3A_230] : memref<10000x16x256xf32, #tpu.memory_space<hbm>> -> memref<8x16x256xf32, #tpu.memory_space<hbm>>
        tpu.enqueue_dma source(%dma_start3A_231 : memref<8x16x256xf32, #tpu.memory_space<hbm>>) target(%arg6 : memref<8x16x256xf32, #tpu.memory_space<vmem>>) target_semaphore(%arg12 : memref<!tpu.dma_semaphore, #tpu.memory_space<semaphore_mem>>)
      } else {
      }
      %mul3A_209 = arith.constant 32 : i32
      %mul3A_210 = arith.muli %add3A_186, %mul3A_209 : i32
      %add3A_211 = arith.addi %add3A, %mul3A_210 : i32
      %mul3A_212 = arith.constant 8 : i32
      %mul3A_213 = arith.muli %add3A_211, %mul3A_212 : i32
      %dma_start3A_214 = arith.constant 0 : i32
      %dma_start3A_215 = tpu.memref_slice %arg3[%mul3A_213, %dma_start3A_214] : memref<10000x512xf32, #tpu.memory_space<hbm>> -> memref<8x512xf32, #tpu.memory_space<hbm>>
      %dma_start3A_216 = arith.constant 0 : i32
      %dma_start3A_217 = tpu.memref_slice %arg3[%mul3A_213, %dma_start3A_216] : memref<10000x512xf32, #tpu.memory_space<hbm>> -> memref<8x512xf32, #tpu.memory_space<hbm>>
      tpu.enqueue_dma source(%arg9 : memref<8x512xf32, #tpu.memory_space<vmem>>) target(%dma_start3A_217 : memref<8x512xf32, #tpu.memory_space<hbm>>) target_semaphore(%arg15 : memref<!tpu.dma_semaphore, #tpu.memory_space<semaphore_mem>>)
      %while3A_218 = arith.constant 0 : i32
      scf.yield %while3A_218 : i32
    }
    %while3A_88 = arith.constant 1 : i32
    %while3A_89 = scf.for %while3A_114 = %while3A_85 to %while3A_81 step %while3A_88 iter_args(%while3A_115 = %while3A_87) -> (i32)  : i32 {
      %mul3A_116 = arith.constant 3 : i32
      %mul3A_117 = arith.muli %mul3A_116, %while3A_114 : i32
      %add3A_118 = arith.constant 0 : i32
      %add3A_119 = arith.addi %mul3A_117, %add3A_118 : i32
      %dma_wait3A_120 = arith.constant 0 : i32
      %dma_wait3A_121 = arith.constant 0 : i32
      %dma_wait3A_122 = arith.constant 0 : i32
      %dma_wait3A_123 = tpu.memref_slice %arg2[%dma_wait3A_120, %dma_wait3A_121, %dma_wait3A_122] : memref<10000x16x256xf32, #tpu.memory_space<hbm>> -> memref<8x16x256xf32, #tpu.memory_space<hbm>>
      %dma_wait3A_124 = arith.constant 0 : i32
      %dma_wait3A_125 = arith.constant 0 : i32
      %dma_wait3A_126 = arith.constant 0 : i32
      %dma_wait3A_127 = tpu.memref_slice %arg2[%dma_wait3A_124, %dma_wait3A_125, %dma_wait3A_126] : memref<10000x16x256xf32, #tpu.memory_space<hbm>> -> memref<8x16x256xf32, #tpu.memory_space<hbm>>
      tpu.wait_dma2 semaphore(%arg10 : memref<!tpu.dma_semaphore, #tpu.memory_space<semaphore_mem>>) src(%dma_wait3A_127 : memref<8x16x256xf32, #tpu.memory_space<hbm>>) dst(%arg4 : memref<8x16x256xf32, #tpu.memory_space<vmem>>)
      %gt3A = arith.constant 0 : i32
      %gt3A_128 = arith.cmpi sgt, %while3A_114, %gt3A : i32
      %convert_element_type3A_129 = arith.extui %gt3A_128 : i1 to i32
      %cond3A_130 = arith.constant 0 : i32
      %cond3A_131 = arith.cmpi ne, %convert_element_type3A_129, %cond3A_130 : i32
      scf.if %cond3A_131 {
        %dma_wait3A_219 = arith.constant 0 : i32
        %dma_wait3A_220 = arith.constant 0 : i32
        %dma_wait3A_221 = tpu.memref_slice %arg3[%dma_wait3A_219, %dma_wait3A_220] : memref<10000x512xf32, #tpu.memory_space<hbm>> -> memref<8x512xf32, #tpu.memory_space<hbm>>
        %dma_wait3A_222 = arith.constant 0 : i32
        %dma_wait3A_223 = arith.constant 0 : i32
        %dma_wait3A_224 = tpu.memref_slice %arg3[%dma_wait3A_222, %dma_wait3A_223] : memref<10000x512xf32, #tpu.memory_space<hbm>> -> memref<8x512xf32, #tpu.memory_space<hbm>>
        tpu.wait_dma2 semaphore(%arg13 : memref<!tpu.dma_semaphore, #tpu.memory_space<semaphore_mem>>) src(%arg7 : memref<8x512xf32, #tpu.memory_space<vmem>>) dst(%dma_wait3A_224 : memref<8x512xf32, #tpu.memory_space<hbm>>)
      } else {
      }
      %parallel_loop3A = arith.constant 0 : i32
      %parallel_loop3A_132 = arith.constant 128 : i32
      %parallel_loop3A_133 = arith.constant 1 : i32
      scf.for %parallel_loop3A_219 = %parallel_loop3A to %parallel_loop3A_132 step %parallel_loop3A_133  : i32 {
        %parallel_loop3A_220 = arith.constant 16 : i32
        %parallel_loop3A_221 = arith.divsi %parallel_loop3A_219, %parallel_loop3A_220 : i32
        %parallel_loop3A_222 = arith.constant 0 : i32
        %parallel_loop3A_223 = arith.cmpi sgt, %parallel_loop3A_219, %parallel_loop3A_222 : i32
        %parallel_loop3A_224 = arith.extui %parallel_loop3A_223 : i1 to i32
        %parallel_loop3A_225 = arith.constant 0 : i32
        %parallel_loop3A_226 = arith.cmpi slt, %parallel_loop3A_219, %parallel_loop3A_225 : i32
        %parallel_loop3A_227 = arith.extui %parallel_loop3A_226 : i1 to i32
        %parallel_loop3A_228 = arith.subi %parallel_loop3A_224, %parallel_loop3A_227 : i32
        %parallel_loop3A_229 = arith.constant 0 : i32
        %parallel_loop3A_230 = arith.cmpi sgt, %parallel_loop3A_220, %parallel_loop3A_229 : i32
        %parallel_loop3A_231 = arith.extui %parallel_loop3A_230 : i1 to i32
        %parallel_loop3A_232 = arith.constant 0 : i32
        %parallel_loop3A_233 = arith.cmpi slt, %parallel_loop3A_220, %parallel_loop3A_232 : i32
        %parallel_loop3A_234 = arith.extui %parallel_loop3A_233 : i1 to i32
        %parallel_loop3A_235 = arith.subi %parallel_loop3A_231, %parallel_loop3A_234 : i32
        %parallel_loop3A_236 = arith.cmpi ne, %parallel_loop3A_228, %parallel_loop3A_235 : i32
        %parallel_loop3A_237 = arith.remsi %parallel_loop3A_219, %parallel_loop3A_220 : i32
        %parallel_loop3A_238 = arith.constant 0 : i32
        %parallel_loop3A_239 = arith.cmpi ne, %parallel_loop3A_237, %parallel_loop3A_238 : i32
        %parallel_loop3A_240 = arith.andi %parallel_loop3A_236, %parallel_loop3A_239 : i1
        %parallel_loop3A_241 = arith.constant 1 : i32
        %parallel_loop3A_242 = arith.subi %parallel_loop3A_221, %parallel_loop3A_241 : i32
        %parallel_loop3A_243 = arith.select %parallel_loop3A_240, %parallel_loop3A_242, %parallel_loop3A_221 : i32
        %parallel_loop3A_244 = arith.constant 16 : i32
        %parallel_loop3A_245 = arith.constant 0 : i32
        %parallel_loop3A_246 = arith.cmpi eq, %parallel_loop3A_244, %parallel_loop3A_245 : i32
        %parallel_loop3A_247 = arith.constant 1 : i32
        %parallel_loop3A_248 = arith.select %parallel_loop3A_246, %parallel_loop3A_247, %parallel_loop3A_244 : i32
        %parallel_loop3A_249 = arith.remsi %parallel_loop3A_219, %parallel_loop3A_248 : i32
        %parallel_loop3A_250 = arith.constant 0 : i32
        %parallel_loop3A_251 = arith.cmpi ne, %parallel_loop3A_249, %parallel_loop3A_250 : i32
        %parallel_loop3A_252 = arith.constant 0 : i32
        %parallel_loop3A_253 = arith.cmpi slt, %parallel_loop3A_249, %parallel_loop3A_252 : i32
        %parallel_loop3A_254 = arith.constant 0 : i32
        %parallel_loop3A_255 = arith.cmpi slt, %parallel_loop3A_248, %parallel_loop3A_254 : i32
        %parallel_loop3A_256 = arith.xori %parallel_loop3A_253, %parallel_loop3A_255 : i1
        %parallel_loop3A_257 = arith.andi %parallel_loop3A_256, %parallel_loop3A_251 : i1
        %parallel_loop3A_258 = arith.addi %parallel_loop3A_249, %parallel_loop3A_248 : i32
        %parallel_loop3A_259 = arith.select %parallel_loop3A_257, %parallel_loop3A_258, %parallel_loop3A_249 : i32
        %parallel_loop3A_260 = arith.constant 16 : i32
        %parallel_loop3A_261 = arith.muli %parallel_loop3A_259, %parallel_loop3A_260 : i32
        %parallel_loop3A_262 = arith.constant 0 : i32
        %parallel_loop3A_263 = arith.index_cast %parallel_loop3A_243 : i32 to index
        %parallel_loop3A_264 = arith.index_cast %parallel_loop3A_262 : i32 to index
        %parallel_loop3A_265 = arith.index_cast %parallel_loop3A_261 : i32 to index
        %parallel_loop3A_266 = tpu.vector_load %arg4[%parallel_loop3A_263, %parallel_loop3A_264, %parallel_loop3A_265] {strides = array<i32>} : memref<8x16x256xf32, #tpu.memory_space<vmem>>, vector<1x1x16xf32>,
        %parallel_loop3A_267 = vector.shape_cast %parallel_loop3A_266 : vector<1x1x16xf32> to vector<16xf32>
        %parallel_loop3A_268 = arith.constant 1 : i32
        %parallel_loop3A_269 = arith.index_cast %parallel_loop3A_243 : i32 to index
        %parallel_loop3A_270 = arith.index_cast %parallel_loop3A_268 : i32 to index
        %parallel_loop3A_271 = arith.index_cast %parallel_loop3A_261 : i32 to index
        %parallel_loop3A_272 = tpu.vector_load %arg4[%parallel_loop3A_269, %parallel_loop3A_270, %parallel_loop3A_271] {strides = array<i32>} : memref<8x16x256xf32, #tpu.memory_space<vmem>>, vector<1x1x16xf32>,
        %parallel_loop3A_273 = vector.shape_cast %parallel_loop3A_272 : vector<1x1x16xf32> to vector<16xf32>
        %parallel_loop3A_274 = arith.constant 2 : i32
        %parallel_loop3A_275 = arith.index_cast %parallel_loop3A_243 : i32 to index
        %parallel_loop3A_276 = arith.index_cast %parallel_loop3A_274 : i32 to index
        %parallel_loop3A_277 = arith.index_cast %parallel_loop3A_261 : i32 to index
        %parallel_loop3A_278 = tpu.vector_load %arg4[%parallel_loop3A_275, %parallel_loop3A_276, %parallel_loop3A_277] {strides = array<i32>} : memref<8x16x256xf32, #tpu.memory_space<vmem>>, vector<1x1x16xf32>,
        %parallel_loop3A_279 = vector.shape_cast %parallel_loop3A_278 : vector<1x1x16xf32> to vector<16xf32>
        %parallel_loop3A_280 = arith.constant 3 : i32
        %parallel_loop3A_281 = arith.index_cast %parallel_loop3A_243 : i32 to index
        %parallel_loop3A_282 = arith.index_cast %parallel_loop3A_280 : i32 to index
        %parallel_loop3A_283 = arith.index_cast %parallel_loop3A_261 : i32 to index
        %parallel_loop3A_284 = tpu.vector_load %arg4[%parallel_loop3A_281, %parallel_loop3A_282, %parallel_loop3A_283] {strides = array<i32>} : memref<8x16x256xf32, #tpu.memory_space<vmem>>, vector<1x1x16xf32>,
        %parallel_loop3A_285 = vector.shape_cast %parallel_loop3A_284 : vector<1x1x16xf32> to vector<16xf32>
        %parallel_loop3A_286 = arith.constant 4 : i32
        %parallel_loop3A_287 = arith.index_cast %parallel_loop3A_243 : i32 to index
        %parallel_loop3A_288 = arith.index_cast %parallel_loop3A_286 : i32 to index
        %parallel_loop3A_289 = arith.index_cast %parallel_loop3A_261 : i32 to index
        %parallel_loop3A_290 = tpu.vector_load %arg4[%parallel_loop3A_287, %parallel_loop3A_288, %parallel_loop3A_289] {strides = array<i32>} : memref<8x16x256xf32, #tpu.memory_space<vmem>>, vector<1x1x16xf32>,
        %parallel_loop3A_291 = vector.shape_cast %parallel_loop3A_290 : vector<1x1x16xf32> to vector<16xf32>
        %parallel_loop3A_292 = arith.constant 5 : i32
        %parallel_loop3A_293 = arith.index_cast %parallel_loop3A_243 : i32 to index
        %parallel_loop3A_294 = arith.index_cast %parallel_loop3A_292 : i32 to index
        %parallel_loop3A_295 = arith.index_cast %parallel_loop3A_261 : i32 to index
        %parallel_loop3A_296 = tpu.vector_load %arg4[%parallel_loop3A_293, %parallel_loop3A_294, %parallel_loop3A_295] {strides = array<i32>} : memref<8x16x256xf32, #tpu.memory_space<vmem>>, vector<1x1x16xf32>,
        %parallel_loop3A_297 = vector.shape_cast %parallel_loop3A_296 : vector<1x1x16xf32> to vector<16xf32>
        %parallel_loop3A_298 = arith.constant 6 : i32
        %parallel_loop3A_299 = arith.index_cast %parallel_loop3A_243 : i32 to index
        %parallel_loop3A_300 = arith.index_cast %parallel_loop3A_298 : i32 to index
        %parallel_loop3A_301 = arith.index_cast %parallel_loop3A_261 : i32 to index
        %parallel_loop3A_302 = tpu.vector_load %arg4[%parallel_loop3A_299, %parallel_loop3A_300, %parallel_loop3A_301] {strides = array<i32>} : memref<8x16x256xf32, #tpu.memory_space<vmem>>, vector<1x1x16xf32>,
        %parallel_loop3A_303 = vector.shape_cast %parallel_loop3A_302 : vector<1x1x16xf32> to vector<16xf32>
        %parallel_loop3A_304 = arith.constant 7 : i32
        %parallel_loop3A_305 = arith.index_cast %parallel_loop3A_243 : i32 to index
        %parallel_loop3A_306 = arith.index_cast %parallel_loop3A_304 : i32 to index
        %parallel_loop3A_307 = arith.index_cast %parallel_loop3A_261 : i32 to index
        %parallel_loop3A_308 = tpu.vector_load %arg4[%parallel_loop3A_305, %parallel_loop3A_306, %parallel_loop3A_307] {strides = array<i32>} : memref<8x16x256xf32, #tpu.memory_space<vmem>>, vector<1x1x16xf32>,
        %parallel_loop3A_309 = vector.shape_cast %parallel_loop3A_308 : vector<1x1x16xf32> to vector<16xf32>
        %parallel_loop3A_310 = arith.constant 8 : i32
        %parallel_loop3A_311 = arith.index_cast %parallel_loop3A_243 : i32 to index
        %parallel_loop3A_312 = arith.index_cast %parallel_loop3A_310 : i32 to index
        %parallel_loop3A_313 = arith.index_cast %parallel_loop3A_261 : i32 to index
        %parallel_loop3A_314 = tpu.vector_load %arg4[%parallel_loop3A_311, %parallel_loop3A_312, %parallel_loop3A_313] {strides = array<i32>} : memref<8x16x256xf32, #tpu.memory_space<vmem>>, vector<1x1x16xf32>,
        %parallel_loop3A_315 = vector.shape_cast %parallel_loop3A_314 : vector<1x1x16xf32> to vector<16xf32>
        %parallel_loop3A_316 = arith.constant 9 : i32
        %parallel_loop3A_317 = arith.index_cast %parallel_loop3A_243 : i32 to index
        %parallel_loop3A_318 = arith.index_cast %parallel_loop3A_316 : i32 to index
        %parallel_loop3A_319 = arith.index_cast %parallel_loop3A_261 : i32 to index
        %parallel_loop3A_320 = tpu.vector_load %arg4[%parallel_loop3A_317, %parallel_loop3A_318, %parallel_loop3A_319] {strides = array<i32>} : memref<8x16x256xf32, #tpu.memory_space<vmem>>, vector<1x1x16xf32>,
        %parallel_loop3A_321 = vector.shape_cast %parallel_loop3A_320 : vector<1x1x16xf32> to vector<16xf32>
        %parallel_loop3A_322 = arith.constant 10 : i32
        %parallel_loop3A_323 = arith.index_cast %parallel_loop3A_243 : i32 to index
        %parallel_loop3A_324 = arith.index_cast %parallel_loop3A_322 : i32 to index
        %parallel_loop3A_325 = arith.index_cast %parallel_loop3A_261 : i32 to index
        %parallel_loop3A_326 = tpu.vector_load %arg4[%parallel_loop3A_323, %parallel_loop3A_324, %parallel_loop3A_325] {strides = array<i32>} : memref<8x16x256xf32, #tpu.memory_space<vmem>>, vector<1x1x16xf32>,
        %parallel_loop3A_327 = vector.shape_cast %parallel_loop3A_326 : vector<1x1x16xf32> to vector<16xf32>
        %parallel_loop3A_328 = arith.constant 11 : i32
        %parallel_loop3A_329 = arith.index_cast %parallel_loop3A_243 : i32 to index
        %parallel_loop3A_330 = arith.index_cast %parallel_loop3A_328 : i32 to index
        %parallel_loop3A_331 = arith.index_cast %parallel_loop3A_261 : i32 to index
        %parallel_loop3A_332 = tpu.vector_load %arg4[%parallel_loop3A_329, %parallel_loop3A_330, %parallel_loop3A_331] {strides = array<i32>} : memref<8x16x256xf32, #tpu.memory_space<vmem>>, vector<1x1x16xf32>,
        %parallel_loop3A_333 = vector.shape_cast %parallel_loop3A_332 : vector<1x1x16xf32> to vector<16xf32>
        %parallel_loop3A_334 = arith.constant 12 : i32
        %parallel_loop3A_335 = arith.index_cast %parallel_loop3A_243 : i32 to index
        %parallel_loop3A_336 = arith.index_cast %parallel_loop3A_334 : i32 to index
        %parallel_loop3A_337 = arith.index_cast %parallel_loop3A_261 : i32 to index
        %parallel_loop3A_338 = tpu.vector_load %arg4[%parallel_loop3A_335, %parallel_loop3A_336, %parallel_loop3A_337] {strides = array<i32>} : memref<8x16x256xf32, #tpu.memory_space<vmem>>, vector<1x1x16xf32>,
        %parallel_loop3A_339 = vector.shape_cast %parallel_loop3A_338 : vector<1x1x16xf32> to vector<16xf32>
        %parallel_loop3A_340 = arith.constant 13 : i32
        %parallel_loop3A_341 = arith.index_cast %parallel_loop3A_243 : i32 to index
        %parallel_loop3A_342 = arith.index_cast %parallel_loop3A_340 : i32 to index
        %parallel_loop3A_343 = arith.index_cast %parallel_loop3A_261 : i32 to index
        %parallel_loop3A_344 = tpu.vector_load %arg4[%parallel_loop3A_341, %parallel_loop3A_342, %parallel_loop3A_343] {strides = array<i32>} : memref<8x16x256xf32, #tpu.memory_space<vmem>>, vector<1x1x16xf32>,
        %parallel_loop3A_345 = vector.shape_cast %parallel_loop3A_344 : vector<1x1x16xf32> to vector<16xf32>
        %parallel_loop3A_346 = arith.constant 14 : i32
        %parallel_loop3A_347 = arith.index_cast %parallel_loop3A_243 : i32 to index
        %parallel_loop3A_348 = arith.index_cast %parallel_loop3A_346 : i32 to index
        %parallel_loop3A_349 = arith.index_cast %parallel_loop3A_261 : i32 to index
        %parallel_loop3A_350 = tpu.vector_load %arg4[%parallel_loop3A_347, %parallel_loop3A_348, %parallel_loop3A_349] {strides = array<i32>} : memref<8x16x256xf32, #tpu.memory_space<vmem>>, vector<1x1x16xf32>,
        %parallel_loop3A_351 = vector.shape_cast %parallel_loop3A_350 : vector<1x1x16xf32> to vector<16xf32>
        %parallel_loop3A_352 = arith.constant 15 : i32
        %parallel_loop3A_353 = arith.index_cast %parallel_loop3A_243 : i32 to index
        %parallel_loop3A_354 = arith.index_cast %parallel_loop3A_352 : i32 to index
        %parallel_loop3A_355 = arith.index_cast %parallel_loop3A_261 : i32 to index
        %parallel_loop3A_356 = tpu.vector_load %arg4[%parallel_loop3A_353, %parallel_loop3A_354, %parallel_loop3A_355] {strides = array<i32>} : memref<8x16x256xf32, #tpu.memory_space<vmem>>, vector<1x1x16xf32>,
        %parallel_loop3A_357 = vector.shape_cast %parallel_loop3A_356 : vector<1x1x16xf32> to vector<16xf32>
        %parallel_loop3A_358 = arith.addf %parallel_loop3A_267, %parallel_loop3A_273 : vector<16xf32>
        %parallel_loop3A_359 = arith.addf %parallel_loop3A_279, %parallel_loop3A_285 : vector<16xf32>
        %parallel_loop3A_360 = arith.addf %parallel_loop3A_291, %parallel_loop3A_297 : vector<16xf32>
        %parallel_loop3A_361 = arith.addf %parallel_loop3A_303, %parallel_loop3A_309 : vector<16xf32>
        %parallel_loop3A_362 = arith.addf %parallel_loop3A_315, %parallel_loop3A_321 : vector<16xf32>
        %parallel_loop3A_363 = arith.addf %parallel_loop3A_327, %parallel_loop3A_333 : vector<16xf32>
        %parallel_loop3A_364 = arith.addf %parallel_loop3A_339, %parallel_loop3A_345 : vector<16xf32>
        %parallel_loop3A_365 = arith.addf %parallel_loop3A_351, %parallel_loop3A_357 : vector<16xf32>
        %parallel_loop3A_366 = arith.maximumf %parallel_loop3A_267, %parallel_loop3A_273 : vector<16xf32>
        %parallel_loop3A_367 = arith.maximumf %parallel_loop3A_279, %parallel_loop3A_285 : vector<16xf32>
        %parallel_loop3A_368 = arith.maximumf %parallel_loop3A_291, %parallel_loop3A_297 : vector<16xf32>
        %parallel_loop3A_369 = arith.maximumf %parallel_loop3A_303, %parallel_loop3A_309 : vector<16xf32>
        %parallel_loop3A_370 = arith.maximumf %parallel_loop3A_315, %parallel_loop3A_321 : vector<16xf32>
        %parallel_loop3A_371 = arith.maximumf %parallel_loop3A_327, %parallel_loop3A_333 : vector<16xf32>
        %parallel_loop3A_372 = arith.maximumf %parallel_loop3A_339, %parallel_loop3A_345 : vector<16xf32>
        %parallel_loop3A_373 = arith.maximumf %parallel_loop3A_351, %parallel_loop3A_357 : vector<16xf32>
        %parallel_loop3A_374 = arith.addf %parallel_loop3A_358, %parallel_loop3A_359 : vector<16xf32>
        %parallel_loop3A_375 = arith.addf %parallel_loop3A_360, %parallel_loop3A_361 : vector<16xf32>
        %parallel_loop3A_376 = arith.addf %parallel_loop3A_362, %parallel_loop3A_363 : vector<16xf32>
        %parallel_loop3A_377 = arith.addf %parallel_loop3A_364, %parallel_loop3A_365 : vector<16xf32>
        %parallel_loop3A_378 = arith.maximumf %parallel_loop3A_366, %parallel_loop3A_367 : vector<16xf32>
        %parallel_loop3A_379 = arith.maximumf %parallel_loop3A_368, %parallel_loop3A_369 : vector<16xf32>
        %parallel_loop3A_380 = arith.maximumf %parallel_loop3A_370, %parallel_loop3A_371 : vector<16xf32>
        %parallel_loop3A_381 = arith.maximumf %parallel_loop3A_372, %parallel_loop3A_373 : vector<16xf32>
        %parallel_loop3A_382 = arith.addf %parallel_loop3A_374, %parallel_loop3A_375 : vector<16xf32>
        %parallel_loop3A_383 = arith.addf %parallel_loop3A_376, %parallel_loop3A_377 : vector<16xf32>
        %parallel_loop3A_384 = arith.maximumf %parallel_loop3A_378, %parallel_loop3A_379 : vector<16xf32>
        %parallel_loop3A_385 = arith.maximumf %parallel_loop3A_380, %parallel_loop3A_381 : vector<16xf32>
        %parallel_loop3A_386 = arith.addf %parallel_loop3A_382, %parallel_loop3A_383 : vector<16xf32>
        %parallel_loop3A_387 = arith.maximumf %parallel_loop3A_384, %parallel_loop3A_385 : vector<16xf32>
        %parallel_loop3A_388 = arith.constant 6.250000e-02 : f32
        %parallel_loop3A_389 = vector.broadcast %parallel_loop3A_388 : f32 to vector<16xf32>
        %parallel_loop3A_390 = arith.mulf %parallel_loop3A_386, %parallel_loop3A_389 : vector<16xf32>
        %parallel_loop3A_391 = arith.index_cast %parallel_loop3A_243 : i32 to index
        %parallel_loop3A_392 = arith.index_cast %parallel_loop3A_261 : i32 to index
        %parallel_loop3A_393 = tpu.vector_load %arg7[%parallel_loop3A_391, %parallel_loop3A_392] {strides = array<i32>} : memref<8x512xf32, #tpu.memory_space<vmem>>, vector<1x16xf32>,
        %parallel_loop3A_394 = vector.shape_cast %parallel_loop3A_393 : vector<1x16xf32> to vector<16xf32>
        %parallel_loop3A_395 = vector.shape_cast %parallel_loop3A_390 : vector<16xf32> to vector<1x16xf32>
        tpu.vector_store %arg7[%parallel_loop3A_391, %parallel_loop3A_392], %parallel_loop3A_395 {strides = array<i32>} : memref<8x512xf32, #tpu.memory_space<vmem>>, vector<1x16xf32>,
        %parallel_loop3A_396 = arith.constant 256 : i32
        %parallel_loop3A_397 = arith.addi %parallel_loop3A_396, %parallel_loop3A_261 : i32
        %parallel_loop3A_398 = arith.index_cast %parallel_loop3A_243 : i32 to index
        %parallel_loop3A_399 = arith.index_cast %parallel_loop3A_397 : i32 to index
        %parallel_loop3A_400 = tpu.vector_load %arg7[%parallel_loop3A_398, %parallel_loop3A_399] {strides = array<i32>} : memref<8x512xf32, #tpu.memory_space<vmem>>, vector<1x16xf32>,
        %parallel_loop3A_401 = vector.shape_cast %parallel_loop3A_400 : vector<1x16xf32> to vector<16xf32>
        %parallel_loop3A_402 = vector.shape_cast %parallel_loop3A_387 : vector<16xf32> to vector<1x16xf32>
        tpu.vector_store %arg7[%parallel_loop3A_398, %parallel_loop3A_399], %parallel_loop3A_402 {strides = array<i32>} : memref<8x512xf32, #tpu.memory_space<vmem>>, vector<1x16xf32>,
      } {sc.loop_unroll_factor = 2 : i64, sc.parallel_access}
      %add3A_134 = arith.constant 3 : i32
      %add3A_135 = arith.addi %add3A_119, %add3A_134 : i32
      %lt3A = arith.cmpi slt, %add3A_135, %select_n3A : i32
      %convert_element_type3A_136 = arith.extui %lt3A : i1 to i32
      %cond3A_137 = arith.constant 0 : i32
      %cond3A_138 = arith.cmpi ne, %convert_element_type3A_136, %cond3A_137 : i32
      scf.if %cond3A_138 {
        %add3A_219 = arith.constant 3 : i32
        %add3A_220 = arith.addi %add3A_119, %add3A_219 : i32
        %mul3A_221 = arith.constant 32 : i32
        %mul3A_222 = arith.muli %add3A_220, %mul3A_221 : i32
        %add3A_223 = arith.addi %add3A, %mul3A_222 : i32
        %mul3A_224 = arith.constant 8 : i32
        %mul3A_225 = arith.muli %add3A_223, %mul3A_224 : i32
        %dma_start3A_226 = arith.constant 0 : i32
        %dma_start3A_227 = arith.constant 0 : i32
        %dma_start3A_228 = tpu.memref_slice %arg2[%mul3A_225, %dma_start3A_226, %dma_start3A_227] : memref<10000x16x256xf32, #tpu.memory_space<hbm>> -> memref<8x16x256xf32, #tpu.memory_space<hbm>>
        %dma_start3A_229 = arith.constant 0 : i32
        %dma_start3A_230 = arith.constant 0 : i32
        %dma_start3A_231 = tpu.memref_slice %arg2[%mul3A_225, %dma_start3A_229, %dma_start3A_230] : memref<10000x16x256xf32, #tpu.memory_space<hbm>> -> memref<8x16x256xf32, #tpu.memory_space<hbm>>
        tpu.enqueue_dma source(%dma_start3A_231 : memref<8x16x256xf32, #tpu.memory_space<hbm>>) target(%arg4 : memref<8x16x256xf32, #tpu.memory_space<vmem>>) target_semaphore(%arg10 : memref<!tpu.dma_semaphore, #tpu.memory_space<semaphore_mem>>)
      } else {
      }
      %mul3A_139 = arith.constant 32 : i32
      %mul3A_140 = arith.muli %add3A_119, %mul3A_139 : i32
      %add3A_141 = arith.addi %add3A, %mul3A_140 : i32
      %mul3A_142 = arith.constant 8 : i32
      %mul3A_143 = arith.muli %add3A_141, %mul3A_142 : i32
      %dma_start3A_144 = arith.constant 0 : i32
      %dma_start3A_145 = tpu.memref_slice %arg3[%mul3A_143, %dma_start3A_144] : memref<10000x512xf32, #tpu.memory_space<hbm>> -> memref<8x512xf32, #tpu.memory_space<hbm>>
      %dma_start3A_146 = arith.constant 0 : i32
      %dma_start3A_147 = tpu.memref_slice %arg3[%mul3A_143, %dma_start3A_146] : memref<10000x512xf32, #tpu.memory_space<hbm>> -> memref<8x512xf32, #tpu.memory_space<hbm>>
      tpu.enqueue_dma source(%arg7 : memref<8x512xf32, #tpu.memory_space<vmem>>) target(%dma_start3A_147 : memref<8x512xf32, #tpu.memory_space<hbm>>) target_semaphore(%arg13 : memref<!tpu.dma_semaphore, #tpu.memory_space<semaphore_mem>>)
      %mul3A_148 = arith.constant 3 : i32
      %mul3A_149 = arith.muli %mul3A_148, %while3A_114 : i32
      %add3A_150 = arith.constant 1 : i32
      %add3A_151 = arith.addi %mul3A_149, %add3A_150 : i32
      %dma_wait3A_152 = arith.constant 0 : i32
      %dma_wait3A_153 = arith.constant 0 : i32
      %dma_wait3A_154 = arith.constant 0 : i32
      %dma_wait3A_155 = tpu.memref_slice %arg2[%dma_wait3A_152, %dma_wait3A_153, %dma_wait3A_154] : memref<10000x16x256xf32, #tpu.memory_space<hbm>> -> memref<8x16x256xf32, #tpu.memory_space<hbm>>
      %dma_wait3A_156 = arith.constant 0 : i32
      %dma_wait3A_157 = arith.constant 0 : i32
      %dma_wait3A_158 = arith.constant 0 : i32
      %dma_wait3A_159 = tpu.memref_slice %arg2[%dma_wait3A_156, %dma_wait3A_157, %dma_wait3A_158] : memref<10000x16x256xf32, #tpu.memory_space<hbm>> -> memref<8x16x256xf32, #tpu.memory_space<hbm>>
      tpu.wait_dma2 semaphore(%arg11 : memref<!tpu.dma_semaphore, #tpu.memory_space<semaphore_mem>>) src(%dma_wait3A_159 : memref<8x16x256xf32, #tpu.memory_space<hbm>>) dst(%arg5 : memref<8x16x256xf32, #tpu.memory_space<vmem>>)
      %gt3A_160 = arith.constant 0 : i32
      %gt3A_161 = arith.cmpi sgt, %while3A_114, %gt3A_160 : i32
      %convert_element_type3A_162 = arith.extui %gt3A_161 : i1 to i32
      %cond3A_163 = arith.constant 0 : i32
      %cond3A_164 = arith.cmpi ne, %convert_element_type3A_162, %cond3A_163 : i32
      scf.if %cond3A_164 {
        %dma_wait3A_219 = arith.constant 0 : i32
        %dma_wait3A_220 = arith.constant 0 : i32
        %dma_wait3A_221 = tpu.memref_slice %arg3[%dma_wait3A_219, %dma_wait3A_220] : memref<10000x512xf32, #tpu.memory_space<hbm>> -> memref<8x512xf32, #tpu.memory_space<hbm>>
        %dma_wait3A_222 = arith.constant 0 : i32
        %dma_wait3A_223 = arith.constant 0 : i32
        %dma_wait3A_224 = tpu.memref_slice %arg3[%dma_wait3A_222, %dma_wait3A_223] : memref<10000x512xf32, #tpu.memory_space<hbm>> -> memref<8x512xf32, #tpu.memory_space<hbm>>
        tpu.wait_dma2 semaphore(%arg14 : memref<!tpu.dma_semaphore, #tpu.memory_space<semaphore_mem>>) src(%arg8 : memref<8x512xf32, #tpu.memory_space<vmem>>) dst(%dma_wait3A_224 : memref<8x512xf32, #tpu.memory_space<hbm>>)
      } else {
      }
      %parallel_loop3A_165 = arith.constant 0 : i32
      %parallel_loop3A_166 = arith.constant 128 : i32
      %parallel_loop3A_167 = arith.constant 1 : i32
      scf.for %parallel_loop3A_219 = %parallel_loop3A_165 to %parallel_loop3A_166 step %parallel_loop3A_167  : i32 {
        %parallel_loop3A_220 = arith.constant 16 : i32
        %parallel_loop3A_221 = arith.divsi %parallel_loop3A_219, %parallel_loop3A_220 : i32
        %parallel_loop3A_222 = arith.constant 0 : i32
        %parallel_loop3A_223 = arith.cmpi sgt, %parallel_loop3A_219, %parallel_loop3A_222 : i32
        %parallel_loop3A_224 = arith.extui %parallel_loop3A_223 : i1 to i32
        %parallel_loop3A_225 = arith.constant 0 : i32
        %parallel_loop3A_226 = arith.cmpi slt, %parallel_loop3A_219, %parallel_loop3A_225 : i32
        %parallel_loop3A_227 = arith.extui %parallel_loop3A_226 : i1 to i32
        %parallel_loop3A_228 = arith.subi %parallel_loop3A_224, %parallel_loop3A_227 : i32
        %parallel_loop3A_229 = arith.constant 0 : i32
        %parallel_loop3A_230 = arith.cmpi sgt, %parallel_loop3A_220, %parallel_loop3A_229 : i32
        %parallel_loop3A_231 = arith.extui %parallel_loop3A_230 : i1 to i32
        %parallel_loop3A_232 = arith.constant 0 : i32
        %parallel_loop3A_233 = arith.cmpi slt, %parallel_loop3A_220, %parallel_loop3A_232 : i32
        %parallel_loop3A_234 = arith.extui %parallel_loop3A_233 : i1 to i32
        %parallel_loop3A_235 = arith.subi %parallel_loop3A_231, %parallel_loop3A_234 : i32
        %parallel_loop3A_236 = arith.cmpi ne, %parallel_loop3A_228, %parallel_loop3A_235 : i32
        %parallel_loop3A_237 = arith.remsi %parallel_loop3A_219, %parallel_loop3A_220 : i32
        %parallel_loop3A_238 = arith.constant 0 : i32
        %parallel_loop3A_239 = arith.cmpi ne, %parallel_loop3A_237, %parallel_loop3A_238 : i32
        %parallel_loop3A_240 = arith.andi %parallel_loop3A_236, %parallel_loop3A_239 : i1
        %parallel_loop3A_241 = arith.constant 1 : i32
        %parallel_loop3A_242 = arith.subi %parallel_loop3A_221, %parallel_loop3A_241 : i32
        %parallel_loop3A_243 = arith.select %parallel_loop3A_240, %parallel_loop3A_242, %parallel_loop3A_221 : i32
        %parallel_loop3A_244 = arith.constant 16 : i32
        %parallel_loop3A_245 = arith.constant 0 : i32
        %parallel_loop3A_246 = arith.cmpi eq, %parallel_loop3A_244, %parallel_loop3A_245 : i32
        %parallel_loop3A_247 = arith.constant 1 : i32
        %parallel_loop3A_248 = arith.select %parallel_loop3A_246, %parallel_loop3A_247, %parallel_loop3A_244 : i32
        %parallel_loop3A_249 = arith.remsi %parallel_loop3A_219, %parallel_loop3A_248 : i32
        %parallel_loop3A_250 = arith.constant 0 : i32
        %parallel_loop3A_251 = arith.cmpi ne, %parallel_loop3A_249, %parallel_loop3A_250 : i32
        %parallel_loop3A_252 = arith.constant 0 : i32
        %parallel_loop3A_253 = arith.cmpi slt, %parallel_loop3A_249, %parallel_loop3A_252 : i32
        %parallel_loop3A_254 = arith.constant 0 : i32
        %parallel_loop3A_255 = arith.cmpi slt, %parallel_loop3A_248, %parallel_loop3A_254 : i32
        %parallel_loop3A_256 = arith.xori %parallel_loop3A_253, %parallel_loop3A_255 : i1
        %parallel_loop3A_257 = arith.andi %parallel_loop3A_256, %parallel_loop3A_251 : i1
        %parallel_loop3A_258 = arith.addi %parallel_loop3A_249, %parallel_loop3A_248 : i32
        %parallel_loop3A_259 = arith.select %parallel_loop3A_257, %parallel_loop3A_258, %parallel_loop3A_249 : i32
        %parallel_loop3A_260 = arith.constant 16 : i32
        %parallel_loop3A_261 = arith.muli %parallel_loop3A_259, %parallel_loop3A_260 : i32
        %parallel_loop3A_262 = arith.constant 0 : i32
        %parallel_loop3A_263 = arith.index_cast %parallel_loop3A_243 : i32 to index
        %parallel_loop3A_264 = arith.index_cast %parallel_loop3A_262 : i32 to index
        %parallel_loop3A_265 = arith.index_cast %parallel_loop3A_261 : i32 to index
        %parallel_loop3A_266 = tpu.vector_load %arg5[%parallel_loop3A_263, %parallel_loop3A_264, %parallel_loop3A_265] {strides = array<i32>} : memref<8x16x256xf32, #tpu.memory_space<vmem>>, vector<1x1x16xf32>,
        %parallel_loop3A_267 = vector.shape_cast %parallel_loop3A_266 : vector<1x1x16xf32> to vector<16xf32>
        %parallel_loop3A_268 = arith.constant 1 : i32
        %parallel_loop3A_269 = arith.index_cast %parallel_loop3A_243 : i32 to index
        %parallel_loop3A_270 = arith.index_cast %parallel_loop3A_268 : i32 to index
        %parallel_loop3A_271 = arith.index_cast %parallel_loop3A_261 : i32 to index
        %parallel_loop3A_272 = tpu.vector_load %arg5[%parallel_loop3A_269, %parallel_loop3A_270, %parallel_loop3A_271] {strides = array<i32>} : memref<8x16x256xf32, #tpu.memory_space<vmem>>, vector<1x1x16xf32>,
        %parallel_loop3A_273 = vector.shape_cast %parallel_loop3A_272 : vector<1x1x16xf32> to vector<16xf32>
        %parallel_loop3A_274 = arith.constant 2 : i32
        %parallel_loop3A_275 = arith.index_cast %parallel_loop3A_243 : i32 to index
        %parallel_loop3A_276 = arith.index_cast %parallel_loop3A_274 : i32 to index
        %parallel_loop3A_277 = arith.index_cast %parallel_loop3A_261 : i32 to index
        %parallel_loop3A_278 = tpu.vector_load %arg5[%parallel_loop3A_275, %parallel_loop3A_276, %parallel_loop3A_277] {strides = array<i32>} : memref<8x16x256xf32, #tpu.memory_space<vmem>>, vector<1x1x16xf32>,
        %parallel_loop3A_279 = vector.shape_cast %parallel_loop3A_278 : vector<1x1x16xf32> to vector<16xf32>
        %parallel_loop3A_280 = arith.constant 3 : i32
        %parallel_loop3A_281 = arith.index_cast %parallel_loop3A_243 : i32 to index
        %parallel_loop3A_282 = arith.index_cast %parallel_loop3A_280 : i32 to index
        %parallel_loop3A_283 = arith.index_cast %parallel_loop3A_261 : i32 to index
        %parallel_loop3A_284 = tpu.vector_load %arg5[%parallel_loop3A_281, %parallel_loop3A_282, %parallel_loop3A_283] {strides = array<i32>} : memref<8x16x256xf32, #tpu.memory_space<vmem>>, vector<1x1x16xf32>,
        %parallel_loop3A_285 = vector.shape_cast %parallel_loop3A_284 : vector<1x1x16xf32> to vector<16xf32>
        %parallel_loop3A_286 = arith.constant 4 : i32
        %parallel_loop3A_287 = arith.index_cast %parallel_loop3A_243 : i32 to index
        %parallel_loop3A_288 = arith.index_cast %parallel_loop3A_286 : i32 to index
        %parallel_loop3A_289 = arith.index_cast %parallel_loop3A_261 : i32 to index
        %parallel_loop3A_290 = tpu.vector_load %arg5[%parallel_loop3A_287, %parallel_loop3A_288, %parallel_loop3A_289] {strides = array<i32>} : memref<8x16x256xf32, #tpu.memory_space<vmem>>, vector<1x1x16xf32>,
        %parallel_loop3A_291 = vector.shape_cast %parallel_loop3A_290 : vector<1x1x16xf32> to vector<16xf32>
        %parallel_loop3A_292 = arith.constant 5 : i32
        %parallel_loop3A_293 = arith.index_cast %parallel_loop3A_243 : i32 to index
        %parallel_loop3A_294 = arith.index_cast %parallel_loop3A_292 : i32 to index
        %parallel_loop3A_295 = arith.index_cast %parallel_loop3A_261 : i32 to index
        %parallel_loop3A_296 = tpu.vector_load %arg5[%parallel_loop3A_293, %parallel_loop3A_294, %parallel_loop3A_295] {strides = array<i32>} : memref<8x16x256xf32, #tpu.memory_space<vmem>>, vector<1x1x16xf32>,
        %parallel_loop3A_297 = vector.shape_cast %parallel_loop3A_296 : vector<1x1x16xf32> to vector<16xf32>
        %parallel_loop3A_298 = arith.constant 6 : i32
        %parallel_loop3A_299 = arith.index_cast %parallel_loop3A_243 : i32 to index
        %parallel_loop3A_300 = arith.index_cast %parallel_loop3A_298 : i32 to index
        %parallel_loop3A_301 = arith.index_cast %parallel_loop3A_261 : i32 to index
        %parallel_loop3A_302 = tpu.vector_load %arg5[%parallel_loop3A_299, %parallel_loop3A_300, %parallel_loop3A_301] {strides = array<i32>} : memref<8x16x256xf32, #tpu.memory_space<vmem>>, vector<1x1x16xf32>,
        %parallel_loop3A_303 = vector.shape_cast %parallel_loop3A_302 : vector<1x1x16xf32> to vector<16xf32>
        %parallel_loop3A_304 = arith.constant 7 : i32
        %parallel_loop3A_305 = arith.index_cast %parallel_loop3A_243 : i32 to index
        %parallel_loop3A_306 = arith.index_cast %parallel_loop3A_304 : i32 to index
        %parallel_loop3A_307 = arith.index_cast %parallel_loop3A_261 : i32 to index
        %parallel_loop3A_308 = tpu.vector_load %arg5[%parallel_loop3A_305, %parallel_loop3A_306, %parallel_loop3A_307] {strides = array<i32>} : memref<8x16x256xf32, #tpu.memory_space<vmem>>, vector<1x1x16xf32>,
        %parallel_loop3A_309 = vector.shape_cast %parallel_loop3A_308 : vector<1x1x16xf32> to vector<16xf32>
        %parallel_loop3A_310 = arith.constant 8 : i32
        %parallel_loop3A_311 = arith.index_cast %parallel_loop3A_243 : i32 to index
        %parallel_loop3A_312 = arith.index_cast %parallel_loop3A_310 : i32 to index
        %parallel_loop3A_313 = arith.index_cast %parallel_loop3A_261 : i32 to index
        %parallel_loop3A_314 = tpu.vector_load %arg5[%parallel_loop3A_311, %parallel_loop3A_312, %parallel_loop3A_313] {strides = array<i32>} : memref<8x16x256xf32, #tpu.memory_space<vmem>>, vector<1x1x16xf32>,
        %parallel_loop3A_315 = vector.shape_cast %parallel_loop3A_314 : vector<1x1x16xf32> to vector<16xf32>
        %parallel_loop3A_316 = arith.constant 9 : i32
        %parallel_loop3A_317 = arith.index_cast %parallel_loop3A_243 : i32 to index
        %parallel_loop3A_318 = arith.index_cast %parallel_loop3A_316 : i32 to index
        %parallel_loop3A_319 = arith.index_cast %parallel_loop3A_261 : i32 to index
        %parallel_loop3A_320 = tpu.vector_load %arg5[%parallel_loop3A_317, %parallel_loop3A_318, %parallel_loop3A_319] {strides = array<i32>} : memref<8x16x256xf32, #tpu.memory_space<vmem>>, vector<1x1x16xf32>,
        %parallel_loop3A_321 = vector.shape_cast %parallel_loop3A_320 : vector<1x1x16xf32> to vector<16xf32>
        %parallel_loop3A_322 = arith.constant 10 : i32
        %parallel_loop3A_323 = arith.index_cast %parallel_loop3A_243 : i32 to index
        %parallel_loop3A_324 = arith.index_cast %parallel_loop3A_322 : i32 to index
        %parallel_loop3A_325 = arith.index_cast %parallel_loop3A_261 : i32 to index
        %parallel_loop3A_326 = tpu.vector_load %arg5[%parallel_loop3A_323, %parallel_loop3A_324, %parallel_loop3A_325] {strides = array<i32>} : memref<8x16x256xf32, #tpu.memory_space<vmem>>, vector<1x1x16xf32>,
        %parallel_loop3A_327 = vector.shape_cast %parallel_loop3A_326 : vector<1x1x16xf32> to vector<16xf32>
        %parallel_loop3A_328 = arith.constant 11 : i32
        %parallel_loop3A_329 = arith.index_cast %parallel_loop3A_243 : i32 to index
        %parallel_loop3A_330 = arith.index_cast %parallel_loop3A_328 : i32 to index
        %parallel_loop3A_331 = arith.index_cast %parallel_loop3A_261 : i32 to index
        %parallel_loop3A_332 = tpu.vector_load %arg5[%parallel_loop3A_329, %parallel_loop3A_330, %parallel_loop3A_331] {strides = array<i32>} : memref<8x16x256xf32, #tpu.memory_space<vmem>>, vector<1x1x16xf32>,
        %parallel_loop3A_333 = vector.shape_cast %parallel_loop3A_332 : vector<1x1x16xf32> to vector<16xf32>
        %parallel_loop3A_334 = arith.constant 12 : i32
        %parallel_loop3A_335 = arith.index_cast %parallel_loop3A_243 : i32 to index
        %parallel_loop3A_336 = arith.index_cast %parallel_loop3A_334 : i32 to index
        %parallel_loop3A_337 = arith.index_cast %parallel_loop3A_261 : i32 to index
        %parallel_loop3A_338 = tpu.vector_load %arg5[%parallel_loop3A_335, %parallel_loop3A_336, %parallel_loop3A_337] {strides = array<i32>} : memref<8x16x256xf32, #tpu.memory_space<vmem>>, vector<1x1x16xf32>,
        %parallel_loop3A_339 = vector.shape_cast %parallel_loop3A_338 : vector<1x1x16xf32> to vector<16xf32>
        %parallel_loop3A_340 = arith.constant 13 : i32
        %parallel_loop3A_341 = arith.index_cast %parallel_loop3A_243 : i32 to index
        %parallel_loop3A_342 = arith.index_cast %parallel_loop3A_340 : i32 to index
        %parallel_loop3A_343 = arith.index_cast %parallel_loop3A_261 : i32 to index
        %parallel_loop3A_344 = tpu.vector_load %arg5[%parallel_loop3A_341, %parallel_loop3A_342, %parallel_loop3A_343] {strides = array<i32>} : memref<8x16x256xf32, #tpu.memory_space<vmem>>, vector<1x1x16xf32>,
        %parallel_loop3A_345 = vector.shape_cast %parallel_loop3A_344 : vector<1x1x16xf32> to vector<16xf32>
        %parallel_loop3A_346 = arith.constant 14 : i32
        %parallel_loop3A_347 = arith.index_cast %parallel_loop3A_243 : i32 to index
        %parallel_loop3A_348 = arith.index_cast %parallel_loop3A_346 : i32 to index
        %parallel_loop3A_349 = arith.index_cast %parallel_loop3A_261 : i32 to index
        %parallel_loop3A_350 = tpu.vector_load %arg5[%parallel_loop3A_347, %parallel_loop3A_348, %parallel_loop3A_349] {strides = array<i32>} : memref<8x16x256xf32, #tpu.memory_space<vmem>>, vector<1x1x16xf32>,
        %parallel_loop3A_351 = vector.shape_cast %parallel_loop3A_350 : vector<1x1x16xf32> to vector<16xf32>
        %parallel_loop3A_352 = arith.constant 15 : i32
        %parallel_loop3A_353 = arith.index_cast %parallel_loop3A_243 : i32 to index
        %parallel_loop3A_354 = arith.index_cast %parallel_loop3A_352 : i32 to index
        %parallel_loop3A_355 = arith.index_cast %parallel_loop3A_261 : i32 to index
        %parallel_loop3A_356 = tpu.vector_load %arg5[%parallel_loop3A_353, %parallel_loop3A_354, %parallel_loop3A_355] {strides = array<i32>} : memref<8x16x256xf32, #tpu.memory_space<vmem>>, vector<1x1x16xf32>,
        %parallel_loop3A_357 = vector.shape_cast %parallel_loop3A_356 : vector<1x1x16xf32> to vector<16xf32>
        %parallel_loop3A_358 = arith.addf %parallel_loop3A_267, %parallel_loop3A_273 : vector<16xf32>
        %parallel_loop3A_359 = arith.addf %parallel_loop3A_279, %parallel_loop3A_285 : vector<16xf32>
        %parallel_loop3A_360 = arith.addf %parallel_loop3A_291, %parallel_loop3A_297 : vector<16xf32>
        %parallel_loop3A_361 = arith.addf %parallel_loop3A_303, %parallel_loop3A_309 : vector<16xf32>
        %parallel_loop3A_362 = arith.addf %parallel_loop3A_315, %parallel_loop3A_321 : vector<16xf32>
        %parallel_loop3A_363 = arith.addf %parallel_loop3A_327, %parallel_loop3A_333 : vector<16xf32>
        %parallel_loop3A_364 = arith.addf %parallel_loop3A_339, %parallel_loop3A_345 : vector<16xf32>
        %parallel_loop3A_365 = arith.addf %parallel_loop3A_351, %parallel_loop3A_357 : vector<16xf32>
        %parallel_loop3A_366 = arith.maximumf %parallel_loop3A_267, %parallel_loop3A_273 : vector<16xf32>
        %parallel_loop3A_367 = arith.maximumf %parallel_loop3A_279, %parallel_loop3A_285 : vector<16xf32>
        %parallel_loop3A_368 = arith.maximumf %parallel_loop3A_291, %parallel_loop3A_297 : vector<16xf32>
        %parallel_loop3A_369 = arith.maximumf %parallel_loop3A_303, %parallel_loop3A_309 : vector<16xf32>
        %parallel_loop3A_370 = arith.maximumf %parallel_loop3A_315, %parallel_loop3A_321 : vector<16xf32>
        %parallel_loop3A_371 = arith.maximumf %parallel_loop3A_327, %parallel_loop3A_333 : vector<16xf32>
        %parallel_loop3A_372 = arith.maximumf %parallel_loop3A_339, %parallel_loop3A_345 : vector<16xf32>
        %parallel_loop3A_373 = arith.maximumf %parallel_loop3A_351, %parallel_loop3A_357 : vector<16xf32>
        %parallel_loop3A_374 = arith.addf %parallel_loop3A_358, %parallel_loop3A_359 : vector<16xf32>
        %parallel_loop3A_375 = arith.addf %parallel_loop3A_360, %parallel_loop3A_361 : vector<16xf32>
        %parallel_loop3A_376 = arith.addf %parallel_loop3A_362, %parallel_loop3A_363 : vector<16xf32>
        %parallel_loop3A_377 = arith.addf %parallel_loop3A_364, %parallel_loop3A_365 : vector<16xf32>
        %parallel_loop3A_378 = arith.maximumf %parallel_loop3A_366, %parallel_loop3A_367 : vector<16xf32>
        %parallel_loop3A_379 = arith.maximumf %parallel_loop3A_368, %parallel_loop3A_369 : vector<16xf32>
        %parallel_loop3A_380 = arith.maximumf %parallel_loop3A_370, %parallel_loop3A_371 : vector<16xf32>
        %parallel_loop3A_381 = arith.maximumf %parallel_loop3A_372, %parallel_loop3A_373 : vector<16xf32>
        %parallel_loop3A_382 = arith.addf %parallel_loop3A_374, %parallel_loop3A_375 : vector<16xf32>
        %parallel_loop3A_383 = arith.addf %parallel_loop3A_376, %parallel_loop3A_377 : vector<16xf32>
        %parallel_loop3A_384 = arith.maximumf %parallel_loop3A_378, %parallel_loop3A_379 : vector<16xf32>
        %parallel_loop3A_385 = arith.maximumf %parallel_loop3A_380, %parallel_loop3A_381 : vector<16xf32>
        %parallel_loop3A_386 = arith.addf %parallel_loop3A_382, %parallel_loop3A_383 : vector<16xf32>
        %parallel_loop3A_387 = arith.maximumf %parallel_loop3A_384, %parallel_loop3A_385 : vector<16xf32>
        %parallel_loop3A_388 = arith.constant 6.250000e-02 : f32
        %parallel_loop3A_389 = vector.broadcast %parallel_loop3A_388 : f32 to vector<16xf32>
        %parallel_loop3A_390 = arith.mulf %parallel_loop3A_386, %parallel_loop3A_389 : vector<16xf32>
        %parallel_loop3A_391 = arith.index_cast %parallel_loop3A_243 : i32 to index
        %parallel_loop3A_392 = arith.index_cast %parallel_loop3A_261 : i32 to index
        %parallel_loop3A_393 = tpu.vector_load %arg8[%parallel_loop3A_391, %parallel_loop3A_392] {strides = array<i32>} : memref<8x512xf32, #tpu.memory_space<vmem>>, vector<1x16xf32>,
        %parallel_loop3A_394 = vector.shape_cast %parallel_loop3A_393 : vector<1x16xf32> to vector<16xf32>
        %parallel_loop3A_395 = vector.shape_cast %parallel_loop3A_390 : vector<16xf32> to vector<1x16xf32>
        tpu.vector_store %arg8[%parallel_loop3A_391, %parallel_loop3A_392], %parallel_loop3A_395 {strides = array<i32>} : memref<8x512xf32, #tpu.memory_space<vmem>>, vector<1x16xf32>,
        %parallel_loop3A_396 = arith.constant 256 : i32
        %parallel_loop3A_397 = arith.addi %parallel_loop3A_396, %parallel_loop3A_261 : i32
        %parallel_loop3A_398 = arith.index_cast %parallel_loop3A_243 : i32 to index
        %parallel_loop3A_399 = arith.index_cast %parallel_loop3A_397 : i32 to index
        %parallel_loop3A_400 = tpu.vector_load %arg8[%parallel_loop3A_398, %parallel_loop3A_399] {strides = array<i32>} : memref<8x512xf32, #tpu.memory_space<vmem>>, vector<1x16xf32>,
        %parallel_loop3A_401 = vector.shape_cast %parallel_loop3A_400 : vector<1x16xf32> to vector<16xf32>
        %parallel_loop3A_402 = vector.shape_cast %parallel_loop3A_387 : vector<16xf32> to vector<1x16xf32>
        tpu.vector_store %arg8[%parallel_loop3A_398, %parallel_loop3A_399], %parallel_loop3A_402 {strides = array<i32>} : memref<8x512xf32, #tpu.memory_space<vmem>>, vector<1x16xf32>,
      } {sc.loop_unroll_factor = 2 : i64, sc.parallel_access}
      %add3A_168 = arith.constant 3 : i32
      %add3A_169 = arith.addi %add3A_151, %add3A_168 : i32
      %lt3A_170 = arith.cmpi slt, %add3A_169, %select_n3A : i32
      %convert_element_type3A_171 = arith.extui %lt3A_170 : i1 to i32
      %cond3A_172 = arith.constant 0 : i32
      %cond3A_173 = arith.cmpi ne, %convert_element_type3A_171, %cond3A_172 : i32
      scf.if %cond3A_173 {
        %add3A_219 = arith.constant 3 : i32
        %add3A_220 = arith.addi %add3A_151, %add3A_219 : i32
        %mul3A_221 = arith.constant 32 : i32
        %mul3A_222 = arith.muli %add3A_220, %mul3A_221 : i32
        %add3A_223 = arith.addi %add3A, %mul3A_222 : i32
        %mul3A_224 = arith.constant 8 : i32
        %mul3A_225 = arith.muli %add3A_223, %mul3A_224 : i32
        %dma_start3A_226 = arith.constant 0 : i32
        %dma_start3A_227 = arith.constant 0 : i32
        %dma_start3A_228 = tpu.memref_slice %arg2[%mul3A_225, %dma_start3A_226, %dma_start3A_227] : memref<10000x16x256xf32, #tpu.memory_space<hbm>> -> memref<8x16x256xf32, #tpu.memory_space<hbm>>
        %dma_start3A_229 = arith.constant 0 : i32
        %dma_start3A_230 = arith.constant 0 : i32
        %dma_start3A_231 = tpu.memref_slice %arg2[%mul3A_225, %dma_start3A_229, %dma_start3A_230] : memref<10000x16x256xf32, #tpu.memory_space<hbm>> -> memref<8x16x256xf32, #tpu.memory_space<hbm>>
        tpu.enqueue_dma source(%dma_start3A_231 : memref<8x16x256xf32, #tpu.memory_space<hbm>>) target(%arg5 : memref<8x16x256xf32, #tpu.memory_space<vmem>>) target_semaphore(%arg11 : memref<!tpu.dma_semaphore, #tpu.memory_space<semaphore_mem>>)
      } else {
      }
      %mul3A_174 = arith.constant 32 : i32
      %mul3A_175 = arith.muli %add3A_151, %mul3A_174 : i32
      %add3A_176 = arith.addi %add3A, %mul3A_175 : i32
      %mul3A_177 = arith.constant 8 : i32
      %mul3A_178 = arith.muli %add3A_176, %mul3A_177 : i32
      %dma_start3A_179 = arith.constant 0 : i32
      %dma_start3A_180 = tpu.memref_slice %arg3[%mul3A_178, %dma_start3A_179] : memref<10000x512xf32, #tpu.memory_space<hbm>> -> memref<8x512xf32, #tpu.memory_space<hbm>>
      %dma_start3A_181 = arith.constant 0 : i32
      %dma_start3A_182 = tpu.memref_slice %arg3[%mul3A_178, %dma_start3A_181] : memref<10000x512xf32, #tpu.memory_space<hbm>> -> memref<8x512xf32, #tpu.memory_space<hbm>>
      tpu.enqueue_dma source(%arg8 : memref<8x512xf32, #tpu.memory_space<vmem>>) target(%dma_start3A_182 : memref<8x512xf32, #tpu.memory_space<hbm>>) target_semaphore(%arg14 : memref<!tpu.dma_semaphore, #tpu.memory_space<semaphore_mem>>)
      %mul3A_183 = arith.constant 3 : i32
      %mul3A_184 = arith.muli %mul3A_183, %while3A_114 : i32
      %add3A_185 = arith.constant 2 : i32
      %add3A_186 = arith.addi %mul3A_184, %add3A_185 : i32
      %dma_wait3A_187 = arith.constant 0 : i32
      %dma_wait3A_188 = arith.constant 0 : i32
      %dma_wait3A_189 = arith.constant 0 : i32
      %dma_wait3A_190 = tpu.memref_slice %arg2[%dma_wait3A_187, %dma_wait3A_188, %dma_wait3A_189] : memref<10000x16x256xf32, #tpu.memory_space<hbm>> -> memref<8x16x256xf32, #tpu.memory_space<hbm>>
      %dma_wait3A_191 = arith.constant 0 : i32
      %dma_wait3A_192 = arith.constant 0 : i32
      %dma_wait3A_193 = arith.constant 0 : i32
      %dma_wait3A_194 = tpu.memref_slice %arg2[%dma_wait3A_191, %dma_wait3A_192, %dma_wait3A_193] : memref<10000x16x256xf32, #tpu.memory_space<hbm>> -> memref<8x16x256xf32, #tpu.memory_space<hbm>>
      tpu.wait_dma2 semaphore(%arg12 : memref<!tpu.dma_semaphore, #tpu.memory_space<semaphore_mem>>) src(%dma_wait3A_194 : memref<8x16x256xf32, #tpu.memory_space<hbm>>) dst(%arg6 : memref<8x16x256xf32, #tpu.memory_space<vmem>>)
      %gt3A_195 = arith.constant 0 : i32
      %gt3A_196 = arith.cmpi sgt, %while3A_114, %gt3A_195 : i32
      %convert_element_type3A_197 = arith.extui %gt3A_196 : i1 to i32
      %cond3A_198 = arith.constant 0 : i32
      %cond3A_199 = arith.cmpi ne, %convert_element_type3A_197, %cond3A_198 : i32
      scf.if %cond3A_199 {
        %dma_wait3A_219 = arith.constant 0 : i32
        %dma_wait3A_220 = arith.constant 0 : i32
        %dma_wait3A_221 = tpu.memref_slice %arg3[%dma_wait3A_219, %dma_wait3A_220] : memref<10000x512xf32, #tpu.memory_space<hbm>> -> memref<8x512xf32, #tpu.memory_space<hbm>>
        %dma_wait3A_222 = arith.constant 0 : i32
        %dma_wait3A_223 = arith.constant 0 : i32
        %dma_wait3A_224 = tpu.memref_slice %arg3[%dma_wait3A_222, %dma_wait3A_223] : memref<10000x512xf32, #tpu.memory_space<hbm>> -> memref<8x512xf32, #tpu.memory_space<hbm>>
        tpu.wait_dma2 semaphore(%arg15 : memref<!tpu.dma_semaphore, #tpu.memory_space<semaphore_mem>>) src(%arg9 : memref<8x512xf32, #tpu.memory_space<vmem>>) dst(%dma_wait3A_224 : memref<8x512xf32, #tpu.memory_space<hbm>>)
      } else {
      }
      %parallel_loop3A_200 = arith.constant 0 : i32
      %parallel_loop3A_201 = arith.constant 128 : i32
      %parallel_loop3A_202 = arith.constant 1 : i32
      scf.for %parallel_loop3A_219 = %parallel_loop3A_200 to %parallel_loop3A_201 step %parallel_loop3A_202  : i32 {
        %parallel_loop3A_220 = arith.constant 16 : i32
        %parallel_loop3A_221 = arith.divsi %parallel_loop3A_219, %parallel_loop3A_220 : i32
        %parallel_loop3A_222 = arith.constant 0 : i32
        %parallel_loop3A_223 = arith.cmpi sgt, %parallel_loop3A_219, %parallel_loop3A_222 : i32
        %parallel_loop3A_224 = arith.extui %parallel_loop3A_223 : i1 to i32
        %parallel_loop3A_225 = arith.constant 0 : i32
        %parallel_loop3A_226 = arith.cmpi slt, %parallel_loop3A_219, %parallel_loop3A_225 : i32
        %parallel_loop3A_227 = arith.extui %parallel_loop3A_226 : i1 to i32
        %parallel_loop3A_228 = arith.subi %parallel_loop3A_224, %parallel_loop3A_227 : i32
        %parallel_loop3A_229 = arith.constant 0 : i32
        %parallel_loop3A_230 = arith.cmpi sgt, %parallel_loop3A_220, %parallel_loop3A_229 : i32
        %parallel_loop3A_231 = arith.extui %parallel_loop3A_230 : i1 to i32
        %parallel_loop3A_232 = arith.constant 0 : i32
        %parallel_loop3A_233 = arith.cmpi slt, %parallel_loop3A_220, %parallel_loop3A_232 : i32
        %parallel_loop3A_234 = arith.extui %parallel_loop3A_233 : i1 to i32
        %parallel_loop3A_235 = arith.subi %parallel_loop3A_231, %parallel_loop3A_234 : i32
        %parallel_loop3A_236 = arith.cmpi ne, %parallel_loop3A_228, %parallel_loop3A_235 : i32
        %parallel_loop3A_237 = arith.remsi %parallel_loop3A_219, %parallel_loop3A_220 : i32
        %parallel_loop3A_238 = arith.constant 0 : i32
        %parallel_loop3A_239 = arith.cmpi ne, %parallel_loop3A_237, %parallel_loop3A_238 : i32
        %parallel_loop3A_240 = arith.andi %parallel_loop3A_236, %parallel_loop3A_239 : i1
        %parallel_loop3A_241 = arith.constant 1 : i32
        %parallel_loop3A_242 = arith.subi %parallel_loop3A_221, %parallel_loop3A_241 : i32
        %parallel_loop3A_243 = arith.select %parallel_loop3A_240, %parallel_loop3A_242, %parallel_loop3A_221 : i32
        %parallel_loop3A_244 = arith.constant 16 : i32
        %parallel_loop3A_245 = arith.constant 0 : i32
        %parallel_loop3A_246 = arith.cmpi eq, %parallel_loop3A_244, %parallel_loop3A_245 : i32
        %parallel_loop3A_247 = arith.constant 1 : i32
        %parallel_loop3A_248 = arith.select %parallel_loop3A_246, %parallel_loop3A_247, %parallel_loop3A_244 : i32
        %parallel_loop3A_249 = arith.remsi %parallel_loop3A_219, %parallel_loop3A_248 : i32
        %parallel_loop3A_250 = arith.constant 0 : i32
        %parallel_loop3A_251 = arith.cmpi ne, %parallel_loop3A_249, %parallel_loop3A_250 : i32
        %parallel_loop3A_252 = arith.constant 0 : i32
        %parallel_loop3A_253 = arith.cmpi slt, %parallel_loop3A_249, %parallel_loop3A_252 : i32
        %parallel_loop3A_254 = arith.constant 0 : i32
        %parallel_loop3A_255 = arith.cmpi slt, %parallel_loop3A_248, %parallel_loop3A_254 : i32
        %parallel_loop3A_256 = arith.xori %parallel_loop3A_253, %parallel_loop3A_255 : i1
        %parallel_loop3A_257 = arith.andi %parallel_loop3A_256, %parallel_loop3A_251 : i1
        %parallel_loop3A_258 = arith.addi %parallel_loop3A_249, %parallel_loop3A_248 : i32
        %parallel_loop3A_259 = arith.select %parallel_loop3A_257, %parallel_loop3A_258, %parallel_loop3A_249 : i32
        %parallel_loop3A_260 = arith.constant 16 : i32
        %parallel_loop3A_261 = arith.muli %parallel_loop3A_259, %parallel_loop3A_260 : i32
        %parallel_loop3A_262 = arith.constant 0 : i32
        %parallel_loop3A_263 = arith.index_cast %parallel_loop3A_243 : i32 to index
        %parallel_loop3A_264 = arith.index_cast %parallel_loop3A_262 : i32 to index
        %parallel_loop3A_265 = arith.index_cast %parallel_loop3A_261 : i32 to index
        %parallel_loop3A_266 = tpu.vector_load %arg6[%parallel_loop3A_263, %parallel_loop3A_264, %parallel_loop3A_265] {strides = array<i32>} : memref<8x16x256xf32, #tpu.memory_space<vmem>>, vector<1x1x16xf32>,
        %parallel_loop3A_267 = vector.shape_cast %parallel_loop3A_266 : vector<1x1x16xf32> to vector<16xf32>
        %parallel_loop3A_268 = arith.constant 1 : i32
        %parallel_loop3A_269 = arith.index_cast %parallel_loop3A_243 : i32 to index
        %parallel_loop3A_270 = arith.index_cast %parallel_loop3A_268 : i32 to index
        %parallel_loop3A_271 = arith.index_cast %parallel_loop3A_261 : i32 to index
        %parallel_loop3A_272 = tpu.vector_load %arg6[%parallel_loop3A_269, %parallel_loop3A_270, %parallel_loop3A_271] {strides = array<i32>} : memref<8x16x256xf32, #tpu.memory_space<vmem>>, vector<1x1x16xf32>,
        %parallel_loop3A_273 = vector.shape_cast %parallel_loop3A_272 : vector<1x1x16xf32> to vector<16xf32>
        %parallel_loop3A_274 = arith.constant 2 : i32
        %parallel_loop3A_275 = arith.index_cast %parallel_loop3A_243 : i32 to index
        %parallel_loop3A_276 = arith.index_cast %parallel_loop3A_274 : i32 to index
        %parallel_loop3A_277 = arith.index_cast %parallel_loop3A_261 : i32 to index
        %parallel_loop3A_278 = tpu.vector_load %arg6[%parallel_loop3A_275, %parallel_loop3A_276, %parallel_loop3A_277] {strides = array<i32>} : memref<8x16x256xf32, #tpu.memory_space<vmem>>, vector<1x1x16xf32>,
        %parallel_loop3A_279 = vector.shape_cast %parallel_loop3A_278 : vector<1x1x16xf32> to vector<16xf32>
        %parallel_loop3A_280 = arith.constant 3 : i32
        %parallel_loop3A_281 = arith.index_cast %parallel_loop3A_243 : i32 to index
        %parallel_loop3A_282 = arith.index_cast %parallel_loop3A_280 : i32 to index
        %parallel_loop3A_283 = arith.index_cast %parallel_loop3A_261 : i32 to index
        %parallel_loop3A_284 = tpu.vector_load %arg6[%parallel_loop3A_281, %parallel_loop3A_282, %parallel_loop3A_283] {strides = array<i32>} : memref<8x16x256xf32, #tpu.memory_space<vmem>>, vector<1x1x16xf32>,
        %parallel_loop3A_285 = vector.shape_cast %parallel_loop3A_284 : vector<1x1x16xf32> to vector<16xf32>
        %parallel_loop3A_286 = arith.constant 4 : i32
        %parallel_loop3A_287 = arith.index_cast %parallel_loop3A_243 : i32 to index
        %parallel_loop3A_288 = arith.index_cast %parallel_loop3A_286 : i32 to index
        %parallel_loop3A_289 = arith.index_cast %parallel_loop3A_261 : i32 to index
        %parallel_loop3A_290 = tpu.vector_load %arg6[%parallel_loop3A_287, %parallel_loop3A_288, %parallel_loop3A_289] {strides = array<i32>} : memref<8x16x256xf32, #tpu.memory_space<vmem>>, vector<1x1x16xf32>,
        %parallel_loop3A_291 = vector.shape_cast %parallel_loop3A_290 : vector<1x1x16xf32> to vector<16xf32>
        %parallel_loop3A_292 = arith.constant 5 : i32
        %parallel_loop3A_293 = arith.index_cast %parallel_loop3A_243 : i32 to index
        %parallel_loop3A_294 = arith.index_cast %parallel_loop3A_292 : i32 to index
        %parallel_loop3A_295 = arith.index_cast %parallel_loop3A_261 : i32 to index
        %parallel_loop3A_296 = tpu.vector_load %arg6[%parallel_loop3A_293, %parallel_loop3A_294, %parallel_loop3A_295] {strides = array<i32>} : memref<8x16x256xf32, #tpu.memory_space<vmem>>, vector<1x1x16xf32>,
        %parallel_loop3A_297 = vector.shape_cast %parallel_loop3A_296 : vector<1x1x16xf32> to vector<16xf32>
        %parallel_loop3A_298 = arith.constant 6 : i32
        %parallel_loop3A_299 = arith.index_cast %parallel_loop3A_243 : i32 to index
        %parallel_loop3A_300 = arith.index_cast %parallel_loop3A_298 : i32 to index
        %parallel_loop3A_301 = arith.index_cast %parallel_loop3A_261 : i32 to index
        %parallel_loop3A_302 = tpu.vector_load %arg6[%parallel_loop3A_299, %parallel_loop3A_300, %parallel_loop3A_301] {strides = array<i32>} : memref<8x16x256xf32, #tpu.memory_space<vmem>>, vector<1x1x16xf32>,
        %parallel_loop3A_303 = vector.shape_cast %parallel_loop3A_302 : vector<1x1x16xf32> to vector<16xf32>
        %parallel_loop3A_304 = arith.constant 7 : i32
        %parallel_loop3A_305 = arith.index_cast %parallel_loop3A_243 : i32 to index
        %parallel_loop3A_306 = arith.index_cast %parallel_loop3A_304 : i32 to index
        %parallel_loop3A_307 = arith.index_cast %parallel_loop3A_261 : i32 to index
        %parallel_loop3A_308 = tpu.vector_load %arg6[%parallel_loop3A_305, %parallel_loop3A_306, %parallel_loop3A_307] {strides = array<i32>} : memref<8x16x256xf32, #tpu.memory_space<vmem>>, vector<1x1x16xf32>,
        %parallel_loop3A_309 = vector.shape_cast %parallel_loop3A_308 : vector<1x1x16xf32> to vector<16xf32>
        %parallel_loop3A_310 = arith.constant 8 : i32
        %parallel_loop3A_311 = arith.index_cast %parallel_loop3A_243 : i32 to index
        %parallel_loop3A_312 = arith.index_cast %parallel_loop3A_310 : i32 to index
        %parallel_loop3A_313 = arith.index_cast %parallel_loop3A_261 : i32 to index
        %parallel_loop3A_314 = tpu.vector_load %arg6[%parallel_loop3A_311, %parallel_loop3A_312, %parallel_loop3A_313] {strides = array<i32>} : memref<8x16x256xf32, #tpu.memory_space<vmem>>, vector<1x1x16xf32>,
        %parallel_loop3A_315 = vector.shape_cast %parallel_loop3A_314 : vector<1x1x16xf32> to vector<16xf32>
        %parallel_loop3A_316 = arith.constant 9 : i32
        %parallel_loop3A_317 = arith.index_cast %parallel_loop3A_243 : i32 to index
        %parallel_loop3A_318 = arith.index_cast %parallel_loop3A_316 : i32 to index
        %parallel_loop3A_319 = arith.index_cast %parallel_loop3A_261 : i32 to index
        %parallel_loop3A_320 = tpu.vector_load %arg6[%parallel_loop3A_317, %parallel_loop3A_318, %parallel_loop3A_319] {strides = array<i32>} : memref<8x16x256xf32, #tpu.memory_space<vmem>>, vector<1x1x16xf32>,
        %parallel_loop3A_321 = vector.shape_cast %parallel_loop3A_320 : vector<1x1x16xf32> to vector<16xf32>
        %parallel_loop3A_322 = arith.constant 10 : i32
        %parallel_loop3A_323 = arith.index_cast %parallel_loop3A_243 : i32 to index
        %parallel_loop3A_324 = arith.index_cast %parallel_loop3A_322 : i32 to index
        %parallel_loop3A_325 = arith.index_cast %parallel_loop3A_261 : i32 to index
        %parallel_loop3A_326 = tpu.vector_load %arg6[%parallel_loop3A_323, %parallel_loop3A_324, %parallel_loop3A_325] {strides = array<i32>} : memref<8x16x256xf32, #tpu.memory_space<vmem>>, vector<1x1x16xf32>,
        %parallel_loop3A_327 = vector.shape_cast %parallel_loop3A_326 : vector<1x1x16xf32> to vector<16xf32>
        %parallel_loop3A_328 = arith.constant 11 : i32
        %parallel_loop3A_329 = arith.index_cast %parallel_loop3A_243 : i32 to index
        %parallel_loop3A_330 = arith.index_cast %parallel_loop3A_328 : i32 to index
        %parallel_loop3A_331 = arith.index_cast %parallel_loop3A_261 : i32 to index
        %parallel_loop3A_332 = tpu.vector_load %arg6[%parallel_loop3A_329, %parallel_loop3A_330, %parallel_loop3A_331] {strides = array<i32>} : memref<8x16x256xf32, #tpu.memory_space<vmem>>, vector<1x1x16xf32>,
        %parallel_loop3A_333 = vector.shape_cast %parallel_loop3A_332 : vector<1x1x16xf32> to vector<16xf32>
        %parallel_loop3A_334 = arith.constant 12 : i32
        %parallel_loop3A_335 = arith.index_cast %parallel_loop3A_243 : i32 to index
        %parallel_loop3A_336 = arith.index_cast %parallel_loop3A_334 : i32 to index
        %parallel_loop3A_337 = arith.index_cast %parallel_loop3A_261 : i32 to index
        %parallel_loop3A_338 = tpu.vector_load %arg6[%parallel_loop3A_335, %parallel_loop3A_336, %parallel_loop3A_337] {strides = array<i32>} : memref<8x16x256xf32, #tpu.memory_space<vmem>>, vector<1x1x16xf32>,
        %parallel_loop3A_339 = vector.shape_cast %parallel_loop3A_338 : vector<1x1x16xf32> to vector<16xf32>
        %parallel_loop3A_340 = arith.constant 13 : i32
        %parallel_loop3A_341 = arith.index_cast %parallel_loop3A_243 : i32 to index
        %parallel_loop3A_342 = arith.index_cast %parallel_loop3A_340 : i32 to index
        %parallel_loop3A_343 = arith.index_cast %parallel_loop3A_261 : i32 to index
        %parallel_loop3A_344 = tpu.vector_load %arg6[%parallel_loop3A_341, %parallel_loop3A_342, %parallel_loop3A_343] {strides = array<i32>} : memref<8x16x256xf32, #tpu.memory_space<vmem>>, vector<1x1x16xf32>,
        %parallel_loop3A_345 = vector.shape_cast %parallel_loop3A_344 : vector<1x1x16xf32> to vector<16xf32>
        %parallel_loop3A_346 = arith.constant 14 : i32
        %parallel_loop3A_347 = arith.index_cast %parallel_loop3A_243 : i32 to index
        %parallel_loop3A_348 = arith.index_cast %parallel_loop3A_346 : i32 to index
        %parallel_loop3A_349 = arith.index_cast %parallel_loop3A_261 : i32 to index
        %parallel_loop3A_350 = tpu.vector_load %arg6[%parallel_loop3A_347, %parallel_loop3A_348, %parallel_loop3A_349] {strides = array<i32>} : memref<8x16x256xf32, #tpu.memory_space<vmem>>, vector<1x1x16xf32>,
        %parallel_loop3A_351 = vector.shape_cast %parallel_loop3A_350 : vector<1x1x16xf32> to vector<16xf32>
        %parallel_loop3A_352 = arith.constant 15 : i32
        %parallel_loop3A_353 = arith.index_cast %parallel_loop3A_243 : i32 to index
        %parallel_loop3A_354 = arith.index_cast %parallel_loop3A_352 : i32 to index
        %parallel_loop3A_355 = arith.index_cast %parallel_loop3A_261 : i32 to index
        %parallel_loop3A_356 = tpu.vector_load %arg6[%parallel_loop3A_353, %parallel_loop3A_354, %parallel_loop3A_355] {strides = array<i32>} : memref<8x16x256xf32, #tpu.memory_space<vmem>>, vector<1x1x16xf32>,
        %parallel_loop3A_357 = vector.shape_cast %parallel_loop3A_356 : vector<1x1x16xf32> to vector<16xf32>
        %parallel_loop3A_358 = arith.addf %parallel_loop3A_267, %parallel_loop3A_273 : vector<16xf32>
        %parallel_loop3A_359 = arith.addf %parallel_loop3A_279, %parallel_loop3A_285 : vector<16xf32>
        %parallel_loop3A_360 = arith.addf %parallel_loop3A_291, %parallel_loop3A_297 : vector<16xf32>
        %parallel_loop3A_361 = arith.addf %parallel_loop3A_303, %parallel_loop3A_309 : vector<16xf32>
        %parallel_loop3A_362 = arith.addf %parallel_loop3A_315, %parallel_loop3A_321 : vector<16xf32>
        %parallel_loop3A_363 = arith.addf %parallel_loop3A_327, %parallel_loop3A_333 : vector<16xf32>
        %parallel_loop3A_364 = arith.addf %parallel_loop3A_339, %parallel_loop3A_345 : vector<16xf32>
        %parallel_loop3A_365 = arith.addf %parallel_loop3A_351, %parallel_loop3A_357 : vector<16xf32>
        %parallel_loop3A_366 = arith.maximumf %parallel_loop3A_267, %parallel_loop3A_273 : vector<16xf32>
        %parallel_loop3A_367 = arith.maximumf %parallel_loop3A_279, %parallel_loop3A_285 : vector<16xf32>
        %parallel_loop3A_368 = arith.maximumf %parallel_loop3A_291, %parallel_loop3A_297 : vector<16xf32>
        %parallel_loop3A_369 = arith.maximumf %parallel_loop3A_303, %parallel_loop3A_309 : vector<16xf32>
        %parallel_loop3A_370 = arith.maximumf %parallel_loop3A_315, %parallel_loop3A_321 : vector<16xf32>
        %parallel_loop3A_371 = arith.maximumf %parallel_loop3A_327, %parallel_loop3A_333 : vector<16xf32>
        %parallel_loop3A_372 = arith.maximumf %parallel_loop3A_339, %parallel_loop3A_345 : vector<16xf32>
        %parallel_loop3A_373 = arith.maximumf %parallel_loop3A_351, %parallel_loop3A_357 : vector<16xf32>
        %parallel_loop3A_374 = arith.addf %parallel_loop3A_358, %parallel_loop3A_359 : vector<16xf32>
        %parallel_loop3A_375 = arith.addf %parallel_loop3A_360, %parallel_loop3A_361 : vector<16xf32>
        %parallel_loop3A_376 = arith.addf %parallel_loop3A_362, %parallel_loop3A_363 : vector<16xf32>
        %parallel_loop3A_377 = arith.addf %parallel_loop3A_364, %parallel_loop3A_365 : vector<16xf32>
        %parallel_loop3A_378 = arith.maximumf %parallel_loop3A_366, %parallel_loop3A_367 : vector<16xf32>
        %parallel_loop3A_379 = arith.maximumf %parallel_loop3A_368, %parallel_loop3A_369 : vector<16xf32>
        %parallel_loop3A_380 = arith.maximumf %parallel_loop3A_370, %parallel_loop3A_371 : vector<16xf32>
        %parallel_loop3A_381 = arith.maximumf %parallel_loop3A_372, %parallel_loop3A_373 : vector<16xf32>
        %parallel_loop3A_382 = arith.addf %parallel_loop3A_374, %parallel_loop3A_375 : vector<16xf32>
        %parallel_loop3A_383 = arith.addf %parallel_loop3A_376, %parallel_loop3A_377 : vector<16xf32>
        %parallel_loop3A_384 = arith.maximumf %parallel_loop3A_378, %parallel_loop3A_379 : vector<16xf32>
        %parallel_loop3A_385 = arith.maximumf %parallel_loop3A_380, %parallel_loop3A_381 : vector<16xf32>
        %parallel_loop3A_386 = arith.addf %parallel_loop3A_382, %parallel_loop3A_383 : vector<16xf32>
        %parallel_loop3A_387 = arith.maximumf %parallel_loop3A_384, %parallel_loop3A_385 : vector<16xf32>
        %parallel_loop3A_388 = arith.constant 6.250000e-02 : f32
        %parallel_loop3A_389 = vector.broadcast %parallel_loop3A_388 : f32 to vector<16xf32>
        %parallel_loop3A_390 = arith.mulf %parallel_loop3A_386, %parallel_loop3A_389 : vector<16xf32>
        %parallel_loop3A_391 = arith.index_cast %parallel_loop3A_243 : i32 to index
        %parallel_loop3A_392 = arith.index_cast %parallel_loop3A_261 : i32 to index
        %parallel_loop3A_393 = tpu.vector_load %arg9[%parallel_loop3A_391, %parallel_loop3A_392] {strides = array<i32>} : memref<8x512xf32, #tpu.memory_space<vmem>>, vector<1x16xf32>,
        %parallel_loop3A_394 = vector.shape_cast %parallel_loop3A_393 : vector<1x16xf32> to vector<16xf32>
        %parallel_loop3A_395 = vector.shape_cast %parallel_loop3A_390 : vector<16xf32> to vector<1x16xf32>
        tpu.vector_store %arg9[%parallel_loop3A_391, %parallel_loop3A_392], %parallel_loop3A_395 {strides = array<i32>} : memref<8x512xf32, #tpu.memory_space<vmem>>, vector<1x16xf32>,
        %parallel_loop3A_396 = arith.constant 256 : i32
        %parallel_loop3A_397 = arith.addi %parallel_loop3A_396, %parallel_loop3A_261 : i32
        %parallel_loop3A_398 = arith.index_cast %parallel_loop3A_243 : i32 to index
        %parallel_loop3A_399 = arith.index_cast %parallel_loop3A_397 : i32 to index
        %parallel_loop3A_400 = tpu.vector_load %arg9[%parallel_loop3A_398, %parallel_loop3A_399] {strides = array<i32>} : memref<8x512xf32, #tpu.memory_space<vmem>>, vector<1x16xf32>,
        %parallel_loop3A_401 = vector.shape_cast %parallel_loop3A_400 : vector<1x16xf32> to vector<16xf32>
        %parallel_loop3A_402 = vector.shape_cast %parallel_loop3A_387 : vector<16xf32> to vector<1x16xf32>
        tpu.vector_store %arg9[%parallel_loop3A_398, %parallel_loop3A_399], %parallel_loop3A_402 {strides = array<i32>} : memref<8x512xf32, #tpu.memory_space<vmem>>, vector<1x16xf32>,
      } {sc.loop_unroll_factor = 2 : i64, sc.parallel_access}
      %add3A_203 = arith.constant 3 : i32
      %add3A_204 = arith.addi %add3A_186, %add3A_203 : i32
      %lt3A_205 = arith.cmpi slt, %add3A_204, %select_n3A : i32
      %convert_element_type3A_206 = arith.extui %lt3A_205 : i1 to i32
      %cond3A_207 = arith.constant 0 : i32
      %cond3A_208 = arith.cmpi ne, %convert_element_type3A_206, %cond3A_207 : i32
      scf.if %cond3A_208 {
        %add3A_219 = arith.constant 3 : i32
        %add3A_220 = arith.addi %add3A_186, %add3A_219 : i32
        %mul3A_221 = arith.constant 32 : i32
        %mul3A_222 = arith.muli %add3A_220, %mul3A_221 : i32
        %add3A_223 = arith.addi %add3A, %mul3A_222 : i32
        %mul3A_224 = arith.constant 8 : i32
        %mul3A_225 = arith.muli %add3A_223, %mul3A_224 : i32
        %dma_start3A_226 = arith.constant 0 : i32
        %dma_start3A_227 = arith.constant 0 : i32
        %dma_start3A_228 = tpu.memref_slice %arg2[%mul3A_225, %dma_start3A_226, %dma_start3A_227] : memref<10000x16x256xf32, #tpu.memory_space<hbm>> -> memref<8x16x256xf32, #tpu.memory_space<hbm>>
        %dma_start3A_229 = arith.constant 0 : i32
        %dma_start3A_230 = arith.constant 0 : i32
        %dma_start3A_231 = tpu.memref_slice %arg2[%mul3A_225, %dma_start3A_229, %dma_start3A_230] : memref<10000x16x256xf32, #tpu.memory_space<hbm>> -> memref<8x16x256xf32, #tpu.memory_space<hbm>>
        tpu.enqueue_dma source(%dma_start3A_231 : memref<8x16x256xf32, #tpu.memory_space<hbm>>) target(%arg6 : memref<8x16x256xf32, #tpu.memory_space<vmem>>) target_semaphore(%arg12 : memref<!tpu.dma_semaphore, #tpu.memory_space<semaphore_mem>>)
      } else {
      }
      %mul3A_209 = arith.constant 32 : i32
      %mul3A_210 = arith.muli %add3A_186, %mul3A_209 : i32
      %add3A_211 = arith.addi %add3A, %mul3A_210 : i32
      %mul3A_212 = arith.constant 8 : i32
      %mul3A_213 = arith.muli %add3A_211, %mul3A_212 : i32
      %dma_start3A_214 = arith.constant 0 : i32
      %dma_start3A_215 = tpu.memref_slice %arg3[%mul3A_213, %dma_start3A_214] : memref<10000x512xf32, #tpu.memory_space<hbm>> -> memref<8x512xf32, #tpu.memory_space<hbm>>
      %dma_start3A_216 = arith.constant 0 : i32
      %dma_start3A_217 = tpu.memref_slice %arg3[%mul3A_213, %dma_start3A_216] : memref<10000x512xf32, #tpu.memory_space<hbm>> -> memref<8x512xf32, #tpu.memory_space<hbm>>
      tpu.enqueue_dma source(%arg9 : memref<8x512xf32, #tpu.memory_space<vmem>>) target(%dma_start3A_217 : memref<8x512xf32, #tpu.memory_space<hbm>>) target_semaphore(%arg15 : memref<!tpu.dma_semaphore, #tpu.memory_space<semaphore_mem>>)
      %while3A_218 = arith.constant 0 : i32
      scf.yield %while3A_218 : i32
    }
    %ge3A = arith.constant 1 : i32
    %ge3A_90 = arith.cmpi sge, %sub3A_49, %ge3A : i32
    %convert_element_type3A = arith.extui %ge3A_90 : i1 to i32
    %cond3A = arith.constant 0 : i32
    %cond3A_91 = arith.cmpi ne, %convert_element_type3A, %cond3A : i32
    scf.if %cond3A_91 {
      %mul3A_114 = arith.constant 3 : i32
      %mul3A_115 = arith.muli %mul3A_114, %select_n3A_46 : i32
      %dma_wait3A_116 = arith.constant 0 : i32
      %dma_wait3A_117 = arith.constant 0 : i32
      %dma_wait3A_118 = arith.constant 0 : i32
      %dma_wait3A_119 = tpu.memref_slice %arg2[%dma_wait3A_116, %dma_wait3A_117, %dma_wait3A_118] : memref<10000x16x256xf32, #tpu.memory_space<hbm>> -> memref<8x16x256xf32, #tpu.memory_space<hbm>>
      %dma_wait3A_120 = arith.constant 0 : i32
      %dma_wait3A_121 = arith.constant 0 : i32
      %dma_wait3A_122 = arith.constant 0 : i32
      %dma_wait3A_123 = tpu.memref_slice %arg2[%dma_wait3A_120, %dma_wait3A_121, %dma_wait3A_122] : memref<10000x16x256xf32, #tpu.memory_space<hbm>> -> memref<8x16x256xf32, #tpu.memory_space<hbm>>
      tpu.wait_dma2 semaphore(%arg10 : memref<!tpu.dma_semaphore, #tpu.memory_space<semaphore_mem>>) src(%dma_wait3A_123 : memref<8x16x256xf32, #tpu.memory_space<hbm>>) dst(%arg4 : memref<8x16x256xf32, #tpu.memory_space<vmem>>)
      %gt3A = arith.constant 0 : i32
      %gt3A_124 = arith.cmpi sgt, %select_n3A_46, %gt3A : i32
      %convert_element_type3A_125 = arith.extui %gt3A_124 : i1 to i32
      %cond3A_126 = arith.constant 0 : i32
      %cond3A_127 = arith.cmpi ne, %convert_element_type3A_125, %cond3A_126 : i32
      scf.if %cond3A_127 {
        %dma_wait3A_144 = arith.constant 0 : i32
        %dma_wait3A_145 = arith.constant 0 : i32
        %dma_wait3A_146 = tpu.memref_slice %arg3[%dma_wait3A_144, %dma_wait3A_145] : memref<10000x512xf32, #tpu.memory_space<hbm>> -> memref<8x512xf32, #tpu.memory_space<hbm>>
        %dma_wait3A_147 = arith.constant 0 : i32
        %dma_wait3A_148 = arith.constant 0 : i32
        %dma_wait3A_149 = tpu.memref_slice %arg3[%dma_wait3A_147, %dma_wait3A_148] : memref<10000x512xf32, #tpu.memory_space<hbm>> -> memref<8x512xf32, #tpu.memory_space<hbm>>
        tpu.wait_dma2 semaphore(%arg13 : memref<!tpu.dma_semaphore, #tpu.memory_space<semaphore_mem>>) src(%arg7 : memref<8x512xf32, #tpu.memory_space<vmem>>) dst(%dma_wait3A_149 : memref<8x512xf32, #tpu.memory_space<hbm>>)
      } else {
      }
      %parallel_loop3A = arith.constant 0 : i32
      %parallel_loop3A_128 = arith.constant 128 : i32
      %parallel_loop3A_129 = arith.constant 1 : i32
      scf.for %parallel_loop3A_144 = %parallel_loop3A to %parallel_loop3A_128 step %parallel_loop3A_129  : i32 {
        %parallel_loop3A_145 = arith.constant 16 : i32
        %parallel_loop3A_146 = arith.divsi %parallel_loop3A_144, %parallel_loop3A_145 : i32
        %parallel_loop3A_147 = arith.constant 0 : i32
        %parallel_loop3A_148 = arith.cmpi sgt, %parallel_loop3A_144, %parallel_loop3A_147 : i32
        %parallel_loop3A_149 = arith.extui %parallel_loop3A_148 : i1 to i32
        %parallel_loop3A_150 = arith.constant 0 : i32
        %parallel_loop3A_151 = arith.cmpi slt, %parallel_loop3A_144, %parallel_loop3A_150 : i32
        %parallel_loop3A_152 = arith.extui %parallel_loop3A_151 : i1 to i32
        %parallel_loop3A_153 = arith.subi %parallel_loop3A_149, %parallel_loop3A_152 : i32
        %parallel_loop3A_154 = arith.constant 0 : i32
        %parallel_loop3A_155 = arith.cmpi sgt, %parallel_loop3A_145, %parallel_loop3A_154 : i32
        %parallel_loop3A_156 = arith.extui %parallel_loop3A_155 : i1 to i32
        %parallel_loop3A_157 = arith.constant 0 : i32
        %parallel_loop3A_158 = arith.cmpi slt, %parallel_loop3A_145, %parallel_loop3A_157 : i32
        %parallel_loop3A_159 = arith.extui %parallel_loop3A_158 : i1 to i32
        %parallel_loop3A_160 = arith.subi %parallel_loop3A_156, %parallel_loop3A_159 : i32
        %parallel_loop3A_161 = arith.cmpi ne, %parallel_loop3A_153, %parallel_loop3A_160 : i32
        %parallel_loop3A_162 = arith.remsi %parallel_loop3A_144, %parallel_loop3A_145 : i32
        %parallel_loop3A_163 = arith.constant 0 : i32
        %parallel_loop3A_164 = arith.cmpi ne, %parallel_loop3A_162, %parallel_loop3A_163 : i32
        %parallel_loop3A_165 = arith.andi %parallel_loop3A_161, %parallel_loop3A_164 : i1
        %parallel_loop3A_166 = arith.constant 1 : i32
        %parallel_loop3A_167 = arith.subi %parallel_loop3A_146, %parallel_loop3A_166 : i32
        %parallel_loop3A_168 = arith.select %parallel_loop3A_165, %parallel_loop3A_167, %parallel_loop3A_146 : i32
        %parallel_loop3A_169 = arith.constant 16 : i32
        %parallel_loop3A_170 = arith.constant 0 : i32
        %parallel_loop3A_171 = arith.cmpi eq, %parallel_loop3A_169, %parallel_loop3A_170 : i32
        %parallel_loop3A_172 = arith.constant 1 : i32
        %parallel_loop3A_173 = arith.select %parallel_loop3A_171, %parallel_loop3A_172, %parallel_loop3A_169 : i32
        %parallel_loop3A_174 = arith.remsi %parallel_loop3A_144, %parallel_loop3A_173 : i32
        %parallel_loop3A_175 = arith.constant 0 : i32
        %parallel_loop3A_176 = arith.cmpi ne, %parallel_loop3A_174, %parallel_loop3A_175 : i32
        %parallel_loop3A_177 = arith.constant 0 : i32
        %parallel_loop3A_178 = arith.cmpi slt, %parallel_loop3A_174, %parallel_loop3A_177 : i32
        %parallel_loop3A_179 = arith.constant 0 : i32
        %parallel_loop3A_180 = arith.cmpi slt, %parallel_loop3A_173, %parallel_loop3A_179 : i32
        %parallel_loop3A_181 = arith.xori %parallel_loop3A_178, %parallel_loop3A_180 : i1
        %parallel_loop3A_182 = arith.andi %parallel_loop3A_181, %parallel_loop3A_176 : i1
        %parallel_loop3A_183 = arith.addi %parallel_loop3A_174, %parallel_loop3A_173 : i32
        %parallel_loop3A_184 = arith.select %parallel_loop3A_182, %parallel_loop3A_183, %parallel_loop3A_174 : i32
        %parallel_loop3A_185 = arith.constant 16 : i32
        %parallel_loop3A_186 = arith.muli %parallel_loop3A_184, %parallel_loop3A_185 : i32
        %parallel_loop3A_187 = arith.constant 0 : i32
        %parallel_loop3A_188 = arith.index_cast %parallel_loop3A_168 : i32 to index
        %parallel_loop3A_189 = arith.index_cast %parallel_loop3A_187 : i32 to index
        %parallel_loop3A_190 = arith.index_cast %parallel_loop3A_186 : i32 to index
        %parallel_loop3A_191 = tpu.vector_load %arg4[%parallel_loop3A_188, %parallel_loop3A_189, %parallel_loop3A_190] {strides = array<i32>} : memref<8x16x256xf32, #tpu.memory_space<vmem>>, vector<1x1x16xf32>,
        %parallel_loop3A_192 = vector.shape_cast %parallel_loop3A_191 : vector<1x1x16xf32> to vector<16xf32>
        %parallel_loop3A_193 = arith.constant 1 : i32
        %parallel_loop3A_194 = arith.index_cast %parallel_loop3A_168 : i32 to index
        %parallel_loop3A_195 = arith.index_cast %parallel_loop3A_193 : i32 to index
        %parallel_loop3A_196 = arith.index_cast %parallel_loop3A_186 : i32 to index
        %parallel_loop3A_197 = tpu.vector_load %arg4[%parallel_loop3A_194, %parallel_loop3A_195, %parallel_loop3A_196] {strides = array<i32>} : memref<8x16x256xf32, #tpu.memory_space<vmem>>, vector<1x1x16xf32>,
        %parallel_loop3A_198 = vector.shape_cast %parallel_loop3A_197 : vector<1x1x16xf32> to vector<16xf32>
        %parallel_loop3A_199 = arith.constant 2 : i32
        %parallel_loop3A_200 = arith.index_cast %parallel_loop3A_168 : i32 to index
        %parallel_loop3A_201 = arith.index_cast %parallel_loop3A_199 : i32 to index
        %parallel_loop3A_202 = arith.index_cast %parallel_loop3A_186 : i32 to index
        %parallel_loop3A_203 = tpu.vector_load %arg4[%parallel_loop3A_200, %parallel_loop3A_201, %parallel_loop3A_202] {strides = array<i32>} : memref<8x16x256xf32, #tpu.memory_space<vmem>>, vector<1x1x16xf32>,
        %parallel_loop3A_204 = vector.shape_cast %parallel_loop3A_203 : vector<1x1x16xf32> to vector<16xf32>
        %parallel_loop3A_205 = arith.constant 3 : i32
        %parallel_loop3A_206 = arith.index_cast %parallel_loop3A_168 : i32 to index
        %parallel_loop3A_207 = arith.index_cast %parallel_loop3A_205 : i32 to index
        %parallel_loop3A_208 = arith.index_cast %parallel_loop3A_186 : i32 to index
        %parallel_loop3A_209 = tpu.vector_load %arg4[%parallel_loop3A_206, %parallel_loop3A_207, %parallel_loop3A_208] {strides = array<i32>} : memref<8x16x256xf32, #tpu.memory_space<vmem>>, vector<1x1x16xf32>,
        %parallel_loop3A_210 = vector.shape_cast %parallel_loop3A_209 : vector<1x1x16xf32> to vector<16xf32>
        %parallel_loop3A_211 = arith.constant 4 : i32
        %parallel_loop3A_212 = arith.index_cast %parallel_loop3A_168 : i32 to index
        %parallel_loop3A_213 = arith.index_cast %parallel_loop3A_211 : i32 to index
        %parallel_loop3A_214 = arith.index_cast %parallel_loop3A_186 : i32 to index
        %parallel_loop3A_215 = tpu.vector_load %arg4[%parallel_loop3A_212, %parallel_loop3A_213, %parallel_loop3A_214] {strides = array<i32>} : memref<8x16x256xf32, #tpu.memory_space<vmem>>, vector<1x1x16xf32>,
        %parallel_loop3A_216 = vector.shape_cast %parallel_loop3A_215 : vector<1x1x16xf32> to vector<16xf32>
        %parallel_loop3A_217 = arith.constant 5 : i32
        %parallel_loop3A_218 = arith.index_cast %parallel_loop3A_168 : i32 to index
        %parallel_loop3A_219 = arith.index_cast %parallel_loop3A_217 : i32 to index
        %parallel_loop3A_220 = arith.index_cast %parallel_loop3A_186 : i32 to index
        %parallel_loop3A_221 = tpu.vector_load %arg4[%parallel_loop3A_218, %parallel_loop3A_219, %parallel_loop3A_220] {strides = array<i32>} : memref<8x16x256xf32, #tpu.memory_space<vmem>>, vector<1x1x16xf32>,
        %parallel_loop3A_222 = vector.shape_cast %parallel_loop3A_221 : vector<1x1x16xf32> to vector<16xf32>
        %parallel_loop3A_223 = arith.constant 6 : i32
        %parallel_loop3A_224 = arith.index_cast %parallel_loop3A_168 : i32 to index
        %parallel_loop3A_225 = arith.index_cast %parallel_loop3A_223 : i32 to index
        %parallel_loop3A_226 = arith.index_cast %parallel_loop3A_186 : i32 to index
        %parallel_loop3A_227 = tpu.vector_load %arg4[%parallel_loop3A_224, %parallel_loop3A_225, %parallel_loop3A_226] {strides = array<i32>} : memref<8x16x256xf32, #tpu.memory_space<vmem>>, vector<1x1x16xf32>,
        %parallel_loop3A_228 = vector.shape_cast %parallel_loop3A_227 : vector<1x1x16xf32> to vector<16xf32>
        %parallel_loop3A_229 = arith.constant 7 : i32
        %parallel_loop3A_230 = arith.index_cast %parallel_loop3A_168 : i32 to index
        %parallel_loop3A_231 = arith.index_cast %parallel_loop3A_229 : i32 to index
        %parallel_loop3A_232 = arith.index_cast %parallel_loop3A_186 : i32 to index
        %parallel_loop3A_233 = tpu.vector_load %arg4[%parallel_loop3A_230, %parallel_loop3A_231, %parallel_loop3A_232] {strides = array<i32>} : memref<8x16x256xf32, #tpu.memory_space<vmem>>, vector<1x1x16xf32>,
        %parallel_loop3A_234 = vector.shape_cast %parallel_loop3A_233 : vector<1x1x16xf32> to vector<16xf32>
        %parallel_loop3A_235 = arith.constant 8 : i32
        %parallel_loop3A_236 = arith.index_cast %parallel_loop3A_168 : i32 to index
        %parallel_loop3A_237 = arith.index_cast %parallel_loop3A_235 : i32 to index
        %parallel_loop3A_238 = arith.index_cast %parallel_loop3A_186 : i32 to index
        %parallel_loop3A_239 = tpu.vector_load %arg4[%parallel_loop3A_236, %parallel_loop3A_237, %parallel_loop3A_238] {strides = array<i32>} : memref<8x16x256xf32, #tpu.memory_space<vmem>>, vector<1x1x16xf32>,
        %parallel_loop3A_240 = vector.shape_cast %parallel_loop3A_239 : vector<1x1x16xf32> to vector<16xf32>
        %parallel_loop3A_241 = arith.constant 9 : i32
        %parallel_loop3A_242 = arith.index_cast %parallel_loop3A_168 : i32 to index
        %parallel_loop3A_243 = arith.index_cast %parallel_loop3A_241 : i32 to index
        %parallel_loop3A_244 = arith.index_cast %parallel_loop3A_186 : i32 to index
        %parallel_loop3A_245 = tpu.vector_load %arg4[%parallel_loop3A_242, %parallel_loop3A_243, %parallel_loop3A_244] {strides = array<i32>} : memref<8x16x256xf32, #tpu.memory_space<vmem>>, vector<1x1x16xf32>,
        %parallel_loop3A_246 = vector.shape_cast %parallel_loop3A_245 : vector<1x1x16xf32> to vector<16xf32>
        %parallel_loop3A_247 = arith.constant 10 : i32
        %parallel_loop3A_248 = arith.index_cast %parallel_loop3A_168 : i32 to index
        %parallel_loop3A_249 = arith.index_cast %parallel_loop3A_247 : i32 to index
        %parallel_loop3A_250 = arith.index_cast %parallel_loop3A_186 : i32 to index
        %parallel_loop3A_251 = tpu.vector_load %arg4[%parallel_loop3A_248, %parallel_loop3A_249, %parallel_loop3A_250] {strides = array<i32>} : memref<8x16x256xf32, #tpu.memory_space<vmem>>, vector<1x1x16xf32>,
        %parallel_loop3A_252 = vector.shape_cast %parallel_loop3A_251 : vector<1x1x16xf32> to vector<16xf32>
        %parallel_loop3A_253 = arith.constant 11 : i32
        %parallel_loop3A_254 = arith.index_cast %parallel_loop3A_168 : i32 to index
        %parallel_loop3A_255 = arith.index_cast %parallel_loop3A_253 : i32 to index
        %parallel_loop3A_256 = arith.index_cast %parallel_loop3A_186 : i32 to index
        %parallel_loop3A_257 = tpu.vector_load %arg4[%parallel_loop3A_254, %parallel_loop3A_255, %parallel_loop3A_256] {strides = array<i32>} : memref<8x16x256xf32, #tpu.memory_space<vmem>>, vector<1x1x16xf32>,
        %parallel_loop3A_258 = vector.shape_cast %parallel_loop3A_257 : vector<1x1x16xf32> to vector<16xf32>
        %parallel_loop3A_259 = arith.constant 12 : i32
        %parallel_loop3A_260 = arith.index_cast %parallel_loop3A_168 : i32 to index
        %parallel_loop3A_261 = arith.index_cast %parallel_loop3A_259 : i32 to index
        %parallel_loop3A_262 = arith.index_cast %parallel_loop3A_186 : i32 to index
        %parallel_loop3A_263 = tpu.vector_load %arg4[%parallel_loop3A_260, %parallel_loop3A_261, %parallel_loop3A_262] {strides = array<i32>} : memref<8x16x256xf32, #tpu.memory_space<vmem>>, vector<1x1x16xf32>,
        %parallel_loop3A_264 = vector.shape_cast %parallel_loop3A_263 : vector<1x1x16xf32> to vector<16xf32>
        %parallel_loop3A_265 = arith.constant 13 : i32
        %parallel_loop3A_266 = arith.index_cast %parallel_loop3A_168 : i32 to index
        %parallel_loop3A_267 = arith.index_cast %parallel_loop3A_265 : i32 to index
        %parallel_loop3A_268 = arith.index_cast %parallel_loop3A_186 : i32 to index
        %parallel_loop3A_269 = tpu.vector_load %arg4[%parallel_loop3A_266, %parallel_loop3A_267, %parallel_loop3A_268] {strides = array<i32>} : memref<8x16x256xf32, #tpu.memory_space<vmem>>, vector<1x1x16xf32>,
        %parallel_loop3A_270 = vector.shape_cast %parallel_loop3A_269 : vector<1x1x16xf32> to vector<16xf32>
        %parallel_loop3A_271 = arith.constant 14 : i32
        %parallel_loop3A_272 = arith.index_cast %parallel_loop3A_168 : i32 to index
        %parallel_loop3A_273 = arith.index_cast %parallel_loop3A_271 : i32 to index
        %parallel_loop3A_274 = arith.index_cast %parallel_loop3A_186 : i32 to index
        %parallel_loop3A_275 = tpu.vector_load %arg4[%parallel_loop3A_272, %parallel_loop3A_273, %parallel_loop3A_274] {strides = array<i32>} : memref<8x16x256xf32, #tpu.memory_space<vmem>>, vector<1x1x16xf32>,
        %parallel_loop3A_276 = vector.shape_cast %parallel_loop3A_275 : vector<1x1x16xf32> to vector<16xf32>
        %parallel_loop3A_277 = arith.constant 15 : i32
        %parallel_loop3A_278 = arith.index_cast %parallel_loop3A_168 : i32 to index
        %parallel_loop3A_279 = arith.index_cast %parallel_loop3A_277 : i32 to index
        %parallel_loop3A_280 = arith.index_cast %parallel_loop3A_186 : i32 to index
        %parallel_loop3A_281 = tpu.vector_load %arg4[%parallel_loop3A_278, %parallel_loop3A_279, %parallel_loop3A_280] {strides = array<i32>} : memref<8x16x256xf32, #tpu.memory_space<vmem>>, vector<1x1x16xf32>,
        %parallel_loop3A_282 = vector.shape_cast %parallel_loop3A_281 : vector<1x1x16xf32> to vector<16xf32>
        %parallel_loop3A_283 = arith.addf %parallel_loop3A_192, %parallel_loop3A_198 : vector<16xf32>
        %parallel_loop3A_284 = arith.addf %parallel_loop3A_204, %parallel_loop3A_210 : vector<16xf32>
        %parallel_loop3A_285 = arith.addf %parallel_loop3A_216, %parallel_loop3A_222 : vector<16xf32>
        %parallel_loop3A_286 = arith.addf %parallel_loop3A_228, %parallel_loop3A_234 : vector<16xf32>
        %parallel_loop3A_287 = arith.addf %parallel_loop3A_240, %parallel_loop3A_246 : vector<16xf32>
        %parallel_loop3A_288 = arith.addf %parallel_loop3A_252, %parallel_loop3A_258 : vector<16xf32>
        %parallel_loop3A_289 = arith.addf %parallel_loop3A_264, %parallel_loop3A_270 : vector<16xf32>
        %parallel_loop3A_290 = arith.addf %parallel_loop3A_276, %parallel_loop3A_282 : vector<16xf32>
        %parallel_loop3A_291 = arith.maximumf %parallel_loop3A_192, %parallel_loop3A_198 : vector<16xf32>
        %parallel_loop3A_292 = arith.maximumf %parallel_loop3A_204, %parallel_loop3A_210 : vector<16xf32>
        %parallel_loop3A_293 = arith.maximumf %parallel_loop3A_216, %parallel_loop3A_222 : vector<16xf32>
        %parallel_loop3A_294 = arith.maximumf %parallel_loop3A_228, %parallel_loop3A_234 : vector<16xf32>
        %parallel_loop3A_295 = arith.maximumf %parallel_loop3A_240, %parallel_loop3A_246 : vector<16xf32>
        %parallel_loop3A_296 = arith.maximumf %parallel_loop3A_252, %parallel_loop3A_258 : vector<16xf32>
        %parallel_loop3A_297 = arith.maximumf %parallel_loop3A_264, %parallel_loop3A_270 : vector<16xf32>
        %parallel_loop3A_298 = arith.maximumf %parallel_loop3A_276, %parallel_loop3A_282 : vector<16xf32>
        %parallel_loop3A_299 = arith.addf %parallel_loop3A_283, %parallel_loop3A_284 : vector<16xf32>
        %parallel_loop3A_300 = arith.addf %parallel_loop3A_285, %parallel_loop3A_286 : vector<16xf32>
        %parallel_loop3A_301 = arith.addf %parallel_loop3A_287, %parallel_loop3A_288 : vector<16xf32>
        %parallel_loop3A_302 = arith.addf %parallel_loop3A_289, %parallel_loop3A_290 : vector<16xf32>
        %parallel_loop3A_303 = arith.maximumf %parallel_loop3A_291, %parallel_loop3A_292 : vector<16xf32>
        %parallel_loop3A_304 = arith.maximumf %parallel_loop3A_293, %parallel_loop3A_294 : vector<16xf32>
        %parallel_loop3A_305 = arith.maximumf %parallel_loop3A_295, %parallel_loop3A_296 : vector<16xf32>
        %parallel_loop3A_306 = arith.maximumf %parallel_loop3A_297, %parallel_loop3A_298 : vector<16xf32>
        %parallel_loop3A_307 = arith.addf %parallel_loop3A_299, %parallel_loop3A_300 : vector<16xf32>
        %parallel_loop3A_308 = arith.addf %parallel_loop3A_301, %parallel_loop3A_302 : vector<16xf32>
        %parallel_loop3A_309 = arith.maximumf %parallel_loop3A_303, %parallel_loop3A_304 : vector<16xf32>
        %parallel_loop3A_310 = arith.maximumf %parallel_loop3A_305, %parallel_loop3A_306 : vector<16xf32>
        %parallel_loop3A_311 = arith.addf %parallel_loop3A_307, %parallel_loop3A_308 : vector<16xf32>
        %parallel_loop3A_312 = arith.maximumf %parallel_loop3A_309, %parallel_loop3A_310 : vector<16xf32>
        %parallel_loop3A_313 = arith.constant 6.250000e-02 : f32
        %parallel_loop3A_314 = vector.broadcast %parallel_loop3A_313 : f32 to vector<16xf32>
        %parallel_loop3A_315 = arith.mulf %parallel_loop3A_311, %parallel_loop3A_314 : vector<16xf32>
        %parallel_loop3A_316 = arith.index_cast %parallel_loop3A_168 : i32 to index
        %parallel_loop3A_317 = arith.index_cast %parallel_loop3A_186 : i32 to index
        %parallel_loop3A_318 = tpu.vector_load %arg7[%parallel_loop3A_316, %parallel_loop3A_317] {strides = array<i32>} : memref<8x512xf32, #tpu.memory_space<vmem>>, vector<1x16xf32>,
        %parallel_loop3A_319 = vector.shape_cast %parallel_loop3A_318 : vector<1x16xf32> to vector<16xf32>
        %parallel_loop3A_320 = vector.shape_cast %parallel_loop3A_315 : vector<16xf32> to vector<1x16xf32>
        tpu.vector_store %arg7[%parallel_loop3A_316, %parallel_loop3A_317], %parallel_loop3A_320 {strides = array<i32>} : memref<8x512xf32, #tpu.memory_space<vmem>>, vector<1x16xf32>,
        %parallel_loop3A_321 = arith.constant 256 : i32
        %parallel_loop3A_322 = arith.addi %parallel_loop3A_321, %parallel_loop3A_186 : i32
        %parallel_loop3A_323 = arith.index_cast %parallel_loop3A_168 : i32 to index
        %parallel_loop3A_324 = arith.index_cast %parallel_loop3A_322 : i32 to index
        %parallel_loop3A_325 = tpu.vector_load %arg7[%parallel_loop3A_323, %parallel_loop3A_324] {strides = array<i32>} : memref<8x512xf32, #tpu.memory_space<vmem>>, vector<1x16xf32>,
        %parallel_loop3A_326 = vector.shape_cast %parallel_loop3A_325 : vector<1x16xf32> to vector<16xf32>
        %parallel_loop3A_327 = vector.shape_cast %parallel_loop3A_312 : vector<16xf32> to vector<1x16xf32>
        tpu.vector_store %arg7[%parallel_loop3A_323, %parallel_loop3A_324], %parallel_loop3A_327 {strides = array<i32>} : memref<8x512xf32, #tpu.memory_space<vmem>>, vector<1x16xf32>,
      } {sc.loop_unroll_factor = 2 : i64, sc.parallel_access}
      %add3A_130 = arith.constant 3 : i32
      %add3A_131 = arith.addi %mul3A_115, %add3A_130 : i32
      %lt3A = arith.cmpi slt, %add3A_131, %select_n3A : i32
      %convert_element_type3A_132 = arith.extui %lt3A : i1 to i32
      %cond3A_133 = arith.constant 0 : i32
      %cond3A_134 = arith.cmpi ne, %convert_element_type3A_132, %cond3A_133 : i32
      scf.if %cond3A_134 {
        %add3A_144 = arith.constant 3 : i32
        %add3A_145 = arith.addi %mul3A_115, %add3A_144 : i32
        %mul3A_146 = arith.constant 32 : i32
        %mul3A_147 = arith.muli %add3A_145, %mul3A_146 : i32
        %add3A_148 = arith.addi %add3A, %mul3A_147 : i32
        %mul3A_149 = arith.constant 8 : i32
        %mul3A_150 = arith.muli %add3A_148, %mul3A_149 : i32
        %dma_start3A_151 = arith.constant 0 : i32
        %dma_start3A_152 = arith.constant 0 : i32
        %dma_start3A_153 = tpu.memref_slice %arg2[%mul3A_150, %dma_start3A_151, %dma_start3A_152] : memref<10000x16x256xf32, #tpu.memory_space<hbm>> -> memref<8x16x256xf32, #tpu.memory_space<hbm>>
        %dma_start3A_154 = arith.constant 0 : i32
        %dma_start3A_155 = arith.constant 0 : i32
        %dma_start3A_156 = tpu.memref_slice %arg2[%mul3A_150, %dma_start3A_154, %dma_start3A_155] : memref<10000x16x256xf32, #tpu.memory_space<hbm>> -> memref<8x16x256xf32, #tpu.memory_space<hbm>>
        tpu.enqueue_dma source(%dma_start3A_156 : memref<8x16x256xf32, #tpu.memory_space<hbm>>) target(%arg4 : memref<8x16x256xf32, #tpu.memory_space<vmem>>) target_semaphore(%arg10 : memref<!tpu.dma_semaphore, #tpu.memory_space<semaphore_mem>>)
      } else {
      }
      %mul3A_135 = arith.constant 32 : i32
      %mul3A_136 = arith.muli %mul3A_115, %mul3A_135 : i32
      %add3A_137 = arith.addi %add3A, %mul3A_136 : i32
      %mul3A_138 = arith.constant 8 : i32
      %mul3A_139 = arith.muli %add3A_137, %mul3A_138 : i32
      %dma_start3A_140 = arith.constant 0 : i32
      %dma_start3A_141 = tpu.memref_slice %arg3[%mul3A_139, %dma_start3A_140] : memref<10000x512xf32, #tpu.memory_space<hbm>> -> memref<8x512xf32, #tpu.memory_space<hbm>>
      %dma_start3A_142 = arith.constant 0 : i32
      %dma_start3A_143 = tpu.memref_slice %arg3[%mul3A_139, %dma_start3A_142] : memref<10000x512xf32, #tpu.memory_space<hbm>> -> memref<8x512xf32, #tpu.memory_space<hbm>>
      tpu.enqueue_dma source(%arg7 : memref<8x512xf32, #tpu.memory_space<vmem>>) target(%dma_start3A_143 : memref<8x512xf32, #tpu.memory_space<hbm>>) target_semaphore(%arg13 : memref<!tpu.dma_semaphore, #tpu.memory_space<semaphore_mem>>)
    } else {
    }
    %ge3A_92 = arith.constant 2 : i32
    %ge3A_93 = arith.cmpi sge, %sub3A_49, %ge3A_92 : i32
    %convert_element_type3A_94 = arith.extui %ge3A_93 : i1 to i32
    %cond3A_95 = arith.constant 0 : i32
    %cond3A_96 = arith.cmpi ne, %convert_element_type3A_94, %cond3A_95 : i32
    scf.if %cond3A_96 {
      %mul3A_114 = arith.constant 3 : i32
      %mul3A_115 = arith.muli %mul3A_114, %select_n3A_46 : i32
      %add3A_116 = arith.constant 1 : i32
      %add3A_117 = arith.addi %mul3A_115, %add3A_116 : i32
      %dma_wait3A_118 = arith.constant 0 : i32
      %dma_wait3A_119 = arith.constant 0 : i32
      %dma_wait3A_120 = arith.constant 0 : i32
      %dma_wait3A_121 = tpu.memref_slice %arg2[%dma_wait3A_118, %dma_wait3A_119, %dma_wait3A_120] : memref<10000x16x256xf32, #tpu.memory_space<hbm>> -> memref<8x16x256xf32, #tpu.memory_space<hbm>>
      %dma_wait3A_122 = arith.constant 0 : i32
      %dma_wait3A_123 = arith.constant 0 : i32
      %dma_wait3A_124 = arith.constant 0 : i32
      %dma_wait3A_125 = tpu.memref_slice %arg2[%dma_wait3A_122, %dma_wait3A_123, %dma_wait3A_124] : memref<10000x16x256xf32, #tpu.memory_space<hbm>> -> memref<8x16x256xf32, #tpu.memory_space<hbm>>
      tpu.wait_dma2 semaphore(%arg11 : memref<!tpu.dma_semaphore, #tpu.memory_space<semaphore_mem>>) src(%dma_wait3A_125 : memref<8x16x256xf32, #tpu.memory_space<hbm>>) dst(%arg5 : memref<8x16x256xf32, #tpu.memory_space<vmem>>)
      %gt3A = arith.constant 0 : i32
      %gt3A_126 = arith.cmpi sgt, %select_n3A_46, %gt3A : i32
      %convert_element_type3A_127 = arith.extui %gt3A_126 : i1 to i32
      %cond3A_128 = arith.constant 0 : i32
      %cond3A_129 = arith.cmpi ne, %convert_element_type3A_127, %cond3A_128 : i32
      scf.if %cond3A_129 {
        %dma_wait3A_146 = arith.constant 0 : i32
        %dma_wait3A_147 = arith.constant 0 : i32
        %dma_wait3A_148 = tpu.memref_slice %arg3[%dma_wait3A_146, %dma_wait3A_147] : memref<10000x512xf32, #tpu.memory_space<hbm>> -> memref<8x512xf32, #tpu.memory_space<hbm>>
        %dma_wait3A_149 = arith.constant 0 : i32
        %dma_wait3A_150 = arith.constant 0 : i32
        %dma_wait3A_151 = tpu.memref_slice %arg3[%dma_wait3A_149, %dma_wait3A_150] : memref<10000x512xf32, #tpu.memory_space<hbm>> -> memref<8x512xf32, #tpu.memory_space<hbm>>
        tpu.wait_dma2 semaphore(%arg14 : memref<!tpu.dma_semaphore, #tpu.memory_space<semaphore_mem>>) src(%arg8 : memref<8x512xf32, #tpu.memory_space<vmem>>) dst(%dma_wait3A_151 : memref<8x512xf32, #tpu.memory_space<hbm>>)
      } else {
      }
      %parallel_loop3A = arith.constant 0 : i32
      %parallel_loop3A_130 = arith.constant 128 : i32
      %parallel_loop3A_131 = arith.constant 1 : i32
      scf.for %parallel_loop3A_146 = %parallel_loop3A to %parallel_loop3A_130 step %parallel_loop3A_131  : i32 {
        %parallel_loop3A_147 = arith.constant 16 : i32
        %parallel_loop3A_148 = arith.divsi %parallel_loop3A_146, %parallel_loop3A_147 : i32
        %parallel_loop3A_149 = arith.constant 0 : i32
        %parallel_loop3A_150 = arith.cmpi sgt, %parallel_loop3A_146, %parallel_loop3A_149 : i32
        %parallel_loop3A_151 = arith.extui %parallel_loop3A_150 : i1 to i32
        %parallel_loop3A_152 = arith.constant 0 : i32
        %parallel_loop3A_153 = arith.cmpi slt, %parallel_loop3A_146, %parallel_loop3A_152 : i32
        %parallel_loop3A_154 = arith.extui %parallel_loop3A_153 : i1 to i32
        %parallel_loop3A_155 = arith.subi %parallel_loop3A_151, %parallel_loop3A_154 : i32
        %parallel_loop3A_156 = arith.constant 0 : i32
        %parallel_loop3A_157 = arith.cmpi sgt, %parallel_loop3A_147, %parallel_loop3A_156 : i32
        %parallel_loop3A_158 = arith.extui %parallel_loop3A_157 : i1 to i32
        %parallel_loop3A_159 = arith.constant 0 : i32
        %parallel_loop3A_160 = arith.cmpi slt, %parallel_loop3A_147, %parallel_loop3A_159 : i32
        %parallel_loop3A_161 = arith.extui %parallel_loop3A_160 : i1 to i32
        %parallel_loop3A_162 = arith.subi %parallel_loop3A_158, %parallel_loop3A_161 : i32
        %parallel_loop3A_163 = arith.cmpi ne, %parallel_loop3A_155, %parallel_loop3A_162 : i32
        %parallel_loop3A_164 = arith.remsi %parallel_loop3A_146, %parallel_loop3A_147 : i32
        %parallel_loop3A_165 = arith.constant 0 : i32
        %parallel_loop3A_166 = arith.cmpi ne, %parallel_loop3A_164, %parallel_loop3A_165 : i32
        %parallel_loop3A_167 = arith.andi %parallel_loop3A_163, %parallel_loop3A_166 : i1
        %parallel_loop3A_168 = arith.constant 1 : i32
        %parallel_loop3A_169 = arith.subi %parallel_loop3A_148, %parallel_loop3A_168 : i32
        %parallel_loop3A_170 = arith.select %parallel_loop3A_167, %parallel_loop3A_169, %parallel_loop3A_148 : i32
        %parallel_loop3A_171 = arith.constant 16 : i32
        %parallel_loop3A_172 = arith.constant 0 : i32
        %parallel_loop3A_173 = arith.cmpi eq, %parallel_loop3A_171, %parallel_loop3A_172 : i32
        %parallel_loop3A_174 = arith.constant 1 : i32
        %parallel_loop3A_175 = arith.select %parallel_loop3A_173, %parallel_loop3A_174, %parallel_loop3A_171 : i32
        %parallel_loop3A_176 = arith.remsi %parallel_loop3A_146, %parallel_loop3A_175 : i32
        %parallel_loop3A_177 = arith.constant 0 : i32
        %parallel_loop3A_178 = arith.cmpi ne, %parallel_loop3A_176, %parallel_loop3A_177 : i32
        %parallel_loop3A_179 = arith.constant 0 : i32
        %parallel_loop3A_180 = arith.cmpi slt, %parallel_loop3A_176, %parallel_loop3A_179 : i32
        %parallel_loop3A_181 = arith.constant 0 : i32
        %parallel_loop3A_182 = arith.cmpi slt, %parallel_loop3A_175, %parallel_loop3A_181 : i32
        %parallel_loop3A_183 = arith.xori %parallel_loop3A_180, %parallel_loop3A_182 : i1
        %parallel_loop3A_184 = arith.andi %parallel_loop3A_183, %parallel_loop3A_178 : i1
        %parallel_loop3A_185 = arith.addi %parallel_loop3A_176, %parallel_loop3A_175 : i32
        %parallel_loop3A_186 = arith.select %parallel_loop3A_184, %parallel_loop3A_185, %parallel_loop3A_176 : i32
        %parallel_loop3A_187 = arith.constant 16 : i32
        %parallel_loop3A_188 = arith.muli %parallel_loop3A_186, %parallel_loop3A_187 : i32
        %parallel_loop3A_189 = arith.constant 0 : i32
        %parallel_loop3A_190 = arith.index_cast %parallel_loop3A_170 : i32 to index
        %parallel_loop3A_191 = arith.index_cast %parallel_loop3A_189 : i32 to index
        %parallel_loop3A_192 = arith.index_cast %parallel_loop3A_188 : i32 to index
        %parallel_loop3A_193 = tpu.vector_load %arg5[%parallel_loop3A_190, %parallel_loop3A_191, %parallel_loop3A_192] {strides = array<i32>} : memref<8x16x256xf32, #tpu.memory_space<vmem>>, vector<1x1x16xf32>,
        %parallel_loop3A_194 = vector.shape_cast %parallel_loop3A_193 : vector<1x1x16xf32> to vector<16xf32>
        %parallel_loop3A_195 = arith.constant 1 : i32
        %parallel_loop3A_196 = arith.index_cast %parallel_loop3A_170 : i32 to index
        %parallel_loop3A_197 = arith.index_cast %parallel_loop3A_195 : i32 to index
        %parallel_loop3A_198 = arith.index_cast %parallel_loop3A_188 : i32 to index
        %parallel_loop3A_199 = tpu.vector_load %arg5[%parallel_loop3A_196, %parallel_loop3A_197, %parallel_loop3A_198] {strides = array<i32>} : memref<8x16x256xf32, #tpu.memory_space<vmem>>, vector<1x1x16xf32>,
        %parallel_loop3A_200 = vector.shape_cast %parallel_loop3A_199 : vector<1x1x16xf32> to vector<16xf32>
        %parallel_loop3A_201 = arith.constant 2 : i32
        %parallel_loop3A_202 = arith.index_cast %parallel_loop3A_170 : i32 to index
        %parallel_loop3A_203 = arith.index_cast %parallel_loop3A_201 : i32 to index
        %parallel_loop3A_204 = arith.index_cast %parallel_loop3A_188 : i32 to index
        %parallel_loop3A_205 = tpu.vector_load %arg5[%parallel_loop3A_202, %parallel_loop3A_203, %parallel_loop3A_204] {strides = array<i32>} : memref<8x16x256xf32, #tpu.memory_space<vmem>>, vector<1x1x16xf32>,
        %parallel_loop3A_206 = vector.shape_cast %parallel_loop3A_205 : vector<1x1x16xf32> to vector<16xf32>
        %parallel_loop3A_207 = arith.constant 3 : i32
        %parallel_loop3A_208 = arith.index_cast %parallel_loop3A_170 : i32 to index
        %parallel_loop3A_209 = arith.index_cast %parallel_loop3A_207 : i32 to index
        %parallel_loop3A_210 = arith.index_cast %parallel_loop3A_188 : i32 to index
        %parallel_loop3A_211 = tpu.vector_load %arg5[%parallel_loop3A_208, %parallel_loop3A_209, %parallel_loop3A_210] {strides = array<i32>} : memref<8x16x256xf32, #tpu.memory_space<vmem>>, vector<1x1x16xf32>,
        %parallel_loop3A_212 = vector.shape_cast %parallel_loop3A_211 : vector<1x1x16xf32> to vector<16xf32>
        %parallel_loop3A_213 = arith.constant 4 : i32
        %parallel_loop3A_214 = arith.index_cast %parallel_loop3A_170 : i32 to index
        %parallel_loop3A_215 = arith.index_cast %parallel_loop3A_213 : i32 to index
        %parallel_loop3A_216 = arith.index_cast %parallel_loop3A_188 : i32 to index
        %parallel_loop3A_217 = tpu.vector_load %arg5[%parallel_loop3A_214, %parallel_loop3A_215, %parallel_loop3A_216] {strides = array<i32>} : memref<8x16x256xf32, #tpu.memory_space<vmem>>, vector<1x1x16xf32>,
        %parallel_loop3A_218 = vector.shape_cast %parallel_loop3A_217 : vector<1x1x16xf32> to vector<16xf32>
        %parallel_loop3A_219 = arith.constant 5 : i32
        %parallel_loop3A_220 = arith.index_cast %parallel_loop3A_170 : i32 to index
        %parallel_loop3A_221 = arith.index_cast %parallel_loop3A_219 : i32 to index
        %parallel_loop3A_222 = arith.index_cast %parallel_loop3A_188 : i32 to index
        %parallel_loop3A_223 = tpu.vector_load %arg5[%parallel_loop3A_220, %parallel_loop3A_221, %parallel_loop3A_222] {strides = array<i32>} : memref<8x16x256xf32, #tpu.memory_space<vmem>>, vector<1x1x16xf32>,
        %parallel_loop3A_224 = vector.shape_cast %parallel_loop3A_223 : vector<1x1x16xf32> to vector<16xf32>
        %parallel_loop3A_225 = arith.constant 6 : i32
        %parallel_loop3A_226 = arith.index_cast %parallel_loop3A_170 : i32 to index
        %parallel_loop3A_227 = arith.index_cast %parallel_loop3A_225 : i32 to index
        %parallel_loop3A_228 = arith.index_cast %parallel_loop3A_188 : i32 to index
        %parallel_loop3A_229 = tpu.vector_load %arg5[%parallel_loop3A_226, %parallel_loop3A_227, %parallel_loop3A_228] {strides = array<i32>} : memref<8x16x256xf32, #tpu.memory_space<vmem>>, vector<1x1x16xf32>,
        %parallel_loop3A_230 = vector.shape_cast %parallel_loop3A_229 : vector<1x1x16xf32> to vector<16xf32>
        %parallel_loop3A_231 = arith.constant 7 : i32
        %parallel_loop3A_232 = arith.index_cast %parallel_loop3A_170 : i32 to index
        %parallel_loop3A_233 = arith.index_cast %parallel_loop3A_231 : i32 to index
        %parallel_loop3A_234 = arith.index_cast %parallel_loop3A_188 : i32 to index
        %parallel_loop3A_235 = tpu.vector_load %arg5[%parallel_loop3A_232, %parallel_loop3A_233, %parallel_loop3A_234] {strides = array<i32>} : memref<8x16x256xf32, #tpu.memory_space<vmem>>, vector<1x1x16xf32>,
        %parallel_loop3A_236 = vector.shape_cast %parallel_loop3A_235 : vector<1x1x16xf32> to vector<16xf32>
        %parallel_loop3A_237 = arith.constant 8 : i32
        %parallel_loop3A_238 = arith.index_cast %parallel_loop3A_170 : i32 to index
        %parallel_loop3A_239 = arith.index_cast %parallel_loop3A_237 : i32 to index
        %parallel_loop3A_240 = arith.index_cast %parallel_loop3A_188 : i32 to index
        %parallel_loop3A_241 = tpu.vector_load %arg5[%parallel_loop3A_238, %parallel_loop3A_239, %parallel_loop3A_240] {strides = array<i32>} : memref<8x16x256xf32, #tpu.memory_space<vmem>>, vector<1x1x16xf32>,
        %parallel_loop3A_242 = vector.shape_cast %parallel_loop3A_241 : vector<1x1x16xf32> to vector<16xf32>
        %parallel_loop3A_243 = arith.constant 9 : i32
        %parallel_loop3A_244 = arith.index_cast %parallel_loop3A_170 : i32 to index
        %parallel_loop3A_245 = arith.index_cast %parallel_loop3A_243 : i32 to index
        %parallel_loop3A_246 = arith.index_cast %parallel_loop3A_188 : i32 to index
        %parallel_loop3A_247 = tpu.vector_load %arg5[%parallel_loop3A_244, %parallel_loop3A_245, %parallel_loop3A_246] {strides = array<i32>} : memref<8x16x256xf32, #tpu.memory_space<vmem>>, vector<1x1x16xf32>,
        %parallel_loop3A_248 = vector.shape_cast %parallel_loop3A_247 : vector<1x1x16xf32> to vector<16xf32>
        %parallel_loop3A_249 = arith.constant 10 : i32
        %parallel_loop3A_250 = arith.index_cast %parallel_loop3A_170 : i32 to index
        %parallel_loop3A_251 = arith.index_cast %parallel_loop3A_249 : i32 to index
        %parallel_loop3A_252 = arith.index_cast %parallel_loop3A_188 : i32 to index
        %parallel_loop3A_253 = tpu.vector_load %arg5[%parallel_loop3A_250, %parallel_loop3A_251, %parallel_loop3A_252] {strides = array<i32>} : memref<8x16x256xf32, #tpu.memory_space<vmem>>, vector<1x1x16xf32>,
        %parallel_loop3A_254 = vector.shape_cast %parallel_loop3A_253 : vector<1x1x16xf32> to vector<16xf32>
        %parallel_loop3A_255 = arith.constant 11 : i32
        %parallel_loop3A_256 = arith.index_cast %parallel_loop3A_170 : i32 to index
        %parallel_loop3A_257 = arith.index_cast %parallel_loop3A_255 : i32 to index
        %parallel_loop3A_258 = arith.index_cast %parallel_loop3A_188 : i32 to index
        %parallel_loop3A_259 = tpu.vector_load %arg5[%parallel_loop3A_256, %parallel_loop3A_257, %parallel_loop3A_258] {strides = array<i32>} : memref<8x16x256xf32, #tpu.memory_space<vmem>>, vector<1x1x16xf32>,
        %parallel_loop3A_260 = vector.shape_cast %parallel_loop3A_259 : vector<1x1x16xf32> to vector<16xf32>
        %parallel_loop3A_261 = arith.constant 12 : i32
        %parallel_loop3A_262 = arith.index_cast %parallel_loop3A_170 : i32 to index
        %parallel_loop3A_263 = arith.index_cast %parallel_loop3A_261 : i32 to index
        %parallel_loop3A_264 = arith.index_cast %parallel_loop3A_188 : i32 to index
        %parallel_loop3A_265 = tpu.vector_load %arg5[%parallel_loop3A_262, %parallel_loop3A_263, %parallel_loop3A_264] {strides = array<i32>} : memref<8x16x256xf32, #tpu.memory_space<vmem>>, vector<1x1x16xf32>,
        %parallel_loop3A_266 = vector.shape_cast %parallel_loop3A_265 : vector<1x1x16xf32> to vector<16xf32>
        %parallel_loop3A_267 = arith.constant 13 : i32
        %parallel_loop3A_268 = arith.index_cast %parallel_loop3A_170 : i32 to index
        %parallel_loop3A_269 = arith.index_cast %parallel_loop3A_267 : i32 to index
        %parallel_loop3A_270 = arith.index_cast %parallel_loop3A_188 : i32 to index
        %parallel_loop3A_271 = tpu.vector_load %arg5[%parallel_loop3A_268, %parallel_loop3A_269, %parallel_loop3A_270] {strides = array<i32>} : memref<8x16x256xf32, #tpu.memory_space<vmem>>, vector<1x1x16xf32>,
        %parallel_loop3A_272 = vector.shape_cast %parallel_loop3A_271 : vector<1x1x16xf32> to vector<16xf32>
        %parallel_loop3A_273 = arith.constant 14 : i32
        %parallel_loop3A_274 = arith.index_cast %parallel_loop3A_170 : i32 to index
        %parallel_loop3A_275 = arith.index_cast %parallel_loop3A_273 : i32 to index
        %parallel_loop3A_276 = arith.index_cast %parallel_loop3A_188 : i32 to index
        %parallel_loop3A_277 = tpu.vector_load %arg5[%parallel_loop3A_274, %parallel_loop3A_275, %parallel_loop3A_276] {strides = array<i32>} : memref<8x16x256xf32, #tpu.memory_space<vmem>>, vector<1x1x16xf32>,
        %parallel_loop3A_278 = vector.shape_cast %parallel_loop3A_277 : vector<1x1x16xf32> to vector<16xf32>
        %parallel_loop3A_279 = arith.constant 15 : i32
        %parallel_loop3A_280 = arith.index_cast %parallel_loop3A_170 : i32 to index
        %parallel_loop3A_281 = arith.index_cast %parallel_loop3A_279 : i32 to index
        %parallel_loop3A_282 = arith.index_cast %parallel_loop3A_188 : i32 to index
        %parallel_loop3A_283 = tpu.vector_load %arg5[%parallel_loop3A_280, %parallel_loop3A_281, %parallel_loop3A_282] {strides = array<i32>} : memref<8x16x256xf32, #tpu.memory_space<vmem>>, vector<1x1x16xf32>,
        %parallel_loop3A_284 = vector.shape_cast %parallel_loop3A_283 : vector<1x1x16xf32> to vector<16xf32>
        %parallel_loop3A_285 = arith.addf %parallel_loop3A_194, %parallel_loop3A_200 : vector<16xf32>
        %parallel_loop3A_286 = arith.addf %parallel_loop3A_206, %parallel_loop3A_212 : vector<16xf32>
        %parallel_loop3A_287 = arith.addf %parallel_loop3A_218, %parallel_loop3A_224 : vector<16xf32>
        %parallel_loop3A_288 = arith.addf %parallel_loop3A_230, %parallel_loop3A_236 : vector<16xf32>
        %parallel_loop3A_289 = arith.addf %parallel_loop3A_242, %parallel_loop3A_248 : vector<16xf32>
        %parallel_loop3A_290 = arith.addf %parallel_loop3A_254, %parallel_loop3A_260 : vector<16xf32>
        %parallel_loop3A_291 = arith.addf %parallel_loop3A_266, %parallel_loop3A_272 : vector<16xf32>
        %parallel_loop3A_292 = arith.addf %parallel_loop3A_278, %parallel_loop3A_284 : vector<16xf32>
        %parallel_loop3A_293 = arith.maximumf %parallel_loop3A_194, %parallel_loop3A_200 : vector<16xf32>
        %parallel_loop3A_294 = arith.maximumf %parallel_loop3A_206, %parallel_loop3A_212 : vector<16xf32>
        %parallel_loop3A_295 = arith.maximumf %parallel_loop3A_218, %parallel_loop3A_224 : vector<16xf32>
        %parallel_loop3A_296 = arith.maximumf %parallel_loop3A_230, %parallel_loop3A_236 : vector<16xf32>
        %parallel_loop3A_297 = arith.maximumf %parallel_loop3A_242, %parallel_loop3A_248 : vector<16xf32>
        %parallel_loop3A_298 = arith.maximumf %parallel_loop3A_254, %parallel_loop3A_260 : vector<16xf32>
        %parallel_loop3A_299 = arith.maximumf %parallel_loop3A_266, %parallel_loop3A_272 : vector<16xf32>
        %parallel_loop3A_300 = arith.maximumf %parallel_loop3A_278, %parallel_loop3A_284 : vector<16xf32>
        %parallel_loop3A_301 = arith.addf %parallel_loop3A_285, %parallel_loop3A_286 : vector<16xf32>
        %parallel_loop3A_302 = arith.addf %parallel_loop3A_287, %parallel_loop3A_288 : vector<16xf32>
        %parallel_loop3A_303 = arith.addf %parallel_loop3A_289, %parallel_loop3A_290 : vector<16xf32>
        %parallel_loop3A_304 = arith.addf %parallel_loop3A_291, %parallel_loop3A_292 : vector<16xf32>
        %parallel_loop3A_305 = arith.maximumf %parallel_loop3A_293, %parallel_loop3A_294 : vector<16xf32>
        %parallel_loop3A_306 = arith.maximumf %parallel_loop3A_295, %parallel_loop3A_296 : vector<16xf32>
        %parallel_loop3A_307 = arith.maximumf %parallel_loop3A_297, %parallel_loop3A_298 : vector<16xf32>
        %parallel_loop3A_308 = arith.maximumf %parallel_loop3A_299, %parallel_loop3A_300 : vector<16xf32>
        %parallel_loop3A_309 = arith.addf %parallel_loop3A_301, %parallel_loop3A_302 : vector<16xf32>
        %parallel_loop3A_310 = arith.addf %parallel_loop3A_303, %parallel_loop3A_304 : vector<16xf32>
        %parallel_loop3A_311 = arith.maximumf %parallel_loop3A_305, %parallel_loop3A_306 : vector<16xf32>
        %parallel_loop3A_312 = arith.maximumf %parallel_loop3A_307, %parallel_loop3A_308 : vector<16xf32>
        %parallel_loop3A_313 = arith.addf %parallel_loop3A_309, %parallel_loop3A_310 : vector<16xf32>
        %parallel_loop3A_314 = arith.maximumf %parallel_loop3A_311, %parallel_loop3A_312 : vector<16xf32>
        %parallel_loop3A_315 = arith.constant 6.250000e-02 : f32
        %parallel_loop3A_316 = vector.broadcast %parallel_loop3A_315 : f32 to vector<16xf32>
        %parallel_loop3A_317 = arith.mulf %parallel_loop3A_313, %parallel_loop3A_316 : vector<16xf32>
        %parallel_loop3A_318 = arith.index_cast %parallel_loop3A_170 : i32 to index
        %parallel_loop3A_319 = arith.index_cast %parallel_loop3A_188 : i32 to index
        %parallel_loop3A_320 = tpu.vector_load %arg8[%parallel_loop3A_318, %parallel_loop3A_319] {strides = array<i32>} : memref<8x512xf32, #tpu.memory_space<vmem>>, vector<1x16xf32>,
        %parallel_loop3A_321 = vector.shape_cast %parallel_loop3A_320 : vector<1x16xf32> to vector<16xf32>
        %parallel_loop3A_322 = vector.shape_cast %parallel_loop3A_317 : vector<16xf32> to vector<1x16xf32>
        tpu.vector_store %arg8[%parallel_loop3A_318, %parallel_loop3A_319], %parallel_loop3A_322 {strides = array<i32>} : memref<8x512xf32, #tpu.memory_space<vmem>>, vector<1x16xf32>,
        %parallel_loop3A_323 = arith.constant 256 : i32
        %parallel_loop3A_324 = arith.addi %parallel_loop3A_323, %parallel_loop3A_188 : i32
        %parallel_loop3A_325 = arith.index_cast %parallel_loop3A_170 : i32 to index
        %parallel_loop3A_326 = arith.index_cast %parallel_loop3A_324 : i32 to index
        %parallel_loop3A_327 = tpu.vector_load %arg8[%parallel_loop3A_325, %parallel_loop3A_326] {strides = array<i32>} : memref<8x512xf32, #tpu.memory_space<vmem>>, vector<1x16xf32>,
        %parallel_loop3A_328 = vector.shape_cast %parallel_loop3A_327 : vector<1x16xf32> to vector<16xf32>
        %parallel_loop3A_329 = vector.shape_cast %parallel_loop3A_314 : vector<16xf32> to vector<1x16xf32>
        tpu.vector_store %arg8[%parallel_loop3A_325, %parallel_loop3A_326], %parallel_loop3A_329 {strides = array<i32>} : memref<8x512xf32, #tpu.memory_space<vmem>>, vector<1x16xf32>,
      } {sc.loop_unroll_factor = 2 : i64, sc.parallel_access}
      %add3A_132 = arith.constant 3 : i32
      %add3A_133 = arith.addi %add3A_117, %add3A_132 : i32
      %lt3A = arith.cmpi slt, %add3A_133, %select_n3A : i32
      %convert_element_type3A_134 = arith.extui %lt3A : i1 to i32
      %cond3A_135 = arith.constant 0 : i32
      %cond3A_136 = arith.cmpi ne, %convert_element_type3A_134, %cond3A_135 : i32
      scf.if %cond3A_136 {
        %add3A_146 = arith.constant 3 : i32
        %add3A_147 = arith.addi %add3A_117, %add3A_146 : i32
        %mul3A_148 = arith.constant 32 : i32
        %mul3A_149 = arith.muli %add3A_147, %mul3A_148 : i32
        %add3A_150 = arith.addi %add3A, %mul3A_149 : i32
        %mul3A_151 = arith.constant 8 : i32
        %mul3A_152 = arith.muli %add3A_150, %mul3A_151 : i32
        %dma_start3A_153 = arith.constant 0 : i32
        %dma_start3A_154 = arith.constant 0 : i32
        %dma_start3A_155 = tpu.memref_slice %arg2[%mul3A_152, %dma_start3A_153, %dma_start3A_154] : memref<10000x16x256xf32, #tpu.memory_space<hbm>> -> memref<8x16x256xf32, #tpu.memory_space<hbm>>
        %dma_start3A_156 = arith.constant 0 : i32
        %dma_start3A_157 = arith.constant 0 : i32
        %dma_start3A_158 = tpu.memref_slice %arg2[%mul3A_152, %dma_start3A_156, %dma_start3A_157] : memref<10000x16x256xf32, #tpu.memory_space<hbm>> -> memref<8x16x256xf32, #tpu.memory_space<hbm>>
        tpu.enqueue_dma source(%dma_start3A_158 : memref<8x16x256xf32, #tpu.memory_space<hbm>>) target(%arg5 : memref<8x16x256xf32, #tpu.memory_space<vmem>>) target_semaphore(%arg11 : memref<!tpu.dma_semaphore, #tpu.memory_space<semaphore_mem>>)
      } else {
      }
      %mul3A_137 = arith.constant 32 : i32
      %mul3A_138 = arith.muli %add3A_117, %mul3A_137 : i32
      %add3A_139 = arith.addi %add3A, %mul3A_138 : i32
      %mul3A_140 = arith.constant 8 : i32
      %mul3A_141 = arith.muli %add3A_139, %mul3A_140 : i32
      %dma_start3A_142 = arith.constant 0 : i32
      %dma_start3A_143 = tpu.memref_slice %arg3[%mul3A_141, %dma_start3A_142] : memref<10000x512xf32, #tpu.memory_space<hbm>> -> memref<8x512xf32, #tpu.memory_space<hbm>>
      %dma_start3A_144 = arith.constant 0 : i32
      %dma_start3A_145 = tpu.memref_slice %arg3[%mul3A_141, %dma_start3A_144] : memref<10000x512xf32, #tpu.memory_space<hbm>> -> memref<8x512xf32, #tpu.memory_space<hbm>>
      tpu.enqueue_dma source(%arg8 : memref<8x512xf32, #tpu.memory_space<vmem>>) target(%dma_start3A_145 : memref<8x512xf32, #tpu.memory_space<hbm>>) target_semaphore(%arg14 : memref<!tpu.dma_semaphore, #tpu.memory_space<semaphore_mem>>)
    } else {
    }
    %dma_wait3A = arith.constant 0 : i32
    %dma_wait3A_97 = arith.constant 0 : i32
    %dma_wait3A_98 = tpu.memref_slice %arg3[%dma_wait3A, %dma_wait3A_97] : memref<10000x512xf32, #tpu.memory_space<hbm>> -> memref<8x512xf32, #tpu.memory_space<hbm>>
    %dma_wait3A_99 = arith.constant 0 : i32
    %dma_wait3A_100 = arith.constant 0 : i32
    %dma_wait3A_101 = tpu.memref_slice %arg3[%dma_wait3A_99, %dma_wait3A_100] : memref<10000x512xf32, #tpu.memory_space<hbm>> -> memref<8x512xf32, #tpu.memory_space<hbm>>
    tpu.wait_dma2 semaphore(%arg13 : memref<!tpu.dma_semaphore, #tpu.memory_space<semaphore_mem>>) src(%arg7 : memref<8x512xf32, #tpu.memory_space<vmem>>) dst(%dma_wait3A_101 : memref<8x512xf32, #tpu.memory_space<hbm>>)
    %dma_wait3A_102 = arith.constant 0 : i32
    %dma_wait3A_103 = arith.constant 0 : i32
    %dma_wait3A_104 = tpu.memref_slice %arg3[%dma_wait3A_102, %dma_wait3A_103] : memref<10000x512xf32, #tpu.memory_space<hbm>> -> memref<8x512xf32, #tpu.memory_space<hbm>>
    %dma_wait3A_105 = arith.constant 0 : i32
    %dma_wait3A_106 = arith.constant 0 : i32
    %dma_wait3A_107 = tpu.memref_slice %arg3[%dma_wait3A_105, %dma_wait3A_106] : memref<10000x512xf32, #tpu.memory_space<hbm>> -> memref<8x512xf32, #tpu.memory_space<hbm>>
    tpu.wait_dma2 semaphore(%arg14 : memref<!tpu.dma_semaphore, #tpu.memory_space<semaphore_mem>>) src(%arg8 : memref<8x512xf32, #tpu.memory_space<vmem>>) dst(%dma_wait3A_107 : memref<8x512xf32, #tpu.memory_space<hbm>>)
    %dma_wait3A_108 = arith.constant 0 : i32
    %dma_wait3A_109 = arith.constant 0 : i32
    %dma_wait3A_110 = tpu.memref_slice %arg3[%dma_wait3A_108, %dma_wait3A_109] : memref<10000x512xf32, #tpu.memory_space<hbm>> -> memref<8x512xf32, #tpu.memory_space<hbm>>
    %dma_wait3A_111 = arith.constant 0 : i32
    %dma_wait3A_112 = arith.constant 0 : i32
    %dma_wait3A_113 = tpu.memref_slice %arg3[%dma_wait3A_111, %dma_wait3A_112] : memref<10000x512xf32, #tpu.memory_space<hbm>> -> memref<8x512xf32, #tpu.memory_space<hbm>>
    tpu.wait_dma2 semaphore(%arg15 : memref<!tpu.dma_semaphore, #tpu.memory_space<semaphore_mem>>) src(%arg9 : memref<8x512xf32, #tpu.memory_space<vmem>>) dst(%dma_wait3A_113 : memref<8x512xf32, #tpu.memory_space<hbm>>)
    return
  }
}

</mosaic_0001>

<sc_bundles>
// kernel: kernel.3.cloned.1.call-start
scs
__scs_entry_jumppad:
0x0: {  	(pc) =	sbr.rel $0x88, $3  }
0x1: {  	(tag) =	ssettag $0x0;
	lr =	simm.s32 $0x1  }
0x2: {  	[smem:$0x3FA0] =	sst lr;
	_ =	strace $0xD0000000  }
0x3: {  	_ = 	snop  }
0x4: {  	_ = 	snop  }
0x5: {  	_ = 	snop  }
0x6: {  	_ = 	snop  }
0x7: {  	_ = 	snop  }
__scs_overlays_trampoline_lowered:
0x8: {  	[smem:$0x3FAF] =	sst s0  }
0x9: {  	[smem:$0x3FB0] =	sst s1  }
0xa: {  	[smem:$0x3FB1] =	sst s2  }
0xb: {  	[smem:$0x3FB2] =	sst s3  }
0xc: {  	[smem:$0x3FB3] =	sst s4  }
0xd: {  	[smem:$0x3FB4] =	sst s5  }
0xe: {  	[smem:$0x3FB5] =	sst s6  }
0xf: {  	[smem:$0x3FB6] =	sst s7  }
0x10: {  	[smem:$0x3FB7] =	sst s8  }
0x11: {  	[smem:$0x3FB8] =	sst s9;
	s0 =	simm.s32 @!p0 $0x0  }
0x12: {  	s1 =	sld [smem:$0x3F9E];
	s0 =	simm.s32 @p0 $0x1  }
0x13: {  	[smem:$0x3FB9] =	sst s0;
	s0 =	simm.s32 @!p1 $0x0  }
0x14: {  	s2 =	sld [smem:$0x3F9D];
	s0 =	simm.s32 @p1 $0x1  }
0x15: {  	[smem:$0x3FBA] =	sst s0;
	s0 =	simm.s32 @!p2 $0x0  }
0x16: {  	s3 =	sld [smem:$0x3FDB];
	s0 =	simm.s32 @p2 $0x1  }
0x17: {  	s4 =	simm.s32 $0x1BF5;
	[smem:$0x3FBC] =	sst s0  }
0x18: {  	s0 =	sld [smem:$0x3F9F];
	_ =	swait.ge [sflag:s4], $0x0  }
0x19: {  	s7 =	sld [smem:$0x3FA0]  }
0x1a: {  	s8 =	sadd.s32 $0xFFFFE003, lr  }
0x1b: {  	s9 =	sadd.s32 $0xFFFFFEF7, lr;
	s5 =	simm.s32 $0xFFFFFFFF;
	p2 =	slt.u32 s8, $0xFFFFF086  }
0x1c: {  	p1 =	slt.u32 s9, $0xF7A;
	s5 =	simm.s32 @!p2 $0x0  }
0x1d: {  	s5 =	simm.s32 @p1 $0x1;
	p0 =	seq.s32 s7, s2  }
0x1e: {  	s7 =	smul.u32 @!p0 $0xF7A, s2;
	p2 =	seq.s32 @!p0 s5, $0x0  }
0x1f: {  	s9 =	smul.u32 $0xF7A, s1;
	s8 =	simm.s32 @!p0 $0x1BF5;
	p2 =	por !p2, p0  }
0x20: {  	[sflag:s8] =	ssyncset.s32 @!p0 $0xFFFFF086;
	s6 =	sadd.s32 @!p0 s3, s7;
	s7 =	simm.s32 @!p0 $0x108  }
0x21: {  	s3 =	sadd.s32 s3, s9;
	s6 =	sadd.s32 @!p0 $0x88, s6;
	s7 =	simm.s32 @p2 $0x1082  }
0x22: {  	[simem:s7], [sflag:s8] =	dma.local @!p0 [hbm:s6], $0xF7A  }
0x23: {  	s9 =	sor.u32 $0xD0000000, s2;
	s6 =	simm.s32 $0x108;
	_ =	swait.ge @!p0 [sflag:s8], $0x0  }
0x24: {  	s3 =	sadd.s32 $0x88, s3;
	s6 =	simm.s32 @!p1 $0x1082;
	[sflag:s4] =	ssyncset.s32 $0xFFFFF086  }
0x25: {  	[simem:s6], [sflag:s4] =	dma.local [hbm:s3], $0xF7A  }
0x26: {  	[smem:$0x3FA0] =	sst s1;
	(tag) =	ssettag s2;
	_ =	strace s9  }
0x27: {  	s1 =	sld [smem:$0x3FB0]  }
0x28: {  	s2 =	sld [smem:$0x3FB1]  }
0x29: {  	s4 =	sld [smem:$0x3FB3]  }
0x2a: {  	p0 =	seq.s32 s5, $0x0;
	s5 =	sld [smem:$0x3FB4]  }
0x2b: {  	s6 =	sld [smem:$0x3FB5]  }
0x2c: {  	s7 =	sld [smem:$0x3FB6]  }
0x2d: {  	s3 =	simm.s32 $0x108;
	s8 =	sld [smem:$0x3FB7]  }
0x2e: {  	s3 =	simm.s32 @!p0 $0x1082;
	s9 =	sld [smem:$0x3FB8]  }
0x2f: {  	lr =	sadd.s32 s0, s3;
	s0 =	sld [smem:$0x3FAF]  }
0x30: {  	s3 =	sld [smem:$0x3FB2]  }
0x31: {  	[smem:$0x3FBB] =	sst s10  }
0x32: {  	s10 =	sld [smem:$0x3FB9];
	_ =	sdelay $0x3  }
0x33: {  	p0 =	seq.s32 s10, $0x1;
	s10 =	sld [smem:$0x3FBB];
	_ =	sdelay $0x3  }
0x34: {  	[smem:$0x3FBB] =	sst s10  }
0x35: {  	s10 =	sld [smem:$0x3FBA];
	_ =	sdelay $0x3  }
0x36: {  	p1 =	seq.s32 s10, $0x1;
	s10 =	sld [smem:$0x3FBB];
	_ =	sdelay $0x3  }
0x37: {  	[smem:$0x3FBB] =	sst s10  }
0x38: {  	s10 =	sld [smem:$0x3FBC]  }
0x39: {  	_ = 	snop;
	(pc) =	sbr.ind lr, $3  }
0x3a: {  	_ = 	snop  }
0x3b: {  	_ = 	snop  }
0x3c: {  	p2 =	seq.s32 s10, $0x1;
	s10 =	sld [smem:$0x3FBB]  }
0x3d: {  	_ =	shalt  }
0x3e: {  	_ =	shalt  }
0x3f: {  	_ =	shalt  }
0x40: {  	_ =	shalt  }
0x41: {  	_ =	shalt  }
0x42: {  	_ =	shalt  }
0x43: {  	_ =	shalt  }
0x44: {  	_ =	shalt  }
0x45: {  	_ =	shalt  }
0x46: {  	_ =	shalt  }
0x47: {  	_ =	shalt  }
0x48: {  	_ =	shalt  }
0x49: {  	_ =	shalt  }
0x4a: {  	_ =	shalt  }
0x4b: {  	_ =	shalt  }
0x4c: {  	_ =	shalt  }
0x4d: {  	_ =	shalt  }
0x4e: {  	_ =	shalt  }
0x4f: {  	_ =	shalt  }
0x50: {  	_ =	shalt  }
0x51: {  	_ =	shalt  }
0x52: {  	_ =	shalt  }
0x53: {  	_ =	shalt  }
0x54: {  	_ =	shalt  }
0x55: {  	_ =	shalt  }
0x56: {  	_ =	shalt  }
0x57: {  	_ =	shalt  }
0x58: {  	_ =	shalt  }
0x59: {  	_ =	shalt  }
0x5a: {  	_ =	shalt  }
0x5b: {  	_ =	shalt  }
0x5c: {  	_ =	shalt  }
0x5d: {  	_ =	shalt  }
0x5e: {  	_ =	shalt  }
0x5f: {  	_ =	shalt  }
0x60: {  	_ =	shalt  }
0x61: {  	_ =	shalt  }
0x62: {  	_ =	shalt  }
0x63: {  	_ =	shalt  }
0x64: {  	_ =	shalt  }
0x65: {  	_ =	shalt  }
0x66: {  	_ =	shalt  }
0x67: {  	_ =	shalt  }
0x68: {  	_ =	shalt  }
0x69: {  	_ =	shalt  }
0x6a: {  	_ =	shalt  }
0x6b: {  	_ =	shalt  }
0x6c: {  	_ =	shalt  }
0x6d: {  	_ =	shalt  }
0x6e: {  	_ =	shalt  }
0x6f: {  	_ =	shalt  }
0x70: {  	_ =	shalt  }
0x71: {  	_ =	shalt  }
0x72: {  	_ =	shalt  }
0x73: {  	_ =	shalt  }
0x74: {  	_ =	shalt  }
0x75: {  	_ =	shalt  }
0x76: {  	_ =	shalt  }
0x77: {  	_ =	shalt  }
0x78: {  	_ =	shalt  }
0x79: {  	_ =	shalt  }
0x7a: {  	_ =	shalt  }
0x7b: {  	_ =	shalt  }
0x7c: {  	_ =	shalt  }
0x7d: {  	_ =	shalt  }
0x7e: {  	_ =	shalt  }
0x7f: {  	_ =	shalt  }
0x80: {  	_ =	shalt  }
0x81: {  	_ =	shalt  }
0x82: {  	_ =	shalt  }
0x83: {  	_ =	shalt  }
0x84: {  	_ =	shalt  }
0x85: {  	_ =	shalt  }
0x86: {  	_ =	shalt  }
0x87: {  	_ =	shalt  }
.Lfunc_end0:
.L_simem_size_0:
called_computation_lowered:
.L_overlay_start_0:
0x88: {  	s2 =	sld [smem:$0x3FD9]  }
0x89: {  	s3 =	sld [smem:$0x3FFE];
	_ =	sdelay $0x1  }
0x8a: {  	s1 =	srdreg.scid  }
0x8b: {  	s0 =	sand.u32 $0x1, s1  }
0x8c: {  	s18 =	sshll.u32 s0, $0xA;
	s2 =	sadd.s32 s3, s2  }
0x8d: {  	s2 =	sadd.s32 s2, s18  }
0x8e: {  	[smem:$0x3FC7] =	sst s2  }
0x8f: {  	_ = 	snop  }
0x90: {  	s2 =	sld [smem:$0x3FC9]  }
0x91: {  	s19 =	sld [smem:$0x3FD0];
	(tm) =	ssettm $0x1  }
0x92: {  	s4 =	sld [smem:$0x3FFB];
	_ =	sdelay $0x3  }
0x93: {  	_ =	strace s4  }
0x94: {  	s4 =	sld [smem:$0x3FFC];
	_ =	sdelay $0x3  }
0x95: {  	_ =	strace s4  }
0x96: {  	s4 =	sld [smem:$0x3FFD];
	_ =	sdelay $0x3  }
0x97: {  	_ =	strace s4  }
0x98: {  	_ =	strace $0x8FFFFFFF  }
0x99: {  	s20 =	sld [smem:$0x3FDB];
	_ =	sdelay $0x1  }
0x9a: {  	s5 =	simm.s32 $_scs_section_size  }
0x9b: {  	s6 =	simm.s32 $_size__tile_overlayer_lowered;
	s7 =	simm.s32 $_tile_overlayer_lowered  }
0x9c: {  	s23 =	simm.s32 $0x1BFF;
	s22 =	sshll.u32 s7, $0x1;
	s4 =	sadd.s32 s5, s20  }
0x9d: {  	s8 =	simm.s32 $0x0;
	s21 =	sshll.u32 s6, $0x1;
	s6 =	sadd.s32 s22, s4  }
0x9e: {  	[timem:s8], [sflag:s23] =	dma.local [hbm:s6], s21  }
0x9f: {  	_ =	swait.ge [sflag:s23], s21  }
0xa0: {  	s5 =	ssub.s32 $0x0, s21;
	[sflag:s23] =	ssyncset.done $0x0  }
0xa1: {  	[sflag:s23] =	ssyncadd.s32 s5;
	_ =	sdelay $0x1  }
0xa2: {  	s24 =	simm.s32 $0x1B8B  }
0xa3: {  	_ =	swait.ge [sflag:s24], $0x1  }
0xa4: {  	[sflag:s24] =	ssyncset.done $0x0  }
0xa5: {  	s25 =	simm.s32 $0x1B8E;
	[sflag:s24] =	ssyncadd.s32 $0xFFFFFFFF  }
0xa6: {  	s26 =	simm.s32 $execute0_lowered;
	[smem:$0x3FD2] =	sst s25  }
0xa7: {  	s5 =	sshll.u32 s26, $0x1;
	_ =	strace $0x80000046;
	[dreg:$0x1] =	wrdreg $0xFFFFFFFF  }
0xa8: {  	s28 =	simm.s32 $_size_execute0_lowered;
	s4 =	sadd.s32 s4, s5;
	[dreg:$0x0] =	wrdreg $0x0  }
0xa9: {  	s5 =	sshll.u32 s28, $0x1;
	[dreg:$0x2] =	wrdreg s4  }
0xaa: {  	[dreg:$0x3] =	wrdreg s5  }
0xab: {  	[dreg:$0x4] =	wrdreg $0xC0  }
0xac: {  	_ =	task [dreg:s8], $0x5FFFF  }
0xad: {  	[dreg:$0x1] =	wrdreg $0xFFFFFFFF  }
0xae: {  	[dreg:$0x0] =	wrdreg $0x60  }
0xaf: {  	[dreg:$0x2] =	wrdreg s2  }
0xb0: {  	[dreg:$0x3] =	wrdreg s19  }
0xb1: {  	[dreg:$0x4] =	wrdreg $0x9  }
0xb2: {  	_ =	task.clear_ibuf [dreg:s8], $0x5FFFF;
	_ =	strace $0x90000046  }
0xb3: {  	s29 =	simm.s32 $0x9;
	_ =	strace $0x80000048  }
0xb4: {  	_ =	swait.ge [sflag:s29], $0x1  }
0xb5: {  	[sflag:s29] =	ssyncadd.s32 $0xFFFFFFFF  }
0xb6: {  	_ =	strace $0x90000048  }
0xb7: {  	_ =	sfence  }
0xb8: {  	s30 =	sld [smem:$0x0];
	_ =	sdelay $0x2  }
0xb9: {  	s31 =	sshll.u32 s1, $0xD;
	s1 =	sshrl.u32 s1, $0x2  }
0xba: {  	s3 =	sand.u32 $0x4000, s31;
	s1 =	sadd.s32 s1, s30  }
0xbb: {  	s0 =	sor.u32 s3, s0;
	s1 =	sshll.u32 s1, $0x11  }
0xbc: {  	s0 =	sor.u32 s1, s0  }
0xbd: {  	s0 =	sadd.s32 $0x8F2B, s0  }
0xbe: {  	[sflag:s0] =	ssyncadd.remote.s32 $0x1  }
0xbf: {  	_ =	sfence.sel $0xFFFF  }
0xc0: {  	[dreg:$0x0] =	wrdreg $0xFFFFFFFF;
	(pc) =	sbr.abs _section_cstart, $3  }
0xc1: {  	[dreg:$0x1] =	wrdreg $0xFFFFFFFF  }
0xc2: {  	_ =	task.clear_ibuf [dreg:s8], $0x2FFFF;
	_ =	strace $0x9FFFFFFF  }
0xc3: {  	(tm) =	ssettm $0x7FFFFFFF  }
tec
execute0_lowered:
.L_overlay_start_1:
0x0: {  	(tag) =	ssettag $0x1  }
0x1: {  	s0 =	rddreg [dreg:$0x0]  }
0x2: {  	s1 =	rddreg [dreg:$0x1];
	s2 =	simm.s32 $0x0;
	s3 =	srdreg.scid  }
0x3: {  	s6 =	stileid.u32;
	s14 =	simm.s32 $0x1;
	s15 =	simm.s32 $0x18000  }
0x4: {  	s16 =	simm.s32 $0x2;
	s18 =	simm.s32 $0x3;
	s19 =	simm.s32 $0x1A000  }
0x5: {  	[smem:$0x7FF] =	sst s2;
	s8 =	sand.u32 $0x1, s3;
	s28 =	sshll.u32 s6, $0x1  }
0x6: {  	p0 =	sne.s32 s6, $0x0;
	s4 =	ssub.s32 $0x2, s8;
	s3 =	sor.u32 s8, s28  }
0x7: {  	_ =	strace $0x80000047;
	s5 =	sshrl.u32 s4, $0x1;
	s9 =	sshll.u32 s3, $0xC  }
0x8: {  	s30 =	sshll.u32 s8, $0x9;
	s10 =	ssub.s32 s4, s5;
	s5 =	sadd.s32 s0, s9  }
.Ltmp0:
0x9: {  	s7 =	ssub.s32 $0x501, s3;
	s0 =	sadd.s32 $0x20000, s5;
	(pc) =	sbr.rel .LBB2_1-.Ltmp0, $4  }
0xa: {  	s8 =	sor.u32 $0x20, s3;
	s29 =	sadd.s32 $0x40000, s5;
	[dreg:$0x3] =	wrdreg s0  }
0xb: {  	s31 =	smax.u32 s10, $0x1;
	[dreg:$0x4] =	wrdreg s29;
	s0 =	sadd.s32 s30, s1  }
0xc: {  	s4 =	sshrl.u32 s7, $0x5;
	[dreg:$0x6] =	wrdreg s31;
	s0 =	sadd.s32 $0x9C000, s0  }
0xd: {  	s9 =	sor.u32 $0x40, s3;
	s7 =	simm.s32 $0x0;
	[dreg:$0x5] =	wrdreg s0  }
.LBB2_13:
0xe: {  	s0 =	simm.s32 $0x4  }
0xf: {  	_ =	swait.ge [sflag:s0], $0x1000  }
0x10: {  	[sflag:s0] =	ssyncset.done $0x0  }
0x11: {  	s30 =	simm.s32 $0x5;
	[sflag:s0] =	ssyncadd.s32 $0xFFFFF000  }
0x12: {  	_ =	swait.ge [sflag:s30], $0x1000  }
0x13: {  	[sflag:s30] =	ssyncset.done $0x0  }
0x14: {  	s6 =	simm.s32 $0x6;
	[sflag:s30] =	ssyncadd.s32 $0xFFFFF000  }
0x15: {  	_ =	swait.ge [sflag:s6], $0x1000  }
0x16: {  	s7 =	sadd.s32 $0x1, s7;
	s31 =	rddreg [dreg:$0x6]  }
0x17: {  	p1 =	sne.s32 s7, s31  }
.Ltmp1:
0x18: {  	_ = 	snop;
	(pc) =	sbr.rel @!p1 .LBB2_14-.Ltmp1, $3  }
0x19: {  	_ =	sdelay $0x1  }
0x1a: {  	[sflag:s6] =	ssyncset.done $0x0  }
0x1b: {  	[sflag:s6] =	ssyncadd.s32 $0xFFFFF000  }
.LBB2_1:
0x1c: {  	[dreg:$0x7] =	wrdreg s7  }
0x1d: {  	[tilespmem:s2], [sflag:$0x1] =	stream.linear.gather [hbm4b:s5+s2], $0x8000, $0x38;
	[tilespmem:$0x1B000] =	vst v63  }
0x1e: {  	s0 =	rddreg [dreg:$0x3];
	s6 =	simm.s32 $0x8000  }
0x1f: {  	[tilespmem:s6], [sflag:$0x2] =	stream.linear.gather [hbm4b:s0+s2], $0x8000, $0x38;
	[tilespmem:$0x1B000] =	vst v63  }
0x20: {  	s30 =	rddreg [dreg:$0x4];
	s31 =	simm.s32 $0x10000;
	s24 =	simm.s32 $0x0  }
0x21: {  	[tilespmem:s31], [sflag:$0x3] =	stream.linear.gather [hbm4b:s30+s2], $0x8000, $0x38;
	[tilespmem:$0x1B000] =	vst v63  }
.LBB2_2:
0x22: {  	_ =	swait.ge [sflag:s14], $0x8000;
	p1 =	seq.s32 s24, $0x0  }
0x23: {  	s6 =	simm.s32 $0x0;
	s10 =	simm.s32 $0x0;
	[sflag:s14] =	ssyncset.done $0x0  }
0x24: {  	s0 =	simm.s32 @!p1 $0x4;
	s26 =	sand.u32 $0x60, s6;
	[sflag:s14] =	ssyncadd.s32 $0xFFFF8000  }
0x25: {  	s28 =	sand.u32 $0x400, s6;
	s22 =	sand.u32 $0x3FFFF000, s10;
	_ =	swait.ge @!p1 [sflag:s0], $0x1000  }
0x26: {  	s6 =	sor.u32 s28, s22;
	s29 =	sor.u32 $0x10, s26;
	[sflag:s0] =	ssyncset.done @!p1 $0x0  }
0x27: {  	s23 =	sor.u32 s29, s6;
	[sflag:s0] =	ssyncadd.s32 @!p1 $0xFFFFF000  }
0x28: {  	v1 =	vld [tilespmem:s23+$0x0]  }
0x29: {  	v2 =	vld [tilespmem:s23+$0x80]  }
0x2a: {  	v3 =	vld [tilespmem:s23+$0x100]  }
0x2b: {  	v4 =	vld [tilespmem:s23+$0x180]  }
0x2c: {  	v5 =	vld [tilespmem:s23+$0x200]  }
0x2d: {  	v6 =	vld [tilespmem:s23+$0x280]  }
0x2e: {  	v7 =	vld [tilespmem:s23+$0x300]  }
0x2f: {  	v8 =	vld [tilespmem:s23+$0x380]  }
0x30: {  	v9 =	vld [tilespmem:s23+$0x880]  }
0x31: {  	v10 =	vld [tilespmem:s23+$0x900]  }
0x32: {  	v11 =	vld [tilespmem:s23+$0x980]  }
0x33: {  	v12 =	vld [tilespmem:s23+$0xA00]  }
0x34: {  	v13 =	vld [tilespmem:s23+$0xA80]  }
0x35: {  	s25 =	sor.u32 $0x800, s6;
	v14 =	vld [tilespmem:s23+$0xB00]  }
0x36: {  	s12 =	sor.u32 s29, s25;
	v15 =	vld [tilespmem:s23+$0xB80]  }
0x37: {  	s30 =	sor.u32 s26, s6;
	v17 =	vld [tilespmem:s12+$0x0]  }
0x38: {  	v60 =	vld [tilespmem:s30+$0x100]  }
0x39: {  	v61 =	vld [tilespmem:s30+$0x180];
	v0 =	vmax.f32 v1, v2;
	v16 =	vmax.f32 v3, v4;
	v18 =	vmax.f32 v5, v6  }
0x3a: {  	v19 =	vmax.f32 v7, v8;
	v1 =	vadd.f32 v2, v1;
	v2 =	vadd.f32 v4, v3  }
0x3b: {  	v58 =	vld [tilespmem:s30+$0x0];
	v5 =	vadd.f32 v6, v5;
	v6 =	vadd.f32 v8, v7;
	v8 =	vmax.f32 v10, v11  }
0x3c: {  	v59 =	vld [tilespmem:s30+$0x80];
	v10 =	vadd.f32 v11, v10;
	v11 =	vadd.f32 v13, v12;
	v12 =	vmax.f32 v12, v13  }
0x3d: {  	v20 =	vadd.f32 v9, v17;
	v21 =	vadd.f32 v15, v14;
	v14 =	vmax.f32 v14, v15  }
0x3e: {  	v4 =	vld [tilespmem:s30+$0x200];
	v63 =	vmax.f32 v60, v61;
	v16 =	vmax.f32 v0, v16;
	v18 =	vmax.f32 v18, v19  }
0x3f: {  	s31 =	sor.u32 s26, s25;
	v7 =	vld [tilespmem:s30+$0x280];
	v3 =	vmax.f32 v16, v18;
	v1 =	vadd.f32 v2, v1;
	v2 =	vadd.f32 v6, v5  }
0x40: {  	v0 =	vld [tilespmem:s31+$0x0];
	v5 =	vmax.f32 v17, v9;
	v10 =	vadd.f32 v10, v20;
	v11 =	vadd.f32 v21, v11  }
0x41: {  	v9 =	vadd.f32 v59, v58;
	v6 =	vmax.f32 v5, v8;
	v8 =	vmax.f32 v12, v14;
	v5 =	vld [tilespmem:s30+$0x300]  }
0x42: {  	v8 =	vmax.f32 v6, v8;
	v6 =	vld [tilespmem:s30+$0x380];
	v62 =	vadd.f32 v2, v1;
	v10 =	vadd.f32 v11, v10  }
0x43: {  	s10 =	simm.s32 $0x20;
	s6 =	simm.s32 $0x0;
	v2 =	vmax.f32 v58, v59;
	v11 =	vadd.f32 v61, v60;
	v1 =	vmax.f32 v3, v8;
	v8 =	vld [tilespmem:s30+$0x880]  }
0x44: {  	s25 =	smul.u32 $0x3, s24;
	s0 =	simm.s32 $0x0;
	s12 =	simm.s32 $0x100;
	v3 =	vld [tilespmem:s30+$0x900];
	v2 =	vmax.f32 v2, v63;
	v10 =	vadd.f32 v10, v62  }
.LBB2_3:
0x45: {  	s0 =	sadd.s32 $0x2, s0;
	v12 =	vld [tilespmem:s30+$0x980];
	v13 =	vadd.f32 v7, v4;
	v4 =	vmax.f32 v4, v7;
	v7 =	vadd.f32 v11, v9;
	s31 =	sand.u32 $0xFFFFFF80, s6;
	s7 =	sor.u32 $0x18000, s28  }
0x46: {  	s11 =	sand.u32 $0x60, s10;
	s6 =	sshll.u32 s0, $0x8;
	v9 =	vld [tilespmem:s30+$0xA00];
	s21 =	sadd.s32 s31, s7;
	v10 =	vmul.f32 $6.250000000e-02, v10  }
0x47: {  	s28 =	sand.u32 $0x400, s12;
	s6 =	sand.u32 $0x3FFFF000, s6;
	v11 =	vld [tilespmem:s30+$0xA80];
	v14 =	vadd.f32 v6, v5;
	v5 =	vmax.f32 v5, v6;
	s22 =	sor.u32 s29, s21  }
0x48: {  	s20 =	sor.u32 $0x10, s11;
	s23 =	sor.u32 s26, s7;
	s13 =	sor.u32 s28, s6;
	v6 =	vld [tilespmem:s30+$0xB00];
	v15 =	vadd.f32 v8, v0;
	v0 =	vmax.f32 v0, v8;
	v4 =	vmax.f32 v4, v5;
	[tilespmem:s22+$0x0] =	vst v10  }
0x49: {  	s7 =	sor.u32 s29, s7;
	s6 =	sor.u32 s20, s13;
	v5 =	vld [tilespmem:s30+$0xB80];
	s30 =	sor.u32 s11, s13;
	v8 =	vadd.f32 v14, v13;
	v2 =	vmax.f32 v2, v4  }
0x4a: {  	s21 =	sor.u32 s26, s21;
	s7 =	sadd.s32 s31, s7;
	s22 =	sadd.s32 s31, s23;
	v4 =	vld [tilespmem:s6+$0x0];
	v10 =	vadd.f32 v12, v3;
	v3 =	vmax.f32 v3, v12  }
0x4b: {  	p2 =	slt.u32 s0, $0x7E;
	s26 =	smov.u32 s11;
	s29 =	smov.u32 s20;
	v12 =	vld [tilespmem:s6+$0x80];
	v0 =	vmax.f32 v0, v3;
	v3 =	vadd.f32 v8, v7;
	[tilespmem:s7+$0x800] =	vst v1  }
0x4c: {  	v1 =	vld [tilespmem:s6+$0x100];
	v7 =	vadd.f32 v11, v9;
	v8 =	vmax.f32 v9, v11;
	v9 =	vadd.f32 v10, v15  }
0x4d: {  	v10 =	vld [tilespmem:s6+$0x180]  }
0x4e: {  	v11 =	vld [tilespmem:s6+$0x200];
	v13 =	vadd.f32 v5, v6;
	v5 =	vmax.f32 v6, v5  }
0x4f: {  	v6 =	vld [tilespmem:s6+$0x280];
	v5 =	vmax.f32 v8, v5  }
0x50: {  	v8 =	vld [tilespmem:s6+$0x300];
	v14 =	vmax.f32 v4, v12;
	v7 =	vadd.f32 v13, v7;
	v0 =	vmax.f32 v0, v5  }
0x51: {  	v5 =	vld [tilespmem:s6+$0x380];
	v0 =	vmax.f32 v2, v0  }
0x52: {  	v2 =	vld [tilespmem:s6+$0x880];
	v13 =	vmax.f32 v1, v10;
	v7 =	vadd.f32 v7, v9;
	[tilespmem:s22+$0x800] =	vst v0  }
0x53: {  	v9 =	vld [tilespmem:s6+$0x900];
	v0 =	vmax.f32 v14, v13  }
0x54: {  	v13 =	vld [tilespmem:s6+$0x980];
	v14 =	vmax.f32 v11, v6;
	v3 =	vadd.f32 v7, v3  }
0x55: {  	v7 =	vld [tilespmem:s6+$0xA00]  }
0x56: {  	v15 =	vld [tilespmem:s6+$0xA80];
	v16 =	vmax.f32 v8, v5;
	v3 =	vmul.f32 $6.250000000e-02, v3  }
0x57: {  	s7 =	sor.u32 $0x800, s13;
	v17 =	vld [tilespmem:s6+$0xB00];
	v14 =	vmax.f32 v14, v16  }
0x58: {  	s11 =	sor.u32 s26, s7;
	s7 =	sor.u32 s29, s7;
	v16 =	vld [tilespmem:s6+$0xB80];
	v14 =	vmax.f32 v0, v14;
	[tilespmem:s21+$0x0] =	vst v3  }
0x59: {  	v3 =	vld [tilespmem:s7+$0x0];
	v18 =	vmax.f32 v9, v13  }
0x5a: {  	v0 =	vld [tilespmem:s11+$0x0]  }
0x5b: {  	v12 =	vadd.f32 v12, v4;
	v1 =	vadd.f32 v10, v1;
	v19 =	vld [tilespmem:s30+$0x0];
	v10 =	vmax.f32 v7, v15  }
0x5c: {  	v6 =	vadd.f32 v6, v11;
	v5 =	vadd.f32 v5, v8;
	v20 =	vld [tilespmem:s30+$0x80]  }
0x5d: {  	v8 =	vadd.f32 v13, v9;
	v9 =	vadd.f32 v15, v7;
	v21 =	vld [tilespmem:s30+$0x100];
	v11 =	vmax.f32 v17, v16  }
0x5e: {  	v16 =	vadd.f32 v16, v17;
	v13 =	vld [tilespmem:s30+$0x180];
	v15 =	vadd.f32 v2, v3;
	v2 =	vmax.f32 v3, v2  }
0x5f: {  	v1 =	vadd.f32 v1, v12;
	v3 =	vadd.f32 v5, v6;
	v4 =	vld [tilespmem:s30+$0x200];
	v2 =	vmax.f32 v2, v18  }
.Ltmp2:
0x60: {  	v6 =	vmax.f32 v10, v11;
	v12 =	vadd.f32 v16, v9;
	v7 =	vld [tilespmem:s30+$0x280];
	v8 =	vadd.f32 v8, v15;
	(pc) =	sbr.rel @p2 .LBB2_3-.Ltmp2, $4  }
0x61: {  	v2 =	vmax.f32 v2, v6;
	v5 =	vld [tilespmem:s30+$0x300];
	v9 =	vadd.f32 v20, v19;
	v10 =	vmax.f32 v19, v20  }
0x62: {  	v15 =	vadd.f32 v3, v1;
	v1 =	vmax.f32 v14, v2;
	v6 =	vld [tilespmem:s30+$0x380];
	v12 =	vadd.f32 v12, v8  }
0x63: {  	v8 =	vld [tilespmem:s30+$0x880];
	v11 =	vadd.f32 v13, v21;
	v2 =	vmax.f32 v21, v13  }
0x64: {  	s10 =	sadd.s32 $0x20, s10;
	s12 =	sadd.s32 $0x100, s12;
	s6 =	sshll.u32 s0, $0x3;
	v3 =	vld [tilespmem:s30+$0x900];
	v2 =	vmax.f32 v10, v2;
	v10 =	vadd.f32 v12, v15  }
0x65: {  	v12 =	vld [tilespmem:s30+$0x980]  }
0x66: {  	v13 =	vld [tilespmem:s30+$0xA00]  }
0x67: {  	v14 =	vld [tilespmem:s30+$0xA80]  }
0x68: {  	v15 =	vld [tilespmem:s30+$0xB00]  }
0x69: {  	v16 =	vld [tilespmem:s30+$0xB80];
	_ =	sdelay $0x2  }
0x6a: {  	v17 =	vadd.f32 v7, v4;
	v18 =	vadd.f32 v6, v5  }
0x6b: {  	v19 =	vadd.f32 v8, v0;
	v20 =	vadd.f32 v12, v3  }
0x6c: {  	v21 =	vadd.f32 v14, v13;
	v22 =	vadd.f32 v16, v15  }
0x6d: {  	v9 =	vadd.f32 v11, v9;
	v11 =	vadd.f32 v18, v17  }
0x6e: {  	v4 =	vmax.f32 v4, v7;
	v7 =	vadd.f32 v20, v19;
	v45 =	vadd.f32 v22, v21  }
0x6f: {  	v10 =	vmul.f32 $6.250000000e-02, v10;
	v5 =	vmax.f32 v5, v6;
	v0 =	vmax.f32 v0, v8  }
0x70: {  	s0 =	sand.u32 $0xFFFFFF80, s6;
	s22 =	sor.u32 $0x18000, s28;
	v4 =	vmax.f32 v4, v5;
	v5 =	vadd.f32 v11, v9;
	v6 =	vadd.f32 v45, v7  }
0x71: {  	s7 =	sadd.s32 s0, s22;
	v3 =	vmax.f32 v3, v12;
	v8 =	vmax.f32 v15, v16;
	v7 =	vmax.f32 v13, v14  }
0x72: {  	s11 =	sor.u32 s29, s22;
	s6 =	sor.u32 s26, s22;
	s10 =	sor.u32 s29, s7;
	v0 =	vmax.f32 v0, v3;
	v3 =	vmax.f32 v7, v8;
	v5 =	vadd.f32 v6, v5  }
0x73: {  	s23 =	sadd.s32 s0, s11;
	s11 =	sadd.s32 $0x3, s25;
	s0 =	sadd.s32 s0, s6;
	[tilespmem:s10+$0x0] =	vst v10;
	v2 =	vmax.f32 v2, v4;
	v0 =	vmax.f32 v0, v3  }
0x74: {  	s12 =	sor.u32 s26, s7;
	s26 =	smul.u32 $0x60, s24;
	p2 =	sge.u32 s11, s4;
	[tilespmem:s23+$0x800] =	vst v1;
	v0 =	vmax.f32 v2, v0;
	v1 =	vmul.f32 $6.250000000e-02, v5  }
0x75: {  	[tilespmem:s0+$0x800] =	vst v0;
	s0 =	sshll.u32 @!p2 s11, $0x11  }
0x76: {  	s6 =	simm.s32 @!p2 $0x0;
	s13 =	sor.u32 s3, s26;
	s0 =	sadd.s32 @!p2 s0, s5;
	[tilespmem:s12+$0x0] =	vst v1  }
0x77: {  	[tilespmem:s6], [sflag:$0x1] =	stream.linear.gather @!p2 [hbm4b:s0+s6], $0x8000, $0x38;
	[tilespmem:$0x1B000] =	vst v63  }
0x78: {  	s0 =	sshll.u32 s13, $0x9  }
0x79: {  	s0 =	sadd.s32 s1, s0  }
0x7a: {  	[hbm4b:s0+s2] =	stream.linear.scatter [tilespmem:s15], [sflag:$0x4], $0x1000, $0x38;
	[tilespmem:$0x1B000] =	vst v63  }
0x7b: {  	s31 =	simm.s32 $0x0;
	_ =	swait.ge [sflag:s16], $0x8000  }
0x7c: {  	s17 =	simm.s32 $0x0;
	s29 =	sand.u32 $0x400, s31;
	[sflag:s16] =	ssyncset.done $0x0  }
0x7d: {  	s6 =	simm.s32 @!p1 $0x5;
	s0 =	sand.u32 $0x3FFFF000, s17;
	[sflag:s16] =	ssyncadd.s32 $0xFFFF8000  }
0x7e: {  	s28 =	sand.u32 $0x60, s31;
	s0 =	sor.u32 s29, s0;
	_ =	swait.ge @!p1 [sflag:s6], $0x1000  }
0x7f: {  	s30 =	sor.u32 $0x10, s28;
	s20 =	sadd.s32 $0x8000, s0;
	[sflag:s6] =	ssyncset.done @!p1 $0x0  }
0x80: {  	s21 =	sor.u32 s30, s20;
	[sflag:s6] =	ssyncadd.s32 @!p1 $0xFFFFF000  }
0x81: {  	v0 =	vld [tilespmem:s21+$0x0]  }
0x82: {  	v1 =	vld [tilespmem:s21+$0x80]  }
0x83: {  	v2 =	vld [tilespmem:s21+$0x100]  }
0x84: {  	v3 =	vld [tilespmem:s21+$0x180]  }
0x85: {  	v4 =	vld [tilespmem:s21+$0x200]  }
0x86: {  	v5 =	vld [tilespmem:s21+$0x280]  }
0x87: {  	s22 =	sadd.s32 $0x8800, s0;
	v6 =	vld [tilespmem:s21+$0x300]  }
0x88: {  	s0 =	sor.u32 s30, s22;
	v7 =	vld [tilespmem:s21+$0x380]  }
0x89: {  	v8 =	vld [tilespmem:s0+$0x0]  }
0x8a: {  	v9 =	vld [tilespmem:s21+$0x880]  }
0x8b: {  	v10 =	vld [tilespmem:s21+$0x900]  }
0x8c: {  	v11 =	vld [tilespmem:s21+$0x980]  }
0x8d: {  	v46 =	vld [tilespmem:s21+$0xA00]  }
0x8e: {  	v47 =	vld [tilespmem:s21+$0xA80]  }
0x8f: {  	v49 =	vld [tilespmem:s21+$0xB00]  }
0x90: {  	s0 =	sor.u32 s28, s20;
	v53 =	vld [tilespmem:s21+$0xB80];
	v48 =	vmax.f32 v0, v1  }
0x91: {  	v56 =	vld [tilespmem:s0+$0x0];
	v50 =	vmax.f32 v2, v3;
	v51 =	vmax.f32 v4, v5;
	v52 =	vmax.f32 v6, v7  }
0x92: {  	v57 =	vld [tilespmem:s0+$0x80];
	v55 =	vmax.f32 v8, v9;
	v0 =	vadd.f32 v1, v0;
	v1 =	vadd.f32 v3, v2  }
0x93: {  	v58 =	vld [tilespmem:s0+$0x100];
	v2 =	vmax.f32 v10, v11;
	v3 =	vadd.f32 v5, v4;
	v5 =	vadd.f32 v7, v6  }
0x94: {  	v59 =	vld [tilespmem:s0+$0x180];
	v7 =	vadd.f32 v9, v8;
	v8 =	vadd.f32 v11, v10;
	v9 =	vmax.f32 v46, v47  }
0x95: {  	v10 =	vadd.f32 v47, v46;
	v11 =	vadd.f32 v53, v49;
	v60 =	vmax.f32 v49, v53  }
0x96: {  	v4 =	vld [tilespmem:s0+$0x200];
	v14 =	vmax.f32 v48, v50;
	v54 =	vmax.f32 v51, v52;
	v2 =	vmax.f32 v55, v2  }
0x97: {  	v6 =	vld [tilespmem:s0+$0x280];
	v61 =	vmax.f32 v56, v57;
	v0 =	vadd.f32 v1, v0;
	v1 =	vadd.f32 v5, v3  }
0x98: {  	v5 =	vmax.f32 v9, v60;
	v3 =	vld [tilespmem:s0+$0x300];
	v9 =	vadd.f32 v8, v7;
	v11 =	vadd.f32 v11, v10  }
0x99: {  	s23 =	sor.u32 s28, s22;
	v63 =	vmax.f32 v58, v59;
	v14 =	vmax.f32 v14, v54;
	v7 =	vld [tilespmem:s0+$0x380];
	v8 =	vadd.f32 v57, v56  }
0x9a: {  	v62 =	vmax.f32 v2, v5;
	v2 =	vld [tilespmem:s23+$0x0];
	v10 =	vadd.f32 v1, v0;
	v11 =	vadd.f32 v11, v9  }
0x9b: {  	s10 =	simm.s32 $0x0;
	s12 =	simm.s32 $0x20;
	v5 =	vld [tilespmem:s0+$0x880];
	v9 =	vadd.f32 v59, v58;
	v1 =	vmax.f32 v61, v63;
	v0 =	vmax.f32 v14, v62  }
.LBB2_5:
0x9c: {  	v12 =	vld [tilespmem:s0+$0x900];
	v13 =	vadd.f32 v6, v4;
	v4 =	vmax.f32 v4, v6;
	s6 =	sshll.u32 s10, $0x3;
	s10 =	sadd.s32 $0x2, s10;
	v6 =	vadd.f32 v11, v10;
	s31 =	sadd.s32 $0x100, s31  }
0x9d: {  	s11 =	sor.u32 $0x19000, s29;
	s7 =	sshll.u32 s10, $0x8;
	v10 =	vld [tilespmem:s0+$0x980];
	v8 =	vadd.f32 v9, v8;
	s6 =	sand.u32 $0xFFFFFF80, s6  }
0x9e: {  	s29 =	sand.u32 $0x400, s31;
	s7 =	sand.u32 $0x3FFFF000, s7;
	v9 =	vld [tilespmem:s0+$0xA00];
	v11 =	vadd.f32 v7, v3;
	v3 =	vmax.f32 v3, v7;
	s20 =	sadd.s32 s6, s11;
	v6 =	vmul.f32 $6.250000000e-02, v6  }
0x9f: {  	s21 =	sand.u32 $0x60, s12;
	s7 =	sor.u32 s29, s7;
	v7 =	vld [tilespmem:s0+$0xA80];
	v3 =	vmax.f32 v4, v3;
	s13 =	sor.u32 s30, s20  }
0xa0: {  	s23 =	sor.u32 $0x10, s21;
	s17 =	sor.u32 s28, s11;
	s22 =	sadd.s32 $0x8000, s7;
	v4 =	vld [tilespmem:s0+$0xB00];
	v14 =	vadd.f32 v5, v2;
	v2 =	vmax.f32 v2, v5;
	v5 =	vadd.f32 v11, v13;
	[tilespmem:s13+$0x0] =	vst v6  }
0xa1: {  	s11 =	sor.u32 s30, s11;
	v1 =	vmax.f32 v1, v3;
	s13 =	sor.u32 s23, s22;
	v6 =	vld [tilespmem:s0+$0xB80];
	s0 =	sor.u32 s21, s22  }
0xa2: {  	s17 =	sadd.s32 s6, s17;
	s20 =	sor.u32 s28, s20;
	s6 =	sadd.s32 s6, s11;
	v3 =	vld [tilespmem:s13+$0x0];
	v11 =	vadd.f32 v10, v12;
	v10 =	vmax.f32 v12, v10;
	v5 =	vadd.f32 v5, v8  }
0xa3: {  	p2 =	slt.u32 s10, $0x7E;
	s28 =	smov.u32 s21;
	s30 =	smov.u32 s23;
	v8 =	vld [tilespmem:s13+$0x80];
	v2 =	vmax.f32 v2, v10;
	[tilespmem:s6+$0x800] =	vst v0  }
0xa4: {  	v0 =	vld [tilespmem:s13+$0x100];
	v10 =	vadd.f32 v7, v9;
	v7 =	vmax.f32 v9, v7;
	v9 =	vadd.f32 v11, v14  }
0xa5: {  	v11 =	vld [tilespmem:s13+$0x180]  }
0xa6: {  	v12 =	vld [tilespmem:s13+$0x200];
	v13 =	vadd.f32 v6, v4;
	v4 =	vmax.f32 v4, v6  }
0xa7: {  	v6 =	vld [tilespmem:s13+$0x280];
	v4 =	vmax.f32 v7, v4  }
0xa8: {  	s7 =	sadd.s32 $0x8800, s7;
	v7 =	vld [tilespmem:s13+$0x300];
	v14 =	vmax.f32 v3, v8;
	v10 =	vadd.f32 v13, v10;
	v2 =	vmax.f32 v2, v4  }
0xa9: {  	s6 =	sor.u32 s28, s7;
	s7 =	sor.u32 s30, s7;
	v4 =	vld [tilespmem:s13+$0x380];
	v1 =	vmax.f32 v1, v2  }
0xaa: {  	v2 =	vld [tilespmem:s7+$0x0];
	v13 =	vmax.f32 v0, v11;
	v9 =	vadd.f32 v10, v9;
	[tilespmem:s17+$0x800] =	vst v1  }
0xab: {  	v1 =	vld [tilespmem:s13+$0x880];
	v10 =	vmax.f32 v14, v13  }
0xac: {  	v13 =	vld [tilespmem:s13+$0x900];
	v14 =	vmax.f32 v12, v6;
	v5 =	vadd.f32 v9, v5  }
0xad: {  	v9 =	vld [tilespmem:s13+$0x980]  }
0xae: {  	v15 =	vld [tilespmem:s13+$0xA00];
	v16 =	vmax.f32 v7, v4;
	v5 =	vmul.f32 $6.250000000e-02, v5  }
0xaf: {  	v17 =	vld [tilespmem:s13+$0xA80];
	v14 =	vmax.f32 v14, v16  }
0xb0: {  	v16 =	vld [tilespmem:s13+$0xB00];
	v18 =	vmax.f32 v2, v1;
	v14 =	vmax.f32 v10, v14;
	[tilespmem:s20+$0x0] =	vst v5  }
0xb1: {  	v5 =	vld [tilespmem:s13+$0xB80]  }
0xb2: {  	v10 =	vld [tilespmem:s0+$0x0];
	v19 =	vmax.f32 v13, v9  }
0xb3: {  	v3 =	vadd.f32 v8, v3;
	v0 =	vadd.f32 v11, v0;
	v20 =	vld [tilespmem:s0+$0x80];
	v11 =	vmax.f32 v18, v19  }
0xb4: {  	v8 =	vadd.f32 v6, v12;
	v7 =	vadd.f32 v4, v7;
	v18 =	vld [tilespmem:s0+$0x100];
	v12 =	vmax.f32 v15, v17  }
0xb5: {  	v1 =	vadd.f32 v1, v2;
	v2 =	vadd.f32 v9, v13;
	v19 =	vld [tilespmem:s0+$0x180]  }
0xb6: {  	v9 =	vadd.f32 v17, v15;
	v4 =	vld [tilespmem:s0+$0x200];
	v13 =	vadd.f32 v5, v16;
	v5 =	vmax.f32 v16, v5  }
.Ltmp3:
0xb7: {  	v0 =	vadd.f32 v0, v3;
	v15 =	vadd.f32 v7, v8;
	v6 =	vld [tilespmem:s0+$0x280];
	v5 =	vmax.f32 v12, v5;
	(pc) =	sbr.rel @p2 .LBB2_5-.Ltmp3, $4  }
0xb8: {  	v1 =	vadd.f32 v2, v1;
	v3 =	vld [tilespmem:s0+$0x300];
	v12 =	vmax.f32 v10, v20;
	v9 =	vadd.f32 v13, v9  }
0xb9: {  	v8 =	vadd.f32 v20, v10;
	v13 =	vmax.f32 v11, v5;
	v7 =	vld [tilespmem:s0+$0x380]  }
0xba: {  	v10 =	vadd.f32 v15, v0;
	v2 =	vld [tilespmem:s6+$0x0];
	v16 =	vmax.f32 v18, v19;
	v11 =	vadd.f32 v9, v1  }
0xbb: {  	s12 =	sadd.s32 $0x20, s12;
	v0 =	vmax.f32 v14, v13;
	v9 =	vadd.f32 v19, v18;
	v5 =	vld [tilespmem:s0+$0x880];
	v1 =	vmax.f32 v12, v16  }
0xbc: {  	v12 =	vld [tilespmem:s0+$0x900]  }
0xbd: {  	v13 =	vld [tilespmem:s0+$0x980]  }
0xbe: {  	v14 =	vld [tilespmem:s0+$0xA00]  }
0xbf: {  	v15 =	vld [tilespmem:s0+$0xA80]  }
0xc0: {  	v16 =	vld [tilespmem:s0+$0xB00]  }
0xc1: {  	v17 =	vld [tilespmem:s0+$0xB80];
	_ =	sdelay $0x1  }
0xc2: {  	v18 =	vadd.f32 v6, v4  }
0xc3: {  	v10 =	vadd.f32 v11, v10;
	v11 =	vadd.f32 v7, v3  }
0xc4: {  	v19 =	vadd.f32 v5, v2;
	v20 =	vadd.f32 v13, v12  }
0xc5: {  	v21 =	vadd.f32 v15, v14;
	v22 =	vadd.f32 v17, v16  }
0xc6: {  	v4 =	vmax.f32 v4, v6;
	v6 =	vadd.f32 v9, v8;
	v8 =	vadd.f32 v11, v18  }
0xc7: {  	v3 =	vmax.f32 v3, v7;
	v7 =	vadd.f32 v20, v19;
	v9 =	vadd.f32 v22, v21  }
0xc8: {  	s21 =	sshll.u32 s10, $0x3;
	v10 =	vmul.f32 $6.250000000e-02, v10;
	v3 =	vmax.f32 v4, v3  }
0xc9: {  	s6 =	sor.u32 $0x19000, s29;
	s0 =	sand.u32 $0xFFFFFF80, s21;
	v2 =	vmax.f32 v2, v5;
	v4 =	vadd.f32 v8, v6;
	v5 =	vadd.f32 v9, v7  }
0xca: {  	s7 =	sadd.s32 s0, s6;
	v6 =	vmax.f32 v12, v13;
	v8 =	vmax.f32 v16, v17;
	v7 =	vmax.f32 v14, v15  }
0xcb: {  	s11 =	sor.u32 s30, s6;
	s22 =	sor.u32 s30, s7;
	v2 =	vmax.f32 v2, v6;
	v6 =	vmax.f32 v7, v8;
	v4 =	vadd.f32 v5, v4  }
0xcc: {  	s6 =	sor.u32 s28, s6;
	s23 =	sadd.s32 s0, s11;
	s11 =	sadd.s32 $0x4, s25;
	[tilespmem:s22+$0x0] =	vst v10;
	v1 =	vmax.f32 v1, v3;
	v2 =	vmax.f32 v2, v6  }
0xcd: {  	s0 =	sadd.s32 s0, s6;
	p2 =	sge.u32 s11, s4;
	[tilespmem:s23+$0x800] =	vst v0;
	v0 =	vmax.f32 v1, v2;
	v1 =	vmul.f32 $6.250000000e-02, v4  }
0xce: {  	s12 =	sadd.s32 s8, s26;
	s10 =	sor.u32 s28, s7;
	[tilespmem:s0+$0x800] =	vst v0;
	s0 =	sshll.u32 @!p2 s11, $0x11  }
0xcf: {  	s6 =	simm.s32 @!p2 $0x0;
	s7 =	simm.s32 @!p2 $0x8000;
	s0 =	sadd.s32 @!p2 s0, s5;
	[tilespmem:s10+$0x0] =	vst v1  }
0xd0: {  	[tilespmem:s7], [sflag:$0x2] =	stream.linear.gather @!p2 [hbm4b:s0+s6], $0x8000, $0x38;
	[tilespmem:$0x1B000] =	vst v63  }
0xd1: {  	s0 =	sshll.u32 s12, $0x9  }
0xd2: {  	s13 =	simm.s32 $0x19000;
	s0 =	sadd.s32 s1, s0  }
0xd3: {  	[hbm4b:s0+s2] =	stream.linear.scatter [tilespmem:s13], [sflag:$0x5], $0x1000, $0x38;
	[tilespmem:$0x1B000] =	vst v63  }
0xd4: {  	s31 =	simm.s32 $0x0;
	_ =	swait.ge [sflag:s18], $0x8000  }
0xd5: {  	s17 =	simm.s32 $0x0;
	s29 =	sand.u32 $0x400, s31;
	[sflag:s18] =	ssyncset.done $0x0  }
0xd6: {  	s6 =	simm.s32 @!p1 $0x6;
	s0 =	sand.u32 $0x3FFFF000, s17;
	[sflag:s18] =	ssyncadd.s32 $0xFFFF8000  }
0xd7: {  	s28 =	sand.u32 $0x60, s31;
	s0 =	sor.u32 s29, s0;
	_ =	swait.ge @!p1 [sflag:s6], $0x1000  }
0xd8: {  	s30 =	sor.u32 $0x10, s28;
	s20 =	sadd.s32 $0x10000, s0;
	[sflag:s6] =	ssyncset.done @!p1 $0x0  }
0xd9: {  	s21 =	sor.u32 s30, s20;
	[sflag:s6] =	ssyncadd.s32 @!p1 $0xFFFFF000  }
0xda: {  	v0 =	vld [tilespmem:s21+$0x0]  }
0xdb: {  	v1 =	vld [tilespmem:s21+$0x80]  }
0xdc: {  	v2 =	vld [tilespmem:s21+$0x100]  }
0xdd: {  	v3 =	vld [tilespmem:s21+$0x180]  }
0xde: {  	v4 =	vld [tilespmem:s21+$0x200]  }
0xdf: {  	v5 =	vld [tilespmem:s21+$0x280]  }
0xe0: {  	s22 =	sadd.s32 $0x10800, s0;
	v6 =	vld [tilespmem:s21+$0x300]  }
0xe1: {  	s0 =	sor.u32 s30, s22;
	v7 =	vld [tilespmem:s21+$0x380]  }
0xe2: {  	v8 =	vld [tilespmem:s0+$0x0]  }
0xe3: {  	v9 =	vld [tilespmem:s21+$0x880]  }
0xe4: {  	v10 =	vld [tilespmem:s21+$0x900]  }
0xe5: {  	v11 =	vld [tilespmem:s21+$0x980]  }
0xe6: {  	v46 =	vld [tilespmem:s21+$0xA00]  }
0xe7: {  	v47 =	vld [tilespmem:s21+$0xA80]  }
0xe8: {  	v49 =	vld [tilespmem:s21+$0xB00]  }
0xe9: {  	s0 =	sor.u32 s28, s20;
	v53 =	vld [tilespmem:s21+$0xB80];
	v48 =	vmax.f32 v0, v1  }
0xea: {  	v56 =	vld [tilespmem:s0+$0x0];
	v50 =	vmax.f32 v2, v3;
	v51 =	vmax.f32 v4, v5;
	v52 =	vmax.f32 v6, v7  }
0xeb: {  	v57 =	vld [tilespmem:s0+$0x80];
	v55 =	vmax.f32 v8, v9;
	v0 =	vadd.f32 v1, v0;
	v1 =	vadd.f32 v3, v2  }
0xec: {  	v58 =	vld [tilespmem:s0+$0x100];
	v2 =	vmax.f32 v10, v11;
	v3 =	vadd.f32 v5, v4;
	v5 =	vadd.f32 v7, v6  }
0xed: {  	v59 =	vld [tilespmem:s0+$0x180];
	v7 =	vadd.f32 v9, v8;
	v8 =	vadd.f32 v11, v10;
	v9 =	vmax.f32 v46, v47  }
0xee: {  	v10 =	vadd.f32 v47, v46;
	v11 =	vadd.f32 v53, v49;
	v60 =	vmax.f32 v49, v53  }
0xef: {  	v4 =	vld [tilespmem:s0+$0x200];
	v14 =	vmax.f32 v48, v50;
	v54 =	vmax.f32 v51, v52;
	v2 =	vmax.f32 v55, v2  }
0xf0: {  	v6 =	vld [tilespmem:s0+$0x280];
	v61 =	vmax.f32 v56, v57;
	v0 =	vadd.f32 v1, v0;
	v1 =	vadd.f32 v5, v3  }
0xf1: {  	v5 =	vmax.f32 v9, v60;
	v3 =	vld [tilespmem:s0+$0x300];
	v9 =	vadd.f32 v8, v7;
	v11 =	vadd.f32 v11, v10  }
0xf2: {  	s23 =	sor.u32 s28, s22;
	v63 =	vmax.f32 v58, v59;
	v14 =	vmax.f32 v14, v54;
	v7 =	vld [tilespmem:s0+$0x380];
	v8 =	vadd.f32 v57, v56  }
0xf3: {  	v62 =	vmax.f32 v2, v5;
	v2 =	vld [tilespmem:s23+$0x0];
	v10 =	vadd.f32 v1, v0;
	v11 =	vadd.f32 v11, v9  }
0xf4: {  	s10 =	simm.s32 $0x0;
	s12 =	simm.s32 $0x20;
	v5 =	vld [tilespmem:s0+$0x880];
	v9 =	vadd.f32 v59, v58;
	v1 =	vmax.f32 v61, v63;
	v0 =	vmax.f32 v14, v62  }
.LBB2_7:
0xf5: {  	v12 =	vld [tilespmem:s0+$0x900];
	v13 =	vadd.f32 v6, v4;
	v4 =	vmax.f32 v4, v6;
	s6 =	sshll.u32 s10, $0x3;
	s10 =	sadd.s32 $0x2, s10;
	v6 =	vadd.f32 v11, v10;
	s31 =	sadd.s32 $0x100, s31  }
0xf6: {  	s11 =	sor.u32 $0x1A000, s29;
	s7 =	sshll.u32 s10, $0x8;
	v10 =	vld [tilespmem:s0+$0x980];
	v8 =	vadd.f32 v9, v8;
	s6 =	sand.u32 $0xFFFFFF80, s6  }
0xf7: {  	s29 =	sand.u32 $0x400, s31;
	s7 =	sand.u32 $0x3FFFF000, s7;
	v9 =	vld [tilespmem:s0+$0xA00];
	v11 =	vadd.f32 v7, v3;
	v3 =	vmax.f32 v3, v7;
	s17 =	sadd.s32 s6, s11;
	v6 =	vmul.f32 $6.250000000e-02, v6  }
0xf8: {  	s20 =	sand.u32 $0x60, s12;
	s7 =	sor.u32 s29, s7;
	v7 =	vld [tilespmem:s0+$0xA80];
	v3 =	vmax.f32 v4, v3;
	s13 =	sor.u32 s30, s17  }
0xf9: {  	s22 =	sor.u32 $0x10, s20;
	s23 =	sor.u32 s28, s11;
	s21 =	sadd.s32 $0x10000, s7;
	v4 =	vld [tilespmem:s0+$0xB00];
	v14 =	vadd.f32 v5, v2;
	v2 =	vmax.f32 v2, v5;
	v5 =	vadd.f32 v11, v13;
	[tilespmem:s13+$0x0] =	vst v6  }
0xfa: {  	s11 =	sor.u32 s30, s11;
	v1 =	vmax.f32 v1, v3;
	s13 =	sor.u32 s22, s21;
	v6 =	vld [tilespmem:s0+$0xB80];
	s0 =	sor.u32 s20, s21  }
0xfb: {  	s17 =	sor.u32 s28, s17;
	s21 =	sadd.s32 s6, s23;
	s6 =	sadd.s32 s6, s11;
	v3 =	vld [tilespmem:s13+$0x0];
	v11 =	vadd.f32 v10, v12;
	v10 =	vmax.f32 v12, v10;
	v5 =	vadd.f32 v5, v8  }
0xfc: {  	p1 =	slt.u32 s10, $0x7E;
	s28 =	smov.u32 s20;
	s30 =	smov.u32 s22;
	v8 =	vld [tilespmem:s13+$0x80];
	v2 =	vmax.f32 v2, v10;
	[tilespmem:s6+$0x800] =	vst v0  }
0xfd: {  	v0 =	vld [tilespmem:s13+$0x100];
	v10 =	vadd.f32 v7, v9;
	v7 =	vmax.f32 v9, v7;
	v9 =	vadd.f32 v11, v14  }
0xfe: {  	v11 =	vld [tilespmem:s13+$0x180]  }
0xff: {  	v12 =	vld [tilespmem:s13+$0x200];
	v13 =	vadd.f32 v6, v4;
	v4 =	vmax.f32 v4, v6  }
0x100: {  	v6 =	vld [tilespmem:s13+$0x280];
	v4 =	vmax.f32 v7, v4  }
0x101: {  	s7 =	sadd.s32 $0x10800, s7;
	v7 =	vld [tilespmem:s13+$0x300];
	v14 =	vmax.f32 v3, v8;
	v10 =	vadd.f32 v13, v10;
	v2 =	vmax.f32 v2, v4  }
0x102: {  	s6 =	sor.u32 s28, s7;
	s7 =	sor.u32 s30, s7;
	v4 =	vld [tilespmem:s13+$0x380];
	v1 =	vmax.f32 v1, v2  }
0x103: {  	v2 =	vld [tilespmem:s7+$0x0];
	v13 =	vmax.f32 v0, v11;
	v9 =	vadd.f32 v10, v9;
	[tilespmem:s21+$0x800] =	vst v1  }
0x104: {  	v1 =	vld [tilespmem:s13+$0x880];
	v10 =	vmax.f32 v14, v13  }
0x105: {  	v13 =	vld [tilespmem:s13+$0x900];
	v14 =	vmax.f32 v12, v6;
	v5 =	vadd.f32 v9, v5  }
0x106: {  	v9 =	vld [tilespmem:s13+$0x980]  }
0x107: {  	v15 =	vld [tilespmem:s13+$0xA00];
	v16 =	vmax.f32 v7, v4;
	v5 =	vmul.f32 $6.250000000e-02, v5  }
0x108: {  	v17 =	vld [tilespmem:s13+$0xA80];
	v14 =	vmax.f32 v14, v16  }
0x109: {  	v16 =	vld [tilespmem:s13+$0xB00];
	v18 =	vmax.f32 v2, v1;
	v14 =	vmax.f32 v10, v14;
	[tilespmem:s17+$0x0] =	vst v5  }
0x10a: {  	v5 =	vld [tilespmem:s13+$0xB80]  }
0x10b: {  	v10 =	vld [tilespmem:s0+$0x0];
	v19 =	vmax.f32 v13, v9  }
0x10c: {  	v3 =	vadd.f32 v8, v3;
	v0 =	vadd.f32 v11, v0;
	v20 =	vld [tilespmem:s0+$0x80];
	v11 =	vmax.f32 v18, v19  }
0x10d: {  	v8 =	vadd.f32 v6, v12;
	v7 =	vadd.f32 v4, v7;
	v18 =	vld [tilespmem:s0+$0x100];
	v12 =	vmax.f32 v15, v17  }
0x10e: {  	v1 =	vadd.f32 v1, v2;
	v2 =	vadd.f32 v9, v13;
	v19 =	vld [tilespmem:s0+$0x180]  }
0x10f: {  	v9 =	vadd.f32 v17, v15;
	v4 =	vld [tilespmem:s0+$0x200];
	v13 =	vadd.f32 v5, v16;
	v5 =	vmax.f32 v16, v5  }
.Ltmp4:
0x110: {  	v0 =	vadd.f32 v0, v3;
	v15 =	vadd.f32 v7, v8;
	v6 =	vld [tilespmem:s0+$0x280];
	v5 =	vmax.f32 v12, v5;
	(pc) =	sbr.rel @p1 .LBB2_7-.Ltmp4, $4  }
0x111: {  	v1 =	vadd.f32 v2, v1;
	v3 =	vld [tilespmem:s0+$0x300];
	v12 =	vmax.f32 v10, v20;
	v9 =	vadd.f32 v13, v9  }
0x112: {  	v8 =	vadd.f32 v20, v10;
	v13 =	vmax.f32 v11, v5;
	v7 =	vld [tilespmem:s0+$0x380]  }
0x113: {  	v10 =	vadd.f32 v15, v0;
	v2 =	vld [tilespmem:s6+$0x0];
	v16 =	vmax.f32 v18, v19;
	v11 =	vadd.f32 v9, v1  }
0x114: {  	s12 =	sadd.s32 $0x20, s12;
	v0 =	vmax.f32 v14, v13;
	v9 =	vadd.f32 v19, v18;
	v5 =	vld [tilespmem:s0+$0x880];
	v1 =	vmax.f32 v12, v16  }
0x115: {  	v12 =	vld [tilespmem:s0+$0x900]  }
0x116: {  	v13 =	vld [tilespmem:s0+$0x980]  }
0x117: {  	v14 =	vld [tilespmem:s0+$0xA00]  }
0x118: {  	v15 =	vld [tilespmem:s0+$0xA80]  }
0x119: {  	v16 =	vld [tilespmem:s0+$0xB00]  }
0x11a: {  	v17 =	vld [tilespmem:s0+$0xB80];
	_ =	sdelay $0x1  }
0x11b: {  	v18 =	vadd.f32 v6, v4  }
0x11c: {  	v10 =	vadd.f32 v11, v10;
	v47 =	vadd.f32 v7, v3  }
0x11d: {  	v19 =	vadd.f32 v5, v2;
	v20 =	vadd.f32 v13, v12  }
0x11e: {  	v21 =	vadd.f32 v15, v14;
	v22 =	vadd.f32 v17, v16  }
0x11f: {  	v48 =	vmax.f32 v4, v6;
	v49 =	vadd.f32 v9, v8;
	v50 =	vadd.f32 v47, v18  }
0x120: {  	v51 =	vmax.f32 v3, v7;
	v52 =	vadd.f32 v20, v19;
	v53 =	vadd.f32 v22, v21  }
0x121: {  	s22 =	sshll.u32 s10, $0x3;
	v55 =	vmul.f32 $6.250000000e-02, v10;
	v3 =	vmax.f32 v48, v51  }
0x122: {  	s6 =	sor.u32 $0x1A000, s29;
	s0 =	sand.u32 $0xFFFFFF80, s22;
	v54 =	vmax.f32 v2, v5;
	v56 =	vadd.f32 v50, v49;
	v57 =	vadd.f32 v53, v52  }
0x123: {  	s7 =	sadd.s32 s0, s6;
	v58 =	vmax.f32 v12, v13;
	v59 =	vmax.f32 v14, v15;
	v60 =	vmax.f32 v16, v17  }
0x124: {  	s11 =	sor.u32 s30, s6;
	s23 =	sor.u32 s30, s7;
	v2 =	vmax.f32 v54, v58;
	v61 =	vmax.f32 v59, v60;
	v5 =	vadd.f32 v57, v56  }
0x125: {  	s6 =	sor.u32 s28, s6;
	s29 =	sadd.s32 s0, s11;
	s11 =	sadd.s32 $0x5, s25;
	[tilespmem:s23+$0x0] =	vst v55;
	v1 =	vmax.f32 v1, v3;
	v2 =	vmax.f32 v2, v61  }
0x126: {  	s0 =	sadd.s32 s0, s6;
	p1 =	sge.u32 s11, s4;
	[tilespmem:s29+$0x800] =	vst v0;
	v62 =	vmax.f32 v1, v2;
	v63 =	vmul.f32 $6.250000000e-02, v5  }
0x127: {  	s24 =	sadd.s32 $0x1, s24;
	s30 =	sor.u32 s28, s7;
	[tilespmem:s0+$0x800] =	vst v62;
	s0 =	sshll.u32 @!p1 s11, $0x11  }
0x128: {  	s6 =	simm.s32 @!p1 $0x0;
	s7 =	simm.s32 @!p1 $0x10000;
	s0 =	sadd.s32 @!p1 s0, s5;
	[tilespmem:s30+$0x0] =	vst v63  }
0x129: {  	[tilespmem:s7], [sflag:$0x3] =	stream.linear.gather @!p1 [hbm4b:s0+s6], $0x8000, $0x38;
	[tilespmem:$0x1B000] =	vst v63  }
0x12a: {  	p1 =	sne.s32 s24, $0xD  }
.Ltmp5:
0x12b: {  	_ = 	snop;
	(pc) =	sbr.rel @p1 .LBB2_2-.Ltmp5, $4  }
0x12c: {  	s31 =	sadd.s32 s9, s26  }
0x12d: {  	s0 =	sshll.u32 s31, $0x9  }
0x12e: {  	s0 =	sadd.s32 s1, s0  }
0x12f: {  	[hbm4b:s0+s2] =	stream.linear.scatter [tilespmem:s19], [sflag:$0x6], $0x1000, $0x38;
	[tilespmem:$0x1B000] =	vst v63  }
.Ltmp6:
0x130: {  	(pc) =	sbr.rel @p0 .LBB2_13-.Ltmp6, $2  }
0x131: {  	_ =	sdelay $0x2  }
0x132: {  	s7 =	rddreg [dreg:$0x7]  }
0x133: {  	_ =	swait.ge [sflag:s14], $0x8000  }
0x134: {  	s7 =	simm.s32 $0x4;
	s0 =	simm.s32 $0x0;
	[sflag:s14] =	ssyncset.done $0x0  }
0x135: {  	s6 =	simm.s32 $0x0;
	s24 =	sand.u32 $0x60, s0;
	[sflag:s14] =	ssyncadd.s32 $0xFFFF8000  }
0x136: {  	s25 =	sand.u32 $0x400, s0;
	s26 =	sand.u32 $0x3FFFF000, s6;
	_ =	swait.ge [sflag:s7], $0x1000  }
0x137: {  	s0 =	sor.u32 s25, s26;
	s26 =	sor.u32 $0x10, s24;
	[sflag:s7] =	ssyncset.done $0x0  }
0x138: {  	s29 =	sor.u32 s26, s0;
	[sflag:s7] =	ssyncadd.s32 $0xFFFFF000  }
0x139: {  	v1 =	vld [tilespmem:s29+$0x0]  }
0x13a: {  	v2 =	vld [tilespmem:s29+$0x80]  }
0x13b: {  	v3 =	vld [tilespmem:s29+$0x100]  }
0x13c: {  	v4 =	vld [tilespmem:s29+$0x180]  }
0x13d: {  	v5 =	vld [tilespmem:s29+$0x200]  }
0x13e: {  	v6 =	vld [tilespmem:s29+$0x280]  }
0x13f: {  	v7 =	vld [tilespmem:s29+$0x300]  }
0x140: {  	v8 =	vld [tilespmem:s29+$0x380]  }
0x141: {  	v9 =	vld [tilespmem:s29+$0x880]  }
0x142: {  	v10 =	vld [tilespmem:s29+$0x900]  }
0x143: {  	v11 =	vld [tilespmem:s29+$0x980]  }
0x144: {  	v12 =	vld [tilespmem:s29+$0xA00]  }
0x145: {  	v13 =	vld [tilespmem:s29+$0xA80]  }
0x146: {  	s30 =	sor.u32 $0x800, s0;
	v14 =	vld [tilespmem:s29+$0xB00]  }
0x147: {  	s10 =	sor.u32 s26, s30;
	v15 =	vld [tilespmem:s29+$0xB80]  }
0x148: {  	s0 =	sor.u32 s24, s0;
	v17 =	vld [tilespmem:s10+$0x0]  }
0x149: {  	v59 =	vld [tilespmem:s0+$0x100]  }
0x14a: {  	v60 =	vld [tilespmem:s0+$0x180];
	v0 =	vmax.f32 v1, v2;
	v16 =	vmax.f32 v3, v4;
	v18 =	vmax.f32 v5, v6  }
0x14b: {  	v19 =	vmax.f32 v7, v8;
	v1 =	vadd.f32 v2, v1;
	v2 =	vadd.f32 v4, v3  }
0x14c: {  	v57 =	vld [tilespmem:s0+$0x0];
	v5 =	vadd.f32 v6, v5;
	v6 =	vadd.f32 v8, v7;
	v7 =	vmax.f32 v10, v11  }
0x14d: {  	v58 =	vld [tilespmem:s0+$0x80];
	v8 =	vadd.f32 v11, v10;
	v10 =	vadd.f32 v13, v12;
	v11 =	vmax.f32 v12, v13  }
0x14e: {  	v61 =	vadd.f32 v9, v17;
	v20 =	vadd.f32 v15, v14;
	v14 =	vmax.f32 v14, v15  }
0x14f: {  	s31 =	sor.u32 s24, s30;
	v4 =	vld [tilespmem:s0+$0x200];
	v63 =	vmax.f32 v59, v60;
	v16 =	vmax.f32 v0, v16;
	v18 =	vmax.f32 v18, v19  }
0x150: {  	v0 =	vld [tilespmem:s31+$0x0];
	v11 =	vmax.f32 v11, v14;
	v1 =	vadd.f32 v2, v1;
	v2 =	vadd.f32 v6, v5  }
0x151: {  	v5 =	vmax.f32 v17, v9;
	v6 =	vld [tilespmem:s0+$0x280];
	v8 =	vadd.f32 v8, v61;
	v10 =	vadd.f32 v20, v10  }
0x152: {  	v3 =	vmax.f32 v16, v18;
	v9 =	vadd.f32 v58, v57;
	v7 =	vmax.f32 v5, v7;
	v5 =	vld [tilespmem:s0+$0x300]  }
0x153: {  	v11 =	vmax.f32 v7, v11;
	v7 =	vld [tilespmem:s0+$0x380];
	v62 =	vadd.f32 v2, v1;
	v10 =	vadd.f32 v10, v8  }
0x154: {  	s12 =	simm.s32 $0x20;
	v2 =	vmax.f32 v57, v58;
	v8 =	vld [tilespmem:s0+$0x880];
	v1 =	vmax.f32 v3, v11;
	v11 =	vadd.f32 v60, v59  }
0x155: {  	s28 =	simm.s32 $0x100;
	s6 =	simm.s32 $0x0;
	s10 =	simm.s32 $0x0;
	v3 =	vld [tilespmem:s0+$0x900];
	v2 =	vmax.f32 v2, v63;
	v10 =	vadd.f32 v10, v62  }
.LBB2_11:
0x156: {  	s10 =	sadd.s32 $0x2, s10;
	v12 =	vld [tilespmem:s0+$0x980];
	v13 =	vadd.f32 v6, v4;
	v4 =	vmax.f32 v4, v6;
	v6 =	vadd.f32 v11, v9;
	s7 =	sand.u32 $0xFFFFFF80, s6;
	s11 =	sor.u32 $0x18000, s25  }
0x157: {  	s17 =	sand.u32 $0x60, s12;
	s6 =	sshll.u32 s10, $0x8;
	v9 =	vld [tilespmem:s0+$0xA00];
	s20 =	sadd.s32 s7, s11;
	v10 =	vmul.f32 $6.250000000e-02, v10  }
0x158: {  	s25 =	sand.u32 $0x400, s28;
	s6 =	sand.u32 $0x3FFFF000, s6;
	v11 =	vld [tilespmem:s0+$0xA80];
	v14 =	vadd.f32 v7, v5;
	v5 =	vmax.f32 v5, v7;
	s21 =	sor.u32 s26, s20  }
0x159: {  	s22 =	sor.u32 $0x10, s17;
	s23 =	sor.u32 s24, s11;
	s13 =	sor.u32 s25, s6;
	v7 =	vld [tilespmem:s0+$0xB00];
	v15 =	vadd.f32 v8, v0;
	v0 =	vmax.f32 v0, v8;
	v4 =	vmax.f32 v4, v5;
	[tilespmem:s21+$0x0] =	vst v10  }
0x15a: {  	s11 =	sor.u32 s26, s11;
	s6 =	sor.u32 s22, s13;
	v5 =	vld [tilespmem:s0+$0xB80];
	s0 =	sor.u32 s17, s13;
	v8 =	vadd.f32 v14, v13;
	v2 =	vmax.f32 v2, v4  }
0x15b: {  	s20 =	sor.u32 s24, s20;
	s21 =	sadd.s32 s7, s23;
	s7 =	sadd.s32 s7, s11;
	v4 =	vld [tilespmem:s6+$0x0];
	v10 =	vadd.f32 v12, v3;
	v3 =	vmax.f32 v3, v12  }
0x15c: {  	p1 =	slt.u32 s10, $0x7E;
	s24 =	smov.u32 s17;
	s26 =	smov.u32 s22;
	v12 =	vld [tilespmem:s6+$0x80];
	v0 =	vmax.f32 v0, v3;
	v3 =	vadd.f32 v8, v6;
	[tilespmem:s7+$0x800] =	vst v1  }
0x15d: {  	v1 =	vld [tilespmem:s6+$0x100];
	v6 =	vadd.f32 v11, v9;
	v8 =	vmax.f32 v9, v11;
	v9 =	vadd.f32 v10, v15  }
0x15e: {  	v10 =	vld [tilespmem:s6+$0x180]  }
0x15f: {  	v11 =	vld [tilespmem:s6+$0x200];
	v13 =	vadd.f32 v5, v7;
	v5 =	vmax.f32 v7, v5  }
0x160: {  	v7 =	vld [tilespmem:s6+$0x280];
	v5 =	vmax.f32 v8, v5  }
0x161: {  	v8 =	vld [tilespmem:s6+$0x300];
	v14 =	vmax.f32 v4, v12;
	v6 =	vadd.f32 v13, v6;
	v0 =	vmax.f32 v0, v5  }
0x162: {  	v5 =	vld [tilespmem:s6+$0x380];
	v0 =	vmax.f32 v2, v0  }
0x163: {  	v2 =	vld [tilespmem:s6+$0x880];
	v13 =	vmax.f32 v1, v10;
	v6 =	vadd.f32 v6, v9;
	[tilespmem:s21+$0x800] =	vst v0  }
0x164: {  	v9 =	vld [tilespmem:s6+$0x900];
	v0 =	vmax.f32 v14, v13  }
0x165: {  	v13 =	vld [tilespmem:s6+$0x980];
	v14 =	vmax.f32 v11, v7;
	v3 =	vadd.f32 v6, v3  }
0x166: {  	v6 =	vld [tilespmem:s6+$0xA00]  }
0x167: {  	v15 =	vld [tilespmem:s6+$0xA80];
	v16 =	vmax.f32 v8, v5;
	v3 =	vmul.f32 $6.250000000e-02, v3  }
0x168: {  	s7 =	sor.u32 $0x800, s13;
	v17 =	vld [tilespmem:s6+$0xB00];
	v14 =	vmax.f32 v14, v16  }
0x169: {  	s11 =	sor.u32 s24, s7;
	s7 =	sor.u32 s26, s7;
	v16 =	vld [tilespmem:s6+$0xB80];
	v14 =	vmax.f32 v0, v14;
	[tilespmem:s20+$0x0] =	vst v3  }
0x16a: {  	v3 =	vld [tilespmem:s7+$0x0];
	v18 =	vmax.f32 v9, v13  }
0x16b: {  	v0 =	vld [tilespmem:s11+$0x0]  }
0x16c: {  	v12 =	vadd.f32 v12, v4;
	v1 =	vadd.f32 v10, v1;
	v19 =	vld [tilespmem:s0+$0x0];
	v10 =	vmax.f32 v6, v15  }
0x16d: {  	v7 =	vadd.f32 v7, v11;
	v5 =	vadd.f32 v5, v8;
	v20 =	vld [tilespmem:s0+$0x80]  }
0x16e: {  	v8 =	vadd.f32 v13, v9;
	v9 =	vadd.f32 v15, v6;
	v21 =	vld [tilespmem:s0+$0x100];
	v11 =	vmax.f32 v17, v16  }
0x16f: {  	v16 =	vadd.f32 v16, v17;
	v13 =	vld [tilespmem:s0+$0x180];
	v15 =	vadd.f32 v2, v3;
	v2 =	vmax.f32 v3, v2  }
0x170: {  	v1 =	vadd.f32 v1, v12;
	v3 =	vadd.f32 v5, v7;
	v4 =	vld [tilespmem:s0+$0x200];
	v2 =	vmax.f32 v2, v18  }
.Ltmp7:
0x171: {  	v7 =	vmax.f32 v10, v11;
	v12 =	vadd.f32 v16, v9;
	v6 =	vld [tilespmem:s0+$0x280];
	v8 =	vadd.f32 v8, v15;
	(pc) =	sbr.rel @p1 .LBB2_11-.Ltmp7, $4  }
0x172: {  	v2 =	vmax.f32 v2, v7;
	v5 =	vld [tilespmem:s0+$0x300];
	v9 =	vadd.f32 v20, v19;
	v10 =	vmax.f32 v19, v20  }
0x173: {  	v15 =	vadd.f32 v3, v1;
	v1 =	vmax.f32 v14, v2;
	v7 =	vld [tilespmem:s0+$0x380];
	v12 =	vadd.f32 v12, v8  }
0x174: {  	v8 =	vld [tilespmem:s0+$0x880];
	v11 =	vadd.f32 v13, v21;
	v2 =	vmax.f32 v21, v13  }
0x175: {  	s12 =	sadd.s32 $0x20, s12;
	s28 =	sadd.s32 $0x100, s28;
	s6 =	sshll.u32 s10, $0x3;
	v3 =	vld [tilespmem:s0+$0x900];
	v2 =	vmax.f32 v10, v2;
	v10 =	vadd.f32 v12, v15  }
0x176: {  	v12 =	vld [tilespmem:s0+$0x980]  }
0x177: {  	v13 =	vld [tilespmem:s0+$0xA00]  }
0x178: {  	v14 =	vld [tilespmem:s0+$0xA80]  }
0x179: {  	v15 =	vld [tilespmem:s0+$0xB00]  }
0x17a: {  	v16 =	vld [tilespmem:s0+$0xB80];
	_ =	sdelay $0x2  }
0x17b: {  	v17 =	vadd.f32 v6, v4;
	v18 =	vadd.f32 v7, v5  }
0x17c: {  	v19 =	vadd.f32 v8, v0;
	v20 =	vadd.f32 v12, v3  }
0x17d: {  	v21 =	vadd.f32 v14, v13;
	v22 =	vadd.f32 v16, v15  }
0x17e: {  	v9 =	vadd.f32 v11, v9;
	v51 =	vadd.f32 v18, v17  }
0x17f: {  	v52 =	vmax.f32 v4, v6;
	v53 =	vadd.f32 v20, v19;
	v54 =	vadd.f32 v22, v21  }
0x180: {  	v57 =	vmul.f32 $6.250000000e-02, v10;
	v55 =	vmax.f32 v5, v7;
	v56 =	vmax.f32 v0, v8  }
0x181: {  	s28 =	sand.u32 $0xFFFFFF80, s6;
	s29 =	sor.u32 $0x18000, s25;
	v4 =	vmax.f32 v52, v55;
	v58 =	vadd.f32 v51, v9;
	v6 =	vadd.f32 v54, v53  }
0x182: {  	s7 =	sadd.s32 s28, s29;
	v59 =	vmax.f32 v3, v12;
	v60 =	vmax.f32 v13, v14;
	v61 =	vmax.f32 v15, v16  }
0x183: {  	s11 =	sor.u32 s26, s29;
	s10 =	sor.u32 s26, s7;
	v0 =	vmax.f32 v56, v59;
	v62 =	vmax.f32 v60, v61;
	v5 =	vadd.f32 v6, v58  }
0x184: {  	s6 =	sor.u32 s24, s29;
	s30 =	sadd.s32 s28, s11;
	[tilespmem:s10+$0x0] =	vst v57;
	v2 =	vmax.f32 v2, v4;
	v0 =	vmax.f32 v0, v62  }
0x185: {  	s0 =	sadd.s32 s28, s6;
	[tilespmem:s30+$0x800] =	vst v1;
	v0 =	vmax.f32 v2, v0;
	v63 =	vmul.f32 $6.250000000e-02, v5  }
.Ltmp8:
0x186: {  	s31 =	sor.u32 s24, s7;
	[tilespmem:s0+$0x800] =	vst v0;
	(pc) =	sbr.rel .LBB2_13-.Ltmp8, $4  }
0x187: {  	[tilespmem:s31+$0x0] =	vst v63  }
0x188: {  	s0 =	rddreg [dreg:$0x5]  }
0x189: {  	s7 =	rddreg [dreg:$0x7]  }
0x18a: {  	[hbm4b:s0+s2] =	stream.linear.scatter [tilespmem:s15], [sflag:$0x4], $0x1000, $0x38;
	[tilespmem:$0x1B000] =	vst v63  }
.LBB2_14:
0x18b: {  	_ =	sfence.sel $0x180000  }
0x18c: {  	[bflag:$0x0] =	sbarrier.arrive $0xFFFF  }
0x18d: {  	_ =	strace $0x90000047  }
0x18e: {  	[bflag:$0x2] =	sbarrier.arrive $0xFFFF  }
0x18f: {  	s0 =	rddreg [dreg:$0x2]  }
0x190: {  	s0 =	sadd.s32 @!p0 $0x100000, s0  }
0x191: {  	[sflag:s0] =	ssyncadd.tile.s32 @!p0 $0x1;
	_ =	shalt  }
.Lfunc_end2:
_tile_overlayer_lowered:
.L_overlay_start_2:
0x192: {  	(tag) =	ssettag $0x2  }
0x193: {  	s0 =	rddreg [dreg:$0x0];
	s2 =	stileid.u32  }
0x194: {  	s1 =	rddreg [dreg:$0x1];
	p0 =	sne.s32 s2, $0x0  }
0x195: {  	s3 =	rddreg [dreg:$0x2];
	[bflag:$0x3] =	sbarrier.arrive $0xFFFF;
	s2 =	simm.s32 @!p0 $0x1C07  }
0x196: {  	[timem:s3], [sflag:s2] =	dma.local @!p0 [hbm:s0], s1  }
0x197: {  	s0 =	simm.s32 @!p0 $0x7  }
0x198: {  	_ =	swait.ge @!p0 [sflag:s0], s1  }
0x199: {  	s1 =	ssub.s32 @!p0 $0x0, s1;
	[sflag:s0] =	ssyncset.done @!p0 $0x0  }
0x19a: {  	[sflag:s0] =	ssyncadd.s32 @!p0 s1  }
0x19b: {  	[bflag:$0x3] =	sbarrier.arrive $0xFFFF  }
0x19c: {  	_ =	shalt  }

</sc_bundles>
